<compile_context>
chip_gen: v7x
topology: tpu7x:2x2x1
jax: 0.10.2.dev20260603
libtpu: 0.0.44.dev20260713+nightly
codegen_flags: <defaults>
</compile_context>

<pallas_src>
import functools

import jax
import jax.numpy as jnp
from jax import lax
from jax.experimental import pallas as pl
from jax.experimental.pallas import tpu as pltpu
from jax.experimental.pallas import tpu_sc as plsc

NUM_EMB = 100000
DIM = 128
BATCH = 4096
HIST = 200
TOTAL = BATCH * HIST

NC, NS = 2, 16
NW = NC * NS
PER_W = TOTAL // NW
CHUNK = 128
HALF = CHUNK // 2
NBUF = 4
N_CHUNKS = PER_W // CHUNK

_mesh = plsc.VectorSubcoreMesh(core_axis_name="c", subcore_axis_name="s")


@functools.partial(
    pl.kernel,
    out_type=jax.ShapeDtypeStruct((TOTAL, DIM), jnp.bfloat16),
    mesh=_mesh,
    scratch_types=[
        pltpu.VMEM((PER_W,), jnp.int32),
        pltpu.VMEM((NBUF, CHUNK, DIM), jnp.float32),
        pltpu.VMEM((NBUF, HALF, DIM), jnp.int32),
        pltpu.SemaphoreType.DMA,
        pltpu.SemaphoreType.DMA,
    ],
    compiler_params=pltpu.CompilerParams(needs_layout_passes=False),
)
def _sc_gather_cast(table_hbm, idx_hbm, out_hbm, idx_v, rows_v, pk_v,
                    gsem, ssem):
    wid = lax.axis_index("s") * NC + lax.axis_index("c")
    base = wid * PER_W
    pltpu.sync_copy(idx_hbm.at[pl.ds(base, PER_W)], idx_v)

    def pack_chunk(b):
        @plsc.parallel_loop(0, CHUNK // 16, unroll=2)
        def _group(q):
            r0 = pl.multiple_of(q * 16, 16)
            p0 = pl.multiple_of(q * 8, 8)
            win = rows_v.at[b, pl.ds(r0, 16)]
            pwin = pk_v.at[b, pl.ds(p0, 8)]
            for dp in range(8):
                for h in range(DIM // 16):
                    a = win[2 * dp, pl.ds(h * 16, 16)]
                    c = win[2 * dp + 1, pl.ds(h * 16, 16)]
                    w = plsc.bitcast(
                        plsc.pack(a, c, format=plsc.PackFormat.INTERLEAVED),
                        jnp.int32,
                    )
                    pwin[dp, pl.ds(h * 16, 16)] = w

    for b in range(NBUF):
        pltpu.async_copy(
            table_hbm.at[idx_v.at[pl.ds(b * CHUNK, CHUNK)]], rows_v.at[b],
            gsem,
        )

    def body(i, carry):
        b = lax.rem(i, NBUF)
        pltpu.make_async_copy(
            table_hbm.at[idx_v.at[pl.ds(0, CHUNK)]], rows_v.at[0], gsem
        ).wait()
        pack_chunk(b)
        pltpu.async_copy(
            pk_v.at[b].bitcast(jnp.bfloat16),
            out_hbm.at[pl.ds(base + i * CHUNK, CHUNK)],
            ssem,
        )

        @pl.when(i >= 1)
        def _drain_store():
            pltpu.make_async_copy(
                pk_v.at[0].bitcast(jnp.bfloat16),
                out_hbm.at[pl.ds(base, CHUNK)],
                ssem,
            ).wait()

        @pl.when(i + NBUF < N_CHUNKS)
        def _issue_next():
            off = (i + NBUF) * CHUNK
            pltpu.async_copy(
                table_hbm.at[idx_v.at[pl.ds(off, CHUNK)]], rows_v.at[b], gsem
            )

        return carry

    lax.fori_loop(0, N_CHUNKS, body, 0)
    pltpu.make_async_copy(
        pk_v.at[0].bitcast(jnp.bfloat16), out_hbm.at[pl.ds(base, CHUNK)], ssem
    ).wait()


def kernel(x, weight):
    idx_flat = x.reshape(TOTAL)
    out = _sc_gather_cast(weight, idx_flat)
    return out.reshape(BATCH, HIST, DIM)

# --- scband reference (transcript-rebuilt; emitter-appended) ---
"""Pipeline reference for scband-casted-sparse-embedding-9199819948527 (READ-ONLY COPY).

The authoritative reference and input builder live on the scoring server;
editing this copy changes nothing except your own understanding.
"""

import jax, jax.numpy as jnp
import numpy as np

NUM_EMBEDDINGS = 100000
EMBEDDING_DIM = 128
INIT_STD = 0.02
BATCH = 4096
HIST_LEN = 200


def setup_inputs(seed: int = 0) -> dict:
    key = jax.random.key(seed)
    k_idx, k_w = jax.random.split(key)
    x = jax.random.randint(k_idx, (BATCH, HIST_LEN), 0, NUM_EMBEDDINGS, dtype=jnp.int64 if jax.config.jax_enable_x64 else jnp.int32)
    # trunc_normal_(weight, std=init_std) with bounds [-2*std, 2*std]
    weight = jax.random.truncated_normal(k_w, -2.0, 2.0, (NUM_EMBEDDINGS, EMBEDDING_DIM), dtype=jnp.float32) * INIT_STD
    return {"x": x, "weight": weight}


def reference(x, weight):
    # forward: F.embedding(x, self.weight.to(self.cast_to)) with cast_to=bfloat16
    w_cast = weight.astype(jnp.bfloat16)
    return jnp.take(w_cast, x, axis=0)

if __name__ == "__main__":
    import jax
    _d = setup_inputs()
    print(jax.jit(kernel)(*tuple(_d.values())))

</pallas_src>

<mosaic_0001>
#map = affine_map<(d0, d1) -> (0, 0)>
#map1 = affine_map<(d0, d1) -> (0)>
module attributes {stable_mosaic.version = 14 : i64} {
  func.func @_sc_gather_cast(%arg0: i32, %arg1: i32, %arg2: memref<100000x128xf32, #tpu.memory_space<hbm>>, %arg3: memref<819200xi32, #tpu.memory_space<hbm>>, %arg4: memref<819200x128xbf16, #tpu.memory_space<hbm>>, %arg5: memref<25600xi32, #tpu.memory_space<vmem>>, %arg6: memref<4x128x128xf32, #tpu.memory_space<vmem>>, %arg7: memref<4x64x128xi32, #tpu.memory_space<vmem>>, %arg8: memref<!tpu.dma_semaphore, #tpu.memory_space<semaphore_mem>>, %arg9: memref<!tpu.dma_semaphore, #tpu.memory_space<semaphore_mem>>) attributes {dimension_semantics = [#tpu.dimension_semantics<core_parallel>, #tpu.dimension_semantics<subcore_parallel>], iteration_bounds = array<i64: 2, 16>, scalar_prefetch = 0 : i64, scratch_operands = 5 : i64, tpu.core_type = #tpu.core_type<sc_vector_subcore>, window_params = [{transform_indices = #map}, {transform_indices = #map1}, {transform_indices = #map}]} {
    %mul3A = arith.constant 2 : i32
    %mul3A_0 = arith.muli %arg1, %mul3A : i32
    %add3A = arith.addi %mul3A_0, %arg0 : i32
    %mul3A_1 = arith.constant 25600 : i32
    %mul3A_2 = arith.muli %add3A, %mul3A_1 : i32
    "tpu.region"() ({
      %run_scoped3A = tpu.sem_alloc : memref<!tpu.dma_semaphore, #tpu.memory_space<semaphore_mem>>
      %dma_start3A_61 = tpu.memref_slice %arg3[%mul3A_2] : memref<819200xi32, #tpu.memory_space<hbm>> -> memref<25600xi32, #tpu.memory_space<hbm>>
      %dma_start3A_62 = tpu.memref_slice %arg3[%mul3A_2] : memref<819200xi32, #tpu.memory_space<hbm>> -> memref<25600xi32, #tpu.memory_space<hbm>>
      tpu.enqueue_dma source(%dma_start3A_62 : memref<25600xi32, #tpu.memory_space<hbm>>) target(%arg5 : memref<25600xi32, #tpu.memory_space<vmem>>) target_semaphore(%run_scoped3A : memref<!tpu.dma_semaphore, #tpu.memory_space<semaphore_mem>>)
      %dma_wait3A_63 = tpu.memref_slice %arg3[%mul3A_2] : memref<819200xi32, #tpu.memory_space<hbm>> -> memref<25600xi32, #tpu.memory_space<hbm>>
      %dma_wait3A_64 = tpu.memref_slice %arg3[%mul3A_2] : memref<819200xi32, #tpu.memory_space<hbm>> -> memref<25600xi32, #tpu.memory_space<hbm>>
      tpu.wait_dma2 semaphore(%run_scoped3A : memref<!tpu.dma_semaphore, #tpu.memory_space<semaphore_mem>>) src(%dma_wait3A_64 : memref<25600xi32, #tpu.memory_space<hbm>>) dst(%arg5 : memref<25600xi32, #tpu.memory_space<vmem>>)
      tpu.yield
    }) : () -> ()
    %dma_start3A = arith.constant 0 : i32
    %dma_start3A_3 = arith.constant 0 : i32
    %dma_start3A_4 = arith.constant 0 : i32
    %dma_start3A_5 = tpu.memref_slice %arg6[%dma_start3A, %dma_start3A_3, %dma_start3A_4] : memref<4x128x128xf32, #tpu.memory_space<vmem>> -> memref<1x128x128xf32, #tpu.memory_space<vmem>>
    %dma_start3A_6 = tpu.memref_squeeze %dma_start3A_5 : memref<1x128x128xf32, #tpu.memory_space<vmem>> -> memref<128x128xf32, #tpu.memory_space<vmem>>
    %dma_start3A_7 = arith.constant 0 : i32
    %dma_start3A_8 = tpu.memref_slice %arg5[%dma_start3A_7] : memref<25600xi32, #tpu.memory_space<vmem>> -> memref<128xi32, #tpu.memory_space<vmem>>
    %dma_start3A_9 = arith.constant 0 : i32
    %dma_start3A_10 = arith.constant 0 : i32
    %dma_start3A_11 = tpu.memref_slice %arg2[%dma_start3A_9, %dma_start3A_10] : memref<100000x128xf32, #tpu.memory_space<hbm>> -> memref<100000x128xf32, #tpu.memory_space<hbm>>
    tpu.enqueue_indirect_dma source(%dma_start3A_11 : memref<100000x128xf32, #tpu.memory_space<hbm>>) target(%dma_start3A_6 : memref<128x128xf32, #tpu.memory_space<vmem>>) offsets(%dma_start3A_8 : memref<128xi32, #tpu.memory_space<vmem>>) semaphore(%arg8 : memref<!tpu.dma_semaphore, #tpu.memory_space<semaphore_mem>>)
    %dma_start3A_12 = arith.constant 1 : i32
    %dma_start3A_13 = arith.constant 0 : i32
    %dma_start3A_14 = arith.constant 0 : i32
    %dma_start3A_15 = tpu.memref_slice %arg6[%dma_start3A_12, %dma_start3A_13, %dma_start3A_14] : memref<4x128x128xf32, #tpu.memory_space<vmem>> -> memref<1x128x128xf32, #tpu.memory_space<vmem>>
    %dma_start3A_16 = tpu.memref_squeeze %dma_start3A_15 : memref<1x128x128xf32, #tpu.memory_space<vmem>> -> memref<128x128xf32, #tpu.memory_space<vmem>>
    %dma_start3A_17 = arith.constant 128 : i32
    %dma_start3A_18 = tpu.memref_slice %arg5[%dma_start3A_17] : memref<25600xi32, #tpu.memory_space<vmem>> -> memref<128xi32, #tpu.memory_space<vmem>>
    %dma_start3A_19 = arith.constant 0 : i32
    %dma_start3A_20 = arith.constant 0 : i32
    %dma_start3A_21 = tpu.memref_slice %arg2[%dma_start3A_19, %dma_start3A_20] : memref<100000x128xf32, #tpu.memory_space<hbm>> -> memref<100000x128xf32, #tpu.memory_space<hbm>>
    tpu.enqueue_indirect_dma source(%dma_start3A_21 : memref<100000x128xf32, #tpu.memory_space<hbm>>) target(%dma_start3A_16 : memref<128x128xf32, #tpu.memory_space<vmem>>) offsets(%dma_start3A_18 : memref<128xi32, #tpu.memory_space<vmem>>) semaphore(%arg8 : memref<!tpu.dma_semaphore, #tpu.memory_space<semaphore_mem>>)
    %dma_start3A_22 = arith.constant 2 : i32
    %dma_start3A_23 = arith.constant 0 : i32
    %dma_start3A_24 = arith.constant 0 : i32
    %dma_start3A_25 = tpu.memref_slice %arg6[%dma_start3A_22, %dma_start3A_23, %dma_start3A_24] : memref<4x128x128xf32, #tpu.memory_space<vmem>> -> memref<1x128x128xf32, #tpu.memory_space<vmem>>
    %dma_start3A_26 = tpu.memref_squeeze %dma_start3A_25 : memref<1x128x128xf32, #tpu.memory_space<vmem>> -> memref<128x128xf32, #tpu.memory_space<vmem>>
    %dma_start3A_27 = arith.constant 256 : i32
    %dma_start3A_28 = tpu.memref_slice %arg5[%dma_start3A_27] : memref<25600xi32, #tpu.memory_space<vmem>> -> memref<128xi32, #tpu.memory_space<vmem>>
    %dma_start3A_29 = arith.constant 0 : i32
    %dma_start3A_30 = arith.constant 0 : i32
    %dma_start3A_31 = tpu.memref_slice %arg2[%dma_start3A_29, %dma_start3A_30] : memref<100000x128xf32, #tpu.memory_space<hbm>> -> memref<100000x128xf32, #tpu.memory_space<hbm>>
    tpu.enqueue_indirect_dma source(%dma_start3A_31 : memref<100000x128xf32, #tpu.memory_space<hbm>>) target(%dma_start3A_26 : memref<128x128xf32, #tpu.memory_space<vmem>>) offsets(%dma_start3A_28 : memref<128xi32, #tpu.memory_space<vmem>>) semaphore(%arg8 : memref<!tpu.dma_semaphore, #tpu.memory_space<semaphore_mem>>)
    %dma_start3A_32 = arith.constant 3 : i32
    %dma_start3A_33 = arith.constant 0 : i32
    %dma_start3A_34 = arith.constant 0 : i32
    %dma_start3A_35 = tpu.memref_slice %arg6[%dma_start3A_32, %dma_start3A_33, %dma_start3A_34] : memref<4x128x128xf32, #tpu.memory_space<vmem>> -> memref<1x128x128xf32, #tpu.memory_space<vmem>>
    %dma_start3A_36 = tpu.memref_squeeze %dma_start3A_35 : memref<1x128x128xf32, #tpu.memory_space<vmem>> -> memref<128x128xf32, #tpu.memory_space<vmem>>
    %dma_start3A_37 = arith.constant 384 : i32
    %dma_start3A_38 = tpu.memref_slice %arg5[%dma_start3A_37] : memref<25600xi32, #tpu.memory_space<vmem>> -> memref<128xi32, #tpu.memory_space<vmem>>
    %dma_start3A_39 = arith.constant 0 : i32
    %dma_start3A_40 = arith.constant 0 : i32
    %dma_start3A_41 = tpu.memref_slice %arg2[%dma_start3A_39, %dma_start3A_40] : memref<100000x128xf32, #tpu.memory_space<hbm>> -> memref<100000x128xf32, #tpu.memory_space<hbm>>
    tpu.enqueue_indirect_dma source(%dma_start3A_41 : memref<100000x128xf32, #tpu.memory_space<hbm>>) target(%dma_start3A_36 : memref<128x128xf32, #tpu.memory_space<vmem>>) offsets(%dma_start3A_38 : memref<128xi32, #tpu.memory_space<vmem>>) semaphore(%arg8 : memref<!tpu.dma_semaphore, #tpu.memory_space<semaphore_mem>>)
    %scan3A = arith.constant 0 : i32
    %scan3A_42 = arith.constant 0 : i32
    %scan3A_43 = arith.constant 200 : i32
    %scan3A_44 = arith.addi %scan3A_42, %scan3A_43 : i32
    %scan3A_45 = arith.constant 1 : i32
    scf.for %scan3A_61 = %scan3A_42 to %scan3A_44 step %scan3A_45  : i32 {
      %rem3A = arith.constant 4 : i32
      %rem3A_62 = arith.remsi %scan3A_61, %rem3A : i32
      %dma_wait3A_63 = arith.constant 0 : i32
      %dma_wait3A_64 = arith.constant 0 : i32
      %dma_wait3A_65 = arith.constant 0 : i32
      %dma_wait3A_66 = tpu.memref_slice %arg6[%dma_wait3A_63, %dma_wait3A_64, %dma_wait3A_65] : memref<4x128x128xf32, #tpu.memory_space<vmem>> -> memref<1x128x128xf32, #tpu.memory_space<vmem>>
      %dma_wait3A_67 = tpu.memref_squeeze %dma_wait3A_66 : memref<1x128x128xf32, #tpu.memory_space<vmem>> -> memref<128x128xf32, #tpu.memory_space<vmem>>
      %dma_wait3A_68 = arith.constant 0 : i32
      %dma_wait3A_69 = tpu.memref_slice %arg5[%dma_wait3A_68] : memref<25600xi32, #tpu.memory_space<vmem>> -> memref<128xi32, #tpu.memory_space<vmem>>
      %dma_wait3A_70 = arith.constant 0 : i32
      %dma_wait3A_71 = arith.constant 0 : i32
      %dma_wait3A_72 = tpu.memref_slice %arg2[%dma_wait3A_70, %dma_wait3A_71] : memref<100000x128xf32, #tpu.memory_space<hbm>> -> memref<100000x128xf32, #tpu.memory_space<hbm>>
      tpu.wait_indirect_dma semaphore(%arg8 : memref<!tpu.dma_semaphore, #tpu.memory_space<semaphore_mem>>) src(%dma_wait3A_72 : memref<100000x128xf32, #tpu.memory_space<hbm>>) dst(%dma_wait3A_67 : memref<128x128xf32, #tpu.memory_space<vmem>>)
      %parallel_loop3A = arith.constant 0 : i32
      %parallel_loop3A_73 = arith.constant 8 : i32
      %parallel_loop3A_74 = arith.constant 1 : i32
      scf.for %parallel_loop3A_100 = %parallel_loop3A to %parallel_loop3A_73 step %parallel_loop3A_74  : i32 {
        %parallel_loop3A_101 = arith.constant 16 : i32
        %parallel_loop3A_102 = arith.muli %parallel_loop3A_100, %parallel_loop3A_101 : i32
        %parallel_loop3A_103 = tpu.assume_multiple %parallel_loop3A_102, 16 : i32
        %parallel_loop3A_104 = arith.constant 8 : i32
        %parallel_loop3A_105 = arith.muli %parallel_loop3A_100, %parallel_loop3A_104 : i32
        %parallel_loop3A_106 = tpu.assume_multiple %parallel_loop3A_105, 8 : i32
        %parallel_loop3A_107 = arith.constant 0 : i32
        %parallel_loop3A_108 = arith.constant 0 : i32
        %parallel_loop3A_109 = tpu.memref_slice %arg6[%rem3A_62, %parallel_loop3A_103, %parallel_loop3A_108] : memref<4x128x128xf32, #tpu.memory_space<vmem>> -> memref<1x16x128xf32, #tpu.memory_space<vmem>>
        %parallel_loop3A_110 = tpu.memref_squeeze %parallel_loop3A_109 : memref<1x16x128xf32, #tpu.memory_space<vmem>> -> memref<16x128xf32, #tpu.memory_space<vmem>>
        %parallel_loop3A_111 = arith.index_cast %parallel_loop3A_107 : i32 to index
        %parallel_loop3A_112 = arith.constant 0 : index
        %parallel_loop3A_113 = tpu.vector_load %parallel_loop3A_110[%parallel_loop3A_111, %parallel_loop3A_112] {strides = array<i32>} : memref<16x128xf32, #tpu.memory_space<vmem>>, vector<16xf32>,
        %parallel_loop3A_114 = arith.constant 1 : i32
        %parallel_loop3A_115 = arith.constant 0 : i32
        %parallel_loop3A_116 = tpu.memref_slice %arg6[%rem3A_62, %parallel_loop3A_103, %parallel_loop3A_115] : memref<4x128x128xf32, #tpu.memory_space<vmem>> -> memref<1x16x128xf32, #tpu.memory_space<vmem>>
        %parallel_loop3A_117 = tpu.memref_squeeze %parallel_loop3A_116 : memref<1x16x128xf32, #tpu.memory_space<vmem>> -> memref<16x128xf32, #tpu.memory_space<vmem>>
        %parallel_loop3A_118 = arith.index_cast %parallel_loop3A_114 : i32 to index
        %parallel_loop3A_119 = arith.constant 0 : index
        %parallel_loop3A_120 = tpu.vector_load %parallel_loop3A_117[%parallel_loop3A_118, %parallel_loop3A_119] {strides = array<i32>} : memref<16x128xf32, #tpu.memory_space<vmem>>, vector<16xf32>,
        %parallel_loop3A_121 = tpu.pack_subelements %parallel_loop3A_113, %parallel_loop3A_120 {pack_format = #tpu.pack_format<interleaved>, positions = array<i32: 0, 1>} : vector<16xf32>, vector<16xf32> -> vector<32xbf16>
        %parallel_loop3A_122 = vector.bitcast %parallel_loop3A_121 : vector<32xbf16> to vector<16xi32>
        %parallel_loop3A_123 = arith.constant 0 : i32
        %parallel_loop3A_124 = arith.constant 0 : i32
        %parallel_loop3A_125 = tpu.memref_slice %arg7[%rem3A_62, %parallel_loop3A_106, %parallel_loop3A_124] : memref<4x64x128xi32, #tpu.memory_space<vmem>> -> memref<1x8x128xi32, #tpu.memory_space<vmem>>
        %parallel_loop3A_126 = tpu.memref_squeeze %parallel_loop3A_125 : memref<1x8x128xi32, #tpu.memory_space<vmem>> -> memref<8x128xi32, #tpu.memory_space<vmem>>
        %parallel_loop3A_127 = arith.index_cast %parallel_loop3A_123 : i32 to index
        %parallel_loop3A_128 = arith.constant 0 : index
        %parallel_loop3A_129 = tpu.vector_load %parallel_loop3A_126[%parallel_loop3A_127, %parallel_loop3A_128] {strides = array<i32>} : memref<8x128xi32, #tpu.memory_space<vmem>>, vector<16xi32>,
        tpu.vector_store %parallel_loop3A_126[%parallel_loop3A_127, %parallel_loop3A_128], %parallel_loop3A_122 {strides = array<i32>} : memref<8x128xi32, #tpu.memory_space<vmem>>, vector<16xi32>,
        %parallel_loop3A_130 = arith.constant 0 : i32
        %parallel_loop3A_131 = arith.constant 0 : i32
        %parallel_loop3A_132 = tpu.memref_slice %arg6[%rem3A_62, %parallel_loop3A_103, %parallel_loop3A_131] : memref<4x128x128xf32, #tpu.memory_space<vmem>> -> memref<1x16x128xf32, #tpu.memory_space<vmem>>
        %parallel_loop3A_133 = tpu.memref_squeeze %parallel_loop3A_132 : memref<1x16x128xf32, #tpu.memory_space<vmem>> -> memref<16x128xf32, #tpu.memory_space<vmem>>
        %parallel_loop3A_134 = arith.index_cast %parallel_loop3A_130 : i32 to index
        %parallel_loop3A_135 = arith.constant 16 : index
        %parallel_loop3A_136 = tpu.vector_load %parallel_loop3A_133[%parallel_loop3A_134, %parallel_loop3A_135] {strides = array<i32>} : memref<16x128xf32, #tpu.memory_space<vmem>>, vector<16xf32>,
        %parallel_loop3A_137 = arith.constant 1 : i32
        %parallel_loop3A_138 = arith.constant 0 : i32
        %parallel_loop3A_139 = tpu.memref_slice %arg6[%rem3A_62, %parallel_loop3A_103, %parallel_loop3A_138] : memref<4x128x128xf32, #tpu.memory_space<vmem>> -> memref<1x16x128xf32, #tpu.memory_space<vmem>>
        %parallel_loop3A_140 = tpu.memref_squeeze %parallel_loop3A_139 : memref<1x16x128xf32, #tpu.memory_space<vmem>> -> memref<16x128xf32, #tpu.memory_space<vmem>>
        %parallel_loop3A_141 = arith.index_cast %parallel_loop3A_137 : i32 to index
        %parallel_loop3A_142 = arith.constant 16 : index
        %parallel_loop3A_143 = tpu.vector_load %parallel_loop3A_140[%parallel_loop3A_141, %parallel_loop3A_142] {strides = array<i32>} : memref<16x128xf32, #tpu.memory_space<vmem>>, vector<16xf32>,
        %parallel_loop3A_144 = tpu.pack_subelements %parallel_loop3A_136, %parallel_loop3A_143 {pack_format = #tpu.pack_format<interleaved>, positions = array<i32: 0, 1>} : vector<16xf32>, vector<16xf32> -> vector<32xbf16>
        %parallel_loop3A_145 = vector.bitcast %parallel_loop3A_144 : vector<32xbf16> to vector<16xi32>
        %parallel_loop3A_146 = arith.constant 0 : i32
        %parallel_loop3A_147 = arith.constant 0 : i32
        %parallel_loop3A_148 = tpu.memref_slice %arg7[%rem3A_62, %parallel_loop3A_106, %parallel_loop3A_147] : memref<4x64x128xi32, #tpu.memory_space<vmem>> -> memref<1x8x128xi32, #tpu.memory_space<vmem>>
        %parallel_loop3A_149 = tpu.memref_squeeze %parallel_loop3A_148 : memref<1x8x128xi32, #tpu.memory_space<vmem>> -> memref<8x128xi32, #tpu.memory_space<vmem>>
        %parallel_loop3A_150 = arith.index_cast %parallel_loop3A_146 : i32 to index
        %parallel_loop3A_151 = arith.constant 16 : index
        %parallel_loop3A_152 = tpu.vector_load %parallel_loop3A_149[%parallel_loop3A_150, %parallel_loop3A_151] {strides = array<i32>} : memref<8x128xi32, #tpu.memory_space<vmem>>, vector<16xi32>,
        tpu.vector_store %parallel_loop3A_149[%parallel_loop3A_150, %parallel_loop3A_151], %parallel_loop3A_145 {strides = array<i32>} : memref<8x128xi32, #tpu.memory_space<vmem>>, vector<16xi32>,
        %parallel_loop3A_153 = arith.constant 0 : i32
        %parallel_loop3A_154 = arith.constant 0 : i32
        %parallel_loop3A_155 = tpu.memref_slice %arg6[%rem3A_62, %parallel_loop3A_103, %parallel_loop3A_154] : memref<4x128x128xf32, #tpu.memory_space<vmem>> -> memref<1x16x128xf32, #tpu.memory_space<vmem>>
        %parallel_loop3A_156 = tpu.memref_squeeze %parallel_loop3A_155 : memref<1x16x128xf32, #tpu.memory_space<vmem>> -> memref<16x128xf32, #tpu.memory_space<vmem>>
        %parallel_loop3A_157 = arith.index_cast %parallel_loop3A_153 : i32 to index
        %parallel_loop3A_158 = arith.constant 32 : index
        %parallel_loop3A_159 = tpu.vector_load %parallel_loop3A_156[%parallel_loop3A_157, %parallel_loop3A_158] {strides = array<i32>} : memref<16x128xf32, #tpu.memory_space<vmem>>, vector<16xf32>,
        %parallel_loop3A_160 = arith.constant 1 : i32
        %parallel_loop3A_161 = arith.constant 0 : i32
        %parallel_loop3A_162 = tpu.memref_slice %arg6[%rem3A_62, %parallel_loop3A_103, %parallel_loop3A_161] : memref<4x128x128xf32, #tpu.memory_space<vmem>> -> memref<1x16x128xf32, #tpu.memory_space<vmem>>
        %parallel_loop3A_163 = tpu.memref_squeeze %parallel_loop3A_162 : memref<1x16x128xf32, #tpu.memory_space<vmem>> -> memref<16x128xf32, #tpu.memory_space<vmem>>
        %parallel_loop3A_164 = arith.index_cast %parallel_loop3A_160 : i32 to index
        %parallel_loop3A_165 = arith.constant 32 : index
        %parallel_loop3A_166 = tpu.vector_load %parallel_loop3A_163[%parallel_loop3A_164, %parallel_loop3A_165] {strides = array<i32>} : memref<16x128xf32, #tpu.memory_space<vmem>>, vector<16xf32>,
        %parallel_loop3A_167 = tpu.pack_subelements %parallel_loop3A_159, %parallel_loop3A_166 {pack_format = #tpu.pack_format<interleaved>, positions = array<i32: 0, 1>} : vector<16xf32>, vector<16xf32> -> vector<32xbf16>
        %parallel_loop3A_168 = vector.bitcast %parallel_loop3A_167 : vector<32xbf16> to vector<16xi32>
        %parallel_loop3A_169 = arith.constant 0 : i32
        %parallel_loop3A_170 = arith.constant 0 : i32
        %parallel_loop3A_171 = tpu.memref_slice %arg7[%rem3A_62, %parallel_loop3A_106, %parallel_loop3A_170] : memref<4x64x128xi32, #tpu.memory_space<vmem>> -> memref<1x8x128xi32, #tpu.memory_space<vmem>>
        %parallel_loop3A_172 = tpu.memref_squeeze %parallel_loop3A_171 : memref<1x8x128xi32, #tpu.memory_space<vmem>> -> memref<8x128xi32, #tpu.memory_space<vmem>>
        %parallel_loop3A_173 = arith.index_cast %parallel_loop3A_169 : i32 to index
        %parallel_loop3A_174 = arith.constant 32 : index
        %parallel_loop3A_175 = tpu.vector_load %parallel_loop3A_172[%parallel_loop3A_173, %parallel_loop3A_174] {strides = array<i32>} : memref<8x128xi32, #tpu.memory_space<vmem>>, vector<16xi32>,
        tpu.vector_store %parallel_loop3A_172[%parallel_loop3A_173, %parallel_loop3A_174], %parallel_loop3A_168 {strides = array<i32>} : memref<8x128xi32, #tpu.memory_space<vmem>>, vector<16xi32>,
        %parallel_loop3A_176 = arith.constant 0 : i32
        %parallel_loop3A_177 = arith.constant 0 : i32
        %parallel_loop3A_178 = tpu.memref_slice %arg6[%rem3A_62, %parallel_loop3A_103, %parallel_loop3A_177] : memref<4x128x128xf32, #tpu.memory_space<vmem>> -> memref<1x16x128xf32, #tpu.memory_space<vmem>>
        %parallel_loop3A_179 = tpu.memref_squeeze %parallel_loop3A_178 : memref<1x16x128xf32, #tpu.memory_space<vmem>> -> memref<16x128xf32, #tpu.memory_space<vmem>>
        %parallel_loop3A_180 = arith.index_cast %parallel_loop3A_176 : i32 to index
        %parallel_loop3A_181 = arith.constant 48 : index
        %parallel_loop3A_182 = tpu.vector_load %parallel_loop3A_179[%parallel_loop3A_180, %parallel_loop3A_181] {strides = array<i32>} : memref<16x128xf32, #tpu.memory_space<vmem>>, vector<16xf32>,
        %parallel_loop3A_183 = arith.constant 1 : i32
        %parallel_loop3A_184 = arith.constant 0 : i32
        %parallel_loop3A_185 = tpu.memref_slice %arg6[%rem3A_62, %parallel_loop3A_103, %parallel_loop3A_184] : memref<4x128x128xf32, #tpu.memory_space<vmem>> -> memref<1x16x128xf32, #tpu.memory_space<vmem>>
        %parallel_loop3A_186 = tpu.memref_squeeze %parallel_loop3A_185 : memref<1x16x128xf32, #tpu.memory_space<vmem>> -> memref<16x128xf32, #tpu.memory_space<vmem>>
        %parallel_loop3A_187 = arith.index_cast %parallel_loop3A_183 : i32 to index
        %parallel_loop3A_188 = arith.constant 48 : index
        %parallel_loop3A_189 = tpu.vector_load %parallel_loop3A_186[%parallel_loop3A_187, %parallel_loop3A_188] {strides = array<i32>} : memref<16x128xf32, #tpu.memory_space<vmem>>, vector<16xf32>,
        %parallel_loop3A_190 = tpu.pack_subelements %parallel_loop3A_182, %parallel_loop3A_189 {pack_format = #tpu.pack_format<interleaved>, positions = array<i32: 0, 1>} : vector<16xf32>, vector<16xf32> -> vector<32xbf16>
        %parallel_loop3A_191 = vector.bitcast %parallel_loop3A_190 : vector<32xbf16> to vector<16xi32>
        %parallel_loop3A_192 = arith.constant 0 : i32
        %parallel_loop3A_193 = arith.constant 0 : i32
        %parallel_loop3A_194 = tpu.memref_slice %arg7[%rem3A_62, %parallel_loop3A_106, %parallel_loop3A_193] : memref<4x64x128xi32, #tpu.memory_space<vmem>> -> memref<1x8x128xi32, #tpu.memory_space<vmem>>
        %parallel_loop3A_195 = tpu.memref_squeeze %parallel_loop3A_194 : memref<1x8x128xi32, #tpu.memory_space<vmem>> -> memref<8x128xi32, #tpu.memory_space<vmem>>
        %parallel_loop3A_196 = arith.index_cast %parallel_loop3A_192 : i32 to index
        %parallel_loop3A_197 = arith.constant 48 : index
        %parallel_loop3A_198 = tpu.vector_load %parallel_loop3A_195[%parallel_loop3A_196, %parallel_loop3A_197] {strides = array<i32>} : memref<8x128xi32, #tpu.memory_space<vmem>>, vector<16xi32>,
        tpu.vector_store %parallel_loop3A_195[%parallel_loop3A_196, %parallel_loop3A_197], %parallel_loop3A_191 {strides = array<i32>} : memref<8x128xi32, #tpu.memory_space<vmem>>, vector<16xi32>,
        %parallel_loop3A_199 = arith.constant 0 : i32
        %parallel_loop3A_200 = arith.constant 0 : i32
        %parallel_loop3A_201 = tpu.memref_slice %arg6[%rem3A_62, %parallel_loop3A_103, %parallel_loop3A_200] : memref<4x128x128xf32, #tpu.memory_space<vmem>> -> memref<1x16x128xf32, #tpu.memory_space<vmem>>
        %parallel_loop3A_202 = tpu.memref_squeeze %parallel_loop3A_201 : memref<1x16x128xf32, #tpu.memory_space<vmem>> -> memref<16x128xf32, #tpu.memory_space<vmem>>
        %parallel_loop3A_203 = arith.index_cast %parallel_loop3A_199 : i32 to index
        %parallel_loop3A_204 = arith.constant 64 : index
        %parallel_loop3A_205 = tpu.vector_load %parallel_loop3A_202[%parallel_loop3A_203, %parallel_loop3A_204] {strides = array<i32>} : memref<16x128xf32, #tpu.memory_space<vmem>>, vector<16xf32>,
        %parallel_loop3A_206 = arith.constant 1 : i32
        %parallel_loop3A_207 = arith.constant 0 : i32
        %parallel_loop3A_208 = tpu.memref_slice %arg6[%rem3A_62, %parallel_loop3A_103, %parallel_loop3A_207] : memref<4x128x128xf32, #tpu.memory_space<vmem>> -> memref<1x16x128xf32, #tpu.memory_space<vmem>>
        %parallel_loop3A_209 = tpu.memref_squeeze %parallel_loop3A_208 : memref<1x16x128xf32, #tpu.memory_space<vmem>> -> memref<16x128xf32, #tpu.memory_space<vmem>>
        %parallel_loop3A_210 = arith.index_cast %parallel_loop3A_206 : i32 to index
        %parallel_loop3A_211 = arith.constant 64 : index
        %parallel_loop3A_212 = tpu.vector_load %parallel_loop3A_209[%parallel_loop3A_210, %parallel_loop3A_211] {strides = array<i32>} : memref<16x128xf32, #tpu.memory_space<vmem>>, vector<16xf32>,
        %parallel_loop3A_213 = tpu.pack_subelements %parallel_loop3A_205, %parallel_loop3A_212 {pack_format = #tpu.pack_format<interleaved>, positions = array<i32: 0, 1>} : vector<16xf32>, vector<16xf32> -> vector<32xbf16>
        %parallel_loop3A_214 = vector.bitcast %parallel_loop3A_213 : vector<32xbf16> to vector<16xi32>
        %parallel_loop3A_215 = arith.constant 0 : i32
        %parallel_loop3A_216 = arith.constant 0 : i32
        %parallel_loop3A_217 = tpu.memref_slice %arg7[%rem3A_62, %parallel_loop3A_106, %parallel_loop3A_216] : memref<4x64x128xi32, #tpu.memory_space<vmem>> -> memref<1x8x128xi32, #tpu.memory_space<vmem>>
        %parallel_loop3A_218 = tpu.memref_squeeze %parallel_loop3A_217 : memref<1x8x128xi32, #tpu.memory_space<vmem>> -> memref<8x128xi32, #tpu.memory_space<vmem>>
        %parallel_loop3A_219 = arith.index_cast %parallel_loop3A_215 : i32 to index
        %parallel_loop3A_220 = arith.constant 64 : index
        %parallel_loop3A_221 = tpu.vector_load %parallel_loop3A_218[%parallel_loop3A_219, %parallel_loop3A_220] {strides = array<i32>} : memref<8x128xi32, #tpu.memory_space<vmem>>, vector<16xi32>,
        tpu.vector_store %parallel_loop3A_218[%parallel_loop3A_219, %parallel_loop3A_220], %parallel_loop3A_214 {strides = array<i32>} : memref<8x128xi32, #tpu.memory_space<vmem>>, vector<16xi32>,
        %parallel_loop3A_222 = arith.constant 0 : i32
        %parallel_loop3A_223 = arith.constant 0 : i32
        %parallel_loop3A_224 = tpu.memref_slice %arg6[%rem3A_62, %parallel_loop3A_103, %parallel_loop3A_223] : memref<4x128x128xf32, #tpu.memory_space<vmem>> -> memref<1x16x128xf32, #tpu.memory_space<vmem>>
        %parallel_loop3A_225 = tpu.memref_squeeze %parallel_loop3A_224 : memref<1x16x128xf32, #tpu.memory_space<vmem>> -> memref<16x128xf32, #tpu.memory_space<vmem>>
        %parallel_loop3A_226 = arith.index_cast %parallel_loop3A_222 : i32 to index
        %parallel_loop3A_227 = arith.constant 80 : index
        %parallel_loop3A_228 = tpu.vector_load %parallel_loop3A_225[%parallel_loop3A_226, %parallel_loop3A_227] {strides = array<i32>} : memref<16x128xf32, #tpu.memory_space<vmem>>, vector<16xf32>,
        %parallel_loop3A_229 = arith.constant 1 : i32
        %parallel_loop3A_230 = arith.constant 0 : i32
        %parallel_loop3A_231 = tpu.memref_slice %arg6[%rem3A_62, %parallel_loop3A_103, %parallel_loop3A_230] : memref<4x128x128xf32, #tpu.memory_space<vmem>> -> memref<1x16x128xf32, #tpu.memory_space<vmem>>
        %parallel_loop3A_232 = tpu.memref_squeeze %parallel_loop3A_231 : memref<1x16x128xf32, #tpu.memory_space<vmem>> -> memref<16x128xf32, #tpu.memory_space<vmem>>
        %parallel_loop3A_233 = arith.index_cast %parallel_loop3A_229 : i32 to index
        %parallel_loop3A_234 = arith.constant 80 : index
        %parallel_loop3A_235 = tpu.vector_load %parallel_loop3A_232[%parallel_loop3A_233, %parallel_loop3A_234] {strides = array<i32>} : memref<16x128xf32, #tpu.memory_space<vmem>>, vector<16xf32>,
        %parallel_loop3A_236 = tpu.pack_subelements %parallel_loop3A_228, %parallel_loop3A_235 {pack_format = #tpu.pack_format<interleaved>, positions = array<i32: 0, 1>} : vector<16xf32>, vector<16xf32> -> vector<32xbf16>
        %parallel_loop3A_237 = vector.bitcast %parallel_loop3A_236 : vector<32xbf16> to vector<16xi32>
        %parallel_loop3A_238 = arith.constant 0 : i32
        %parallel_loop3A_239 = arith.constant 0 : i32
        %parallel_loop3A_240 = tpu.memref_slice %arg7[%rem3A_62, %parallel_loop3A_106, %parallel_loop3A_239] : memref<4x64x128xi32, #tpu.memory_space<vmem>> -> memref<1x8x128xi32, #tpu.memory_space<vmem>>
        %parallel_loop3A_241 = tpu.memref_squeeze %parallel_loop3A_240 : memref<1x8x128xi32, #tpu.memory_space<vmem>> -> memref<8x128xi32, #tpu.memory_space<vmem>>
        %parallel_loop3A_242 = arith.index_cast %parallel_loop3A_238 : i32 to index
        %parallel_loop3A_243 = arith.constant 80 : index
        %parallel_loop3A_244 = tpu.vector_load %parallel_loop3A_241[%parallel_loop3A_242, %parallel_loop3A_243] {strides = array<i32>} : memref<8x128xi32, #tpu.memory_space<vmem>>, vector<16xi32>,
        tpu.vector_store %parallel_loop3A_241[%parallel_loop3A_242, %parallel_loop3A_243], %parallel_loop3A_237 {strides = array<i32>} : memref<8x128xi32, #tpu.memory_space<vmem>>, vector<16xi32>,
        %parallel_loop3A_245 = arith.constant 0 : i32
        %parallel_loop3A_246 = arith.constant 0 : i32
        %parallel_loop3A_247 = tpu.memref_slice %arg6[%rem3A_62, %parallel_loop3A_103, %parallel_loop3A_246] : memref<4x128x128xf32, #tpu.memory_space<vmem>> -> memref<1x16x128xf32, #tpu.memory_space<vmem>>
        %parallel_loop3A_248 = tpu.memref_squeeze %parallel_loop3A_247 : memref<1x16x128xf32, #tpu.memory_space<vmem>> -> memref<16x128xf32, #tpu.memory_space<vmem>>
        %parallel_loop3A_249 = arith.index_cast %parallel_loop3A_245 : i32 to index
        %parallel_loop3A_250 = arith.constant 96 : index
        %parallel_loop3A_251 = tpu.vector_load %parallel_loop3A_248[%parallel_loop3A_249, %parallel_loop3A_250] {strides = array<i32>} : memref<16x128xf32, #tpu.memory_space<vmem>>, vector<16xf32>,
        %parallel_loop3A_252 = arith.constant 1 : i32
        %parallel_loop3A_253 = arith.constant 0 : i32
        %parallel_loop3A_254 = tpu.memref_slice %arg6[%rem3A_62, %parallel_loop3A_103, %parallel_loop3A_253] : memref<4x128x128xf32, #tpu.memory_space<vmem>> -> memref<1x16x128xf32, #tpu.memory_space<vmem>>
        %parallel_loop3A_255 = tpu.memref_squeeze %parallel_loop3A_254 : memref<1x16x128xf32, #tpu.memory_space<vmem>> -> memref<16x128xf32, #tpu.memory_space<vmem>>
        %parallel_loop3A_256 = arith.index_cast %parallel_loop3A_252 : i32 to index
        %parallel_loop3A_257 = arith.constant 96 : index
        %parallel_loop3A_258 = tpu.vector_load %parallel_loop3A_255[%parallel_loop3A_256, %parallel_loop3A_257] {strides = array<i32>} : memref<16x128xf32, #tpu.memory_space<vmem>>, vector<16xf32>,
        %parallel_loop3A_259 = tpu.pack_subelements %parallel_loop3A_251, %parallel_loop3A_258 {pack_format = #tpu.pack_format<interleaved>, positions = array<i32: 0, 1>} : vector<16xf32>, vector<16xf32> -> vector<32xbf16>
        %parallel_loop3A_260 = vector.bitcast %parallel_loop3A_259 : vector<32xbf16> to vector<16xi32>
        %parallel_loop3A_261 = arith.constant 0 : i32
        %parallel_loop3A_262 = arith.constant 0 : i32
        %parallel_loop3A_263 = tpu.memref_slice %arg7[%rem3A_62, %parallel_loop3A_106, %parallel_loop3A_262] : memref<4x64x128xi32, #tpu.memory_space<vmem>> -> memref<1x8x128xi32, #tpu.memory_space<vmem>>
        %parallel_loop3A_264 = tpu.memref_squeeze %parallel_loop3A_263 : memref<1x8x128xi32, #tpu.memory_space<vmem>> -> memref<8x128xi32, #tpu.memory_space<vmem>>
        %parallel_loop3A_265 = arith.index_cast %parallel_loop3A_261 : i32 to index
        %parallel_loop3A_266 = arith.constant 96 : index
        %parallel_loop3A_267 = tpu.vector_load %parallel_loop3A_264[%parallel_loop3A_265, %parallel_loop3A_266] {strides = array<i32>} : memref<8x128xi32, #tpu.memory_space<vmem>>, vector<16xi32>,
        tpu.vector_store %parallel_loop3A_264[%parallel_loop3A_265, %parallel_loop3A_266], %parallel_loop3A_260 {strides = array<i32>} : memref<8x128xi32, #tpu.memory_space<vmem>>, vector<16xi32>,
        %parallel_loop3A_268 = arith.constant 0 : i32
        %parallel_loop3A_269 = arith.constant 0 : i32
        %parallel_loop3A_270 = tpu.memref_slice %arg6[%rem3A_62, %parallel_loop3A_103, %parallel_loop3A_269] : memref<4x128x128xf32, #tpu.memory_space<vmem>> -> memref<1x16x128xf32, #tpu.memory_space<vmem>>
        %parallel_loop3A_271 = tpu.memref_squeeze %parallel_loop3A_270 : memref<1x16x128xf32, #tpu.memory_space<vmem>> -> memref<16x128xf32, #tpu.memory_space<vmem>>
        %parallel_loop3A_272 = arith.index_cast %parallel_loop3A_268 : i32 to index
        %parallel_loop3A_273 = arith.constant 112 : index
        %parallel_loop3A_274 = tpu.vector_load %parallel_loop3A_271[%parallel_loop3A_272, %parallel_loop3A_273] {strides = array<i32>} : memref<16x128xf32, #tpu.memory_space<vmem>>, vector<16xf32>,
        %parallel_loop3A_275 = arith.constant 1 : i32
        %parallel_loop3A_276 = arith.constant 0 : i32
        %parallel_loop3A_277 = tpu.memref_slice %arg6[%rem3A_62, %parallel_loop3A_103, %parallel_loop3A_276] : memref<4x128x128xf32, #tpu.memory_space<vmem>> -> memref<1x16x128xf32, #tpu.memory_space<vmem>>
        %parallel_loop3A_278 = tpu.memref_squeeze %parallel_loop3A_277 : memref<1x16x128xf32, #tpu.memory_space<vmem>> -> memref<16x128xf32, #tpu.memory_space<vmem>>
        %parallel_loop3A_279 = arith.index_cast %parallel_loop3A_275 : i32 to index
        %parallel_loop3A_280 = arith.constant 112 : index
        %parallel_loop3A_281 = tpu.vector_load %parallel_loop3A_278[%parallel_loop3A_279, %parallel_loop3A_280] {strides = array<i32>} : memref<16x128xf32, #tpu.memory_space<vmem>>, vector<16xf32>,
        %parallel_loop3A_282 = tpu.pack_subelements %parallel_loop3A_274, %parallel_loop3A_281 {pack_format = #tpu.pack_format<interleaved>, positions = array<i32: 0, 1>} : vector<16xf32>, vector<16xf32> -> vector<32xbf16>
        %parallel_loop3A_283 = vector.bitcast %parallel_loop3A_282 : vector<32xbf16> to vector<16xi32>
        %parallel_loop3A_284 = arith.constant 0 : i32
        %parallel_loop3A_285 = arith.constant 0 : i32
        %parallel_loop3A_286 = tpu.memref_slice %arg7[%rem3A_62, %parallel_loop3A_106, %parallel_loop3A_285] : memref<4x64x128xi32, #tpu.memory_space<vmem>> -> memref<1x8x128xi32, #tpu.memory_space<vmem>>
        %parallel_loop3A_287 = tpu.memref_squeeze %parallel_loop3A_286 : memref<1x8x128xi32, #tpu.memory_space<vmem>> -> memref<8x128xi32, #tpu.memory_space<vmem>>
        %parallel_loop3A_288 = arith.index_cast %parallel_loop3A_284 : i32 to index
        %parallel_loop3A_289 = arith.constant 112 : index
        %parallel_loop3A_290 = tpu.vector_load %parallel_loop3A_287[%parallel_loop3A_288, %parallel_loop3A_289] {strides = array<i32>} : memref<8x128xi32, #tpu.memory_space<vmem>>, vector<16xi32>,
        tpu.vector_store %parallel_loop3A_287[%parallel_loop3A_288, %parallel_loop3A_289], %parallel_loop3A_283 {strides = array<i32>} : memref<8x128xi32, #tpu.memory_space<vmem>>, vector<16xi32>,
        %parallel_loop3A_291 = arith.constant 2 : i32
        %parallel_loop3A_292 = arith.constant 0 : i32
        %parallel_loop3A_293 = tpu.memref_slice %arg6[%rem3A_62, %parallel_loop3A_103, %parallel_loop3A_292] : memref<4x128x128xf32, #tpu.memory_space<vmem>> -> memref<1x16x128xf32, #tpu.memory_space<vmem>>
        %parallel_loop3A_294 = tpu.memref_squeeze %parallel_loop3A_293 : memref<1x16x128xf32, #tpu.memory_space<vmem>> -> memref<16x128xf32, #tpu.memory_space<vmem>>
        %parallel_loop3A_295 = arith.index_cast %parallel_loop3A_291 : i32 to index
        %parallel_loop3A_296 = arith.constant 0 : index
        %parallel_loop3A_297 = tpu.vector_load %parallel_loop3A_294[%parallel_loop3A_295, %parallel_loop3A_296] {strides = array<i32>} : memref<16x128xf32, #tpu.memory_space<vmem>>, vector<16xf32>,
        %parallel_loop3A_298 = arith.constant 3 : i32
        %parallel_loop3A_299 = arith.constant 0 : i32
        %parallel_loop3A_300 = tpu.memref_slice %arg6[%rem3A_62, %parallel_loop3A_103, %parallel_loop3A_299] : memref<4x128x128xf32, #tpu.memory_space<vmem>> -> memref<1x16x128xf32, #tpu.memory_space<vmem>>
        %parallel_loop3A_301 = tpu.memref_squeeze %parallel_loop3A_300 : memref<1x16x128xf32, #tpu.memory_space<vmem>> -> memref<16x128xf32, #tpu.memory_space<vmem>>
        %parallel_loop3A_302 = arith.index_cast %parallel_loop3A_298 : i32 to index
        %parallel_loop3A_303 = arith.constant 0 : index
        %parallel_loop3A_304 = tpu.vector_load %parallel_loop3A_301[%parallel_loop3A_302, %parallel_loop3A_303] {strides = array<i32>} : memref<16x128xf32, #tpu.memory_space<vmem>>, vector<16xf32>,
        %parallel_loop3A_305 = tpu.pack_subelements %parallel_loop3A_297, %parallel_loop3A_304 {pack_format = #tpu.pack_format<interleaved>, positions = array<i32: 0, 1>} : vector<16xf32>, vector<16xf32> -> vector<32xbf16>
        %parallel_loop3A_306 = vector.bitcast %parallel_loop3A_305 : vector<32xbf16> to vector<16xi32>
        %parallel_loop3A_307 = arith.constant 1 : i32
        %parallel_loop3A_308 = arith.constant 0 : i32
        %parallel_loop3A_309 = tpu.memref_slice %arg7[%rem3A_62, %parallel_loop3A_106, %parallel_loop3A_308] : memref<4x64x128xi32, #tpu.memory_space<vmem>> -> memref<1x8x128xi32, #tpu.memory_space<vmem>>
        %parallel_loop3A_310 = tpu.memref_squeeze %parallel_loop3A_309 : memref<1x8x128xi32, #tpu.memory_space<vmem>> -> memref<8x128xi32, #tpu.memory_space<vmem>>
        %parallel_loop3A_311 = arith.index_cast %parallel_loop3A_307 : i32 to index
        %parallel_loop3A_312 = arith.constant 0 : index
        %parallel_loop3A_313 = tpu.vector_load %parallel_loop3A_310[%parallel_loop3A_311, %parallel_loop3A_312] {strides = array<i32>} : memref<8x128xi32, #tpu.memory_space<vmem>>, vector<16xi32>,
        tpu.vector_store %parallel_loop3A_310[%parallel_loop3A_311, %parallel_loop3A_312], %parallel_loop3A_306 {strides = array<i32>} : memref<8x128xi32, #tpu.memory_space<vmem>>, vector<16xi32>,
        %parallel_loop3A_314 = arith.constant 2 : i32
        %parallel_loop3A_315 = arith.constant 0 : i32
        %parallel_loop3A_316 = tpu.memref_slice %arg6[%rem3A_62, %parallel_loop3A_103, %parallel_loop3A_315] : memref<4x128x128xf32, #tpu.memory_space<vmem>> -> memref<1x16x128xf32, #tpu.memory_space<vmem>>
        %parallel_loop3A_317 = tpu.memref_squeeze %parallel_loop3A_316 : memref<1x16x128xf32, #tpu.memory_space<vmem>> -> memref<16x128xf32, #tpu.memory_space<vmem>>
        %parallel_loop3A_318 = arith.index_cast %parallel_loop3A_314 : i32 to index
        %parallel_loop3A_319 = arith.constant 16 : index
        %parallel_loop3A_320 = tpu.vector_load %parallel_loop3A_317[%parallel_loop3A_318, %parallel_loop3A_319] {strides = array<i32>} : memref<16x128xf32, #tpu.memory_space<vmem>>, vector<16xf32>,
        %parallel_loop3A_321 = arith.constant 3 : i32
        %parallel_loop3A_322 = arith.constant 0 : i32
        %parallel_loop3A_323 = tpu.memref_slice %arg6[%rem3A_62, %parallel_loop3A_103, %parallel_loop3A_322] : memref<4x128x128xf32, #tpu.memory_space<vmem>> -> memref<1x16x128xf32, #tpu.memory_space<vmem>>
        %parallel_loop3A_324 = tpu.memref_squeeze %parallel_loop3A_323 : memref<1x16x128xf32, #tpu.memory_space<vmem>> -> memref<16x128xf32, #tpu.memory_space<vmem>>
        %parallel_loop3A_325 = arith.index_cast %parallel_loop3A_321 : i32 to index
        %parallel_loop3A_326 = arith.constant 16 : index
        %parallel_loop3A_327 = tpu.vector_load %parallel_loop3A_324[%parallel_loop3A_325, %parallel_loop3A_326] {strides = array<i32>} : memref<16x128xf32, #tpu.memory_space<vmem>>, vector<16xf32>,
        %parallel_loop3A_328 = tpu.pack_subelements %parallel_loop3A_320, %parallel_loop3A_327 {pack_format = #tpu.pack_format<interleaved>, positions = array<i32: 0, 1>} : vector<16xf32>, vector<16xf32> -> vector<32xbf16>
        %parallel_loop3A_329 = vector.bitcast %parallel_loop3A_328 : vector<32xbf16> to vector<16xi32>
        %parallel_loop3A_330 = arith.constant 1 : i32
        %parallel_loop3A_331 = arith.constant 0 : i32
        %parallel_loop3A_332 = tpu.memref_slice %arg7[%rem3A_62, %parallel_loop3A_106, %parallel_loop3A_331] : memref<4x64x128xi32, #tpu.memory_space<vmem>> -> memref<1x8x128xi32, #tpu.memory_space<vmem>>
        %parallel_loop3A_333 = tpu.memref_squeeze %parallel_loop3A_332 : memref<1x8x128xi32, #tpu.memory_space<vmem>> -> memref<8x128xi32, #tpu.memory_space<vmem>>
        %parallel_loop3A_334 = arith.index_cast %parallel_loop3A_330 : i32 to index
        %parallel_loop3A_335 = arith.constant 16 : index
        %parallel_loop3A_336 = tpu.vector_load %parallel_loop3A_333[%parallel_loop3A_334, %parallel_loop3A_335] {strides = array<i32>} : memref<8x128xi32, #tpu.memory_space<vmem>>, vector<16xi32>,
        tpu.vector_store %parallel_loop3A_333[%parallel_loop3A_334, %parallel_loop3A_335], %parallel_loop3A_329 {strides = array<i32>} : memref<8x128xi32, #tpu.memory_space<vmem>>, vector<16xi32>,
        %parallel_loop3A_337 = arith.constant 2 : i32
        %parallel_loop3A_338 = arith.constant 0 : i32
        %parallel_loop3A_339 = tpu.memref_slice %arg6[%rem3A_62, %parallel_loop3A_103, %parallel_loop3A_338] : memref<4x128x128xf32, #tpu.memory_space<vmem>> -> memref<1x16x128xf32, #tpu.memory_space<vmem>>
        %parallel_loop3A_340 = tpu.memref_squeeze %parallel_loop3A_339 : memref<1x16x128xf32, #tpu.memory_space<vmem>> -> memref<16x128xf32, #tpu.memory_space<vmem>>
        %parallel_loop3A_341 = arith.index_cast %parallel_loop3A_337 : i32 to index
        %parallel_loop3A_342 = arith.constant 32 : index
        %parallel_loop3A_343 = tpu.vector_load %parallel_loop3A_340[%parallel_loop3A_341, %parallel_loop3A_342] {strides = array<i32>} : memref<16x128xf32, #tpu.memory_space<vmem>>, vector<16xf32>,
        %parallel_loop3A_344 = arith.constant 3 : i32
        %parallel_loop3A_345 = arith.constant 0 : i32
        %parallel_loop3A_346 = tpu.memref_slice %arg6[%rem3A_62, %parallel_loop3A_103, %parallel_loop3A_345] : memref<4x128x128xf32, #tpu.memory_space<vmem>> -> memref<1x16x128xf32, #tpu.memory_space<vmem>>
        %parallel_loop3A_347 = tpu.memref_squeeze %parallel_loop3A_346 : memref<1x16x128xf32, #tpu.memory_space<vmem>> -> memref<16x128xf32, #tpu.memory_space<vmem>>
        %parallel_loop3A_348 = arith.index_cast %parallel_loop3A_344 : i32 to index
        %parallel_loop3A_349 = arith.constant 32 : index
        %parallel_loop3A_350 = tpu.vector_load %parallel_loop3A_347[%parallel_loop3A_348, %parallel_loop3A_349] {strides = array<i32>} : memref<16x128xf32, #tpu.memory_space<vmem>>, vector<16xf32>,
        %parallel_loop3A_351 = tpu.pack_subelements %parallel_loop3A_343, %parallel_loop3A_350 {pack_format = #tpu.pack_format<interleaved>, positions = array<i32: 0, 1>} : vector<16xf32>, vector<16xf32> -> vector<32xbf16>
        %parallel_loop3A_352 = vector.bitcast %parallel_loop3A_351 : vector<32xbf16> to vector<16xi32>
        %parallel_loop3A_353 = arith.constant 1 : i32
        %parallel_loop3A_354 = arith.constant 0 : i32
        %parallel_loop3A_355 = tpu.memref_slice %arg7[%rem3A_62, %parallel_loop3A_106, %parallel_loop3A_354] : memref<4x64x128xi32, #tpu.memory_space<vmem>> -> memref<1x8x128xi32, #tpu.memory_space<vmem>>
        %parallel_loop3A_356 = tpu.memref_squeeze %parallel_loop3A_355 : memref<1x8x128xi32, #tpu.memory_space<vmem>> -> memref<8x128xi32, #tpu.memory_space<vmem>>
        %parallel_loop3A_357 = arith.index_cast %parallel_loop3A_353 : i32 to index
        %parallel_loop3A_358 = arith.constant 32 : index
        %parallel_loop3A_359 = tpu.vector_load %parallel_loop3A_356[%parallel_loop3A_357, %parallel_loop3A_358] {strides = array<i32>} : memref<8x128xi32, #tpu.memory_space<vmem>>, vector<16xi32>,
        tpu.vector_store %parallel_loop3A_356[%parallel_loop3A_357, %parallel_loop3A_358], %parallel_loop3A_352 {strides = array<i32>} : memref<8x128xi32, #tpu.memory_space<vmem>>, vector<16xi32>,
        %parallel_loop3A_360 = arith.constant 2 : i32
        %parallel_loop3A_361 = arith.constant 0 : i32
        %parallel_loop3A_362 = tpu.memref_slice %arg6[%rem3A_62, %parallel_loop3A_103, %parallel_loop3A_361] : memref<4x128x128xf32, #tpu.memory_space<vmem>> -> memref<1x16x128xf32, #tpu.memory_space<vmem>>
        %parallel_loop3A_363 = tpu.memref_squeeze %parallel_loop3A_362 : memref<1x16x128xf32, #tpu.memory_space<vmem>> -> memref<16x128xf32, #tpu.memory_space<vmem>>
        %parallel_loop3A_364 = arith.index_cast %parallel_loop3A_360 : i32 to index
        %parallel_loop3A_365 = arith.constant 48 : index
        %parallel_loop3A_366 = tpu.vector_load %parallel_loop3A_363[%parallel_loop3A_364, %parallel_loop3A_365] {strides = array<i32>} : memref<16x128xf32, #tpu.memory_space<vmem>>, vector<16xf32>,
        %parallel_loop3A_367 = arith.constant 3 : i32
        %parallel_loop3A_368 = arith.constant 0 : i32
        %parallel_loop3A_369 = tpu.memref_slice %arg6[%rem3A_62, %parallel_loop3A_103, %parallel_loop3A_368] : memref<4x128x128xf32, #tpu.memory_space<vmem>> -> memref<1x16x128xf32, #tpu.memory_space<vmem>>
        %parallel_loop3A_370 = tpu.memref_squeeze %parallel_loop3A_369 : memref<1x16x128xf32, #tpu.memory_space<vmem>> -> memref<16x128xf32, #tpu.memory_space<vmem>>
        %parallel_loop3A_371 = arith.index_cast %parallel_loop3A_367 : i32 to index
        %parallel_loop3A_372 = arith.constant 48 : index
        %parallel_loop3A_373 = tpu.vector_load %parallel_loop3A_370[%parallel_loop3A_371, %parallel_loop3A_372] {strides = array<i32>} : memref<16x128xf32, #tpu.memory_space<vmem>>, vector<16xf32>,
        %parallel_loop3A_374 = tpu.pack_subelements %parallel_loop3A_366, %parallel_loop3A_373 {pack_format = #tpu.pack_format<interleaved>, positions = array<i32: 0, 1>} : vector<16xf32>, vector<16xf32> -> vector<32xbf16>
        %parallel_loop3A_375 = vector.bitcast %parallel_loop3A_374 : vector<32xbf16> to vector<16xi32>
        %parallel_loop3A_376 = arith.constant 1 : i32
        %parallel_loop3A_377 = arith.constant 0 : i32
        %parallel_loop3A_378 = tpu.memref_slice %arg7[%rem3A_62, %parallel_loop3A_106, %parallel_loop3A_377] : memref<4x64x128xi32, #tpu.memory_space<vmem>> -> memref<1x8x128xi32, #tpu.memory_space<vmem>>
        %parallel_loop3A_379 = tpu.memref_squeeze %parallel_loop3A_378 : memref<1x8x128xi32, #tpu.memory_space<vmem>> -> memref<8x128xi32, #tpu.memory_space<vmem>>
        %parallel_loop3A_380 = arith.index_cast %parallel_loop3A_376 : i32 to index
        %parallel_loop3A_381 = arith.constant 48 : index
        %parallel_loop3A_382 = tpu.vector_load %parallel_loop3A_379[%parallel_loop3A_380, %parallel_loop3A_381] {strides = array<i32>} : memref<8x128xi32, #tpu.memory_space<vmem>>, vector<16xi32>,
        tpu.vector_store %parallel_loop3A_379[%parallel_loop3A_380, %parallel_loop3A_381], %parallel_loop3A_375 {strides = array<i32>} : memref<8x128xi32, #tpu.memory_space<vmem>>, vector<16xi32>,
        %parallel_loop3A_383 = arith.constant 2 : i32
        %parallel_loop3A_384 = arith.constant 0 : i32
        %parallel_loop3A_385 = tpu.memref_slice %arg6[%rem3A_62, %parallel_loop3A_103, %parallel_loop3A_384] : memref<4x128x128xf32, #tpu.memory_space<vmem>> -> memref<1x16x128xf32, #tpu.memory_space<vmem>>
        %parallel_loop3A_386 = tpu.memref_squeeze %parallel_loop3A_385 : memref<1x16x128xf32, #tpu.memory_space<vmem>> -> memref<16x128xf32, #tpu.memory_space<vmem>>
        %parallel_loop3A_387 = arith.index_cast %parallel_loop3A_383 : i32 to index
        %parallel_loop3A_388 = arith.constant 64 : index
        %parallel_loop3A_389 = tpu.vector_load %parallel_loop3A_386[%parallel_loop3A_387, %parallel_loop3A_388] {strides = array<i32>} : memref<16x128xf32, #tpu.memory_space<vmem>>, vector<16xf32>,
        %parallel_loop3A_390 = arith.constant 3 : i32
        %parallel_loop3A_391 = arith.constant 0 : i32
        %parallel_loop3A_392 = tpu.memref_slice %arg6[%rem3A_62, %parallel_loop3A_103, %parallel_loop3A_391] : memref<4x128x128xf32, #tpu.memory_space<vmem>> -> memref<1x16x128xf32, #tpu.memory_space<vmem>>
        %parallel_loop3A_393 = tpu.memref_squeeze %parallel_loop3A_392 : memref<1x16x128xf32, #tpu.memory_space<vmem>> -> memref<16x128xf32, #tpu.memory_space<vmem>>
        %parallel_loop3A_394 = arith.index_cast %parallel_loop3A_390 : i32 to index
        %parallel_loop3A_395 = arith.constant 64 : index
        %parallel_loop3A_396 = tpu.vector_load %parallel_loop3A_393[%parallel_loop3A_394, %parallel_loop3A_395] {strides = array<i32>} : memref<16x128xf32, #tpu.memory_space<vmem>>, vector<16xf32>,
        %parallel_loop3A_397 = tpu.pack_subelements %parallel_loop3A_389, %parallel_loop3A_396 {pack_format = #tpu.pack_format<interleaved>, positions = array<i32: 0, 1>} : vector<16xf32>, vector<16xf32> -> vector<32xbf16>
        %parallel_loop3A_398 = vector.bitcast %parallel_loop3A_397 : vector<32xbf16> to vector<16xi32>
        %parallel_loop3A_399 = arith.constant 1 : i32
        %parallel_loop3A_400 = arith.constant 0 : i32
        %parallel_loop3A_401 = tpu.memref_slice %arg7[%rem3A_62, %parallel_loop3A_106, %parallel_loop3A_400] : memref<4x64x128xi32, #tpu.memory_space<vmem>> -> memref<1x8x128xi32, #tpu.memory_space<vmem>>
        %parallel_loop3A_402 = tpu.memref_squeeze %parallel_loop3A_401 : memref<1x8x128xi32, #tpu.memory_space<vmem>> -> memref<8x128xi32, #tpu.memory_space<vmem>>
        %parallel_loop3A_403 = arith.index_cast %parallel_loop3A_399 : i32 to index
        %parallel_loop3A_404 = arith.constant 64 : index
        %parallel_loop3A_405 = tpu.vector_load %parallel_loop3A_402[%parallel_loop3A_403, %parallel_loop3A_404] {strides = array<i32>} : memref<8x128xi32, #tpu.memory_space<vmem>>, vector<16xi32>,
        tpu.vector_store %parallel_loop3A_402[%parallel_loop3A_403, %parallel_loop3A_404], %parallel_loop3A_398 {strides = array<i32>} : memref<8x128xi32, #tpu.memory_space<vmem>>, vector<16xi32>,
        %parallel_loop3A_406 = arith.constant 2 : i32
        %parallel_loop3A_407 = arith.constant 0 : i32
        %parallel_loop3A_408 = tpu.memref_slice %arg6[%rem3A_62, %parallel_loop3A_103, %parallel_loop3A_407] : memref<4x128x128xf32, #tpu.memory_space<vmem>> -> memref<1x16x128xf32, #tpu.memory_space<vmem>>
        %parallel_loop3A_409 = tpu.memref_squeeze %parallel_loop3A_408 : memref<1x16x128xf32, #tpu.memory_space<vmem>> -> memref<16x128xf32, #tpu.memory_space<vmem>>
        %parallel_loop3A_410 = arith.index_cast %parallel_loop3A_406 : i32 to index
        %parallel_loop3A_411 = arith.constant 80 : index
        %parallel_loop3A_412 = tpu.vector_load %parallel_loop3A_409[%parallel_loop3A_410, %parallel_loop3A_411] {strides = array<i32>} : memref<16x128xf32, #tpu.memory_space<vmem>>, vector<16xf32>,
        %parallel_loop3A_413 = arith.constant 3 : i32
        %parallel_loop3A_414 = arith.constant 0 : i32
        %parallel_loop3A_415 = tpu.memref_slice %arg6[%rem3A_62, %parallel_loop3A_103, %parallel_loop3A_414] : memref<4x128x128xf32, #tpu.memory_space<vmem>> -> memref<1x16x128xf32, #tpu.memory_space<vmem>>
        %parallel_loop3A_416 = tpu.memref_squeeze %parallel_loop3A_415 : memref<1x16x128xf32, #tpu.memory_space<vmem>> -> memref<16x128xf32, #tpu.memory_space<vmem>>
        %parallel_loop3A_417 = arith.index_cast %parallel_loop3A_413 : i32 to index
        %parallel_loop3A_418 = arith.constant 80 : index
        %parallel_loop3A_419 = tpu.vector_load %parallel_loop3A_416[%parallel_loop3A_417, %parallel_loop3A_418] {strides = array<i32>} : memref<16x128xf32, #tpu.memory_space<vmem>>, vector<16xf32>,
        %parallel_loop3A_420 = tpu.pack_subelements %parallel_loop3A_412, %parallel_loop3A_419 {pack_format = #tpu.pack_format<interleaved>, positions = array<i32: 0, 1>} : vector<16xf32>, vector<16xf32> -> vector<32xbf16>
        %parallel_loop3A_421 = vector.bitcast %parallel_loop3A_420 : vector<32xbf16> to vector<16xi32>
        %parallel_loop3A_422 = arith.constant 1 : i32
        %parallel_loop3A_423 = arith.constant 0 : i32
        %parallel_loop3A_424 = tpu.memref_slice %arg7[%rem3A_62, %parallel_loop3A_106, %parallel_loop3A_423] : memref<4x64x128xi32, #tpu.memory_space<vmem>> -> memref<1x8x128xi32, #tpu.memory_space<vmem>>
        %parallel_loop3A_425 = tpu.memref_squeeze %parallel_loop3A_424 : memref<1x8x128xi32, #tpu.memory_space<vmem>> -> memref<8x128xi32, #tpu.memory_space<vmem>>
        %parallel_loop3A_426 = arith.index_cast %parallel_loop3A_422 : i32 to index
        %parallel_loop3A_427 = arith.constant 80 : index
        %parallel_loop3A_428 = tpu.vector_load %parallel_loop3A_425[%parallel_loop3A_426, %parallel_loop3A_427] {strides = array<i32>} : memref<8x128xi32, #tpu.memory_space<vmem>>, vector<16xi32>,
        tpu.vector_store %parallel_loop3A_425[%parallel_loop3A_426, %parallel_loop3A_427], %parallel_loop3A_421 {strides = array<i32>} : memref<8x128xi32, #tpu.memory_space<vmem>>, vector<16xi32>,
        %parallel_loop3A_429 = arith.constant 2 : i32
        %parallel_loop3A_430 = arith.constant 0 : i32
        %parallel_loop3A_431 = tpu.memref_slice %arg6[%rem3A_62, %parallel_loop3A_103, %parallel_loop3A_430] : memref<4x128x128xf32, #tpu.memory_space<vmem>> -> memref<1x16x128xf32, #tpu.memory_space<vmem>>
        %parallel_loop3A_432 = tpu.memref_squeeze %parallel_loop3A_431 : memref<1x16x128xf32, #tpu.memory_space<vmem>> -> memref<16x128xf32, #tpu.memory_space<vmem>>
        %parallel_loop3A_433 = arith.index_cast %parallel_loop3A_429 : i32 to index
        %parallel_loop3A_434 = arith.constant 96 : index
        %parallel_loop3A_435 = tpu.vector_load %parallel_loop3A_432[%parallel_loop3A_433, %parallel_loop3A_434] {strides = array<i32>} : memref<16x128xf32, #tpu.memory_space<vmem>>, vector<16xf32>,
        %parallel_loop3A_436 = arith.constant 3 : i32
        %parallel_loop3A_437 = arith.constant 0 : i32
        %parallel_loop3A_438 = tpu.memref_slice %arg6[%rem3A_62, %parallel_loop3A_103, %parallel_loop3A_437] : memref<4x128x128xf32, #tpu.memory_space<vmem>> -> memref<1x16x128xf32, #tpu.memory_space<vmem>>
        %parallel_loop3A_439 = tpu.memref_squeeze %parallel_loop3A_438 : memref<1x16x128xf32, #tpu.memory_space<vmem>> -> memref<16x128xf32, #tpu.memory_space<vmem>>
        %parallel_loop3A_440 = arith.index_cast %parallel_loop3A_436 : i32 to index
        %parallel_loop3A_441 = arith.constant 96 : index
        %parallel_loop3A_442 = tpu.vector_load %parallel_loop3A_439[%parallel_loop3A_440, %parallel_loop3A_441] {strides = array<i32>} : memref<16x128xf32, #tpu.memory_space<vmem>>, vector<16xf32>,
        %parallel_loop3A_443 = tpu.pack_subelements %parallel_loop3A_435, %parallel_loop3A_442 {pack_format = #tpu.pack_format<interleaved>, positions = array<i32: 0, 1>} : vector<16xf32>, vector<16xf32> -> vector<32xbf16>
        %parallel_loop3A_444 = vector.bitcast %parallel_loop3A_443 : vector<32xbf16> to vector<16xi32>
        %parallel_loop3A_445 = arith.constant 1 : i32
        %parallel_loop3A_446 = arith.constant 0 : i32
        %parallel_loop3A_447 = tpu.memref_slice %arg7[%rem3A_62, %parallel_loop3A_106, %parallel_loop3A_446] : memref<4x64x128xi32, #tpu.memory_space<vmem>> -> memref<1x8x128xi32, #tpu.memory_space<vmem>>
        %parallel_loop3A_448 = tpu.memref_squeeze %parallel_loop3A_447 : memref<1x8x128xi32, #tpu.memory_space<vmem>> -> memref<8x128xi32, #tpu.memory_space<vmem>>
        %parallel_loop3A_449 = arith.index_cast %parallel_loop3A_445 : i32 to index
        %parallel_loop3A_450 = arith.constant 96 : index
        %parallel_loop3A_451 = tpu.vector_load %parallel_loop3A_448[%parallel_loop3A_449, %parallel_loop3A_450] {strides = array<i32>} : memref<8x128xi32, #tpu.memory_space<vmem>>, vector<16xi32>,
        tpu.vector_store %parallel_loop3A_448[%parallel_loop3A_449, %parallel_loop3A_450], %parallel_loop3A_444 {strides = array<i32>} : memref<8x128xi32, #tpu.memory_space<vmem>>, vector<16xi32>,
        %parallel_loop3A_452 = arith.constant 2 : i32
        %parallel_loop3A_453 = arith.constant 0 : i32
        %parallel_loop3A_454 = tpu.memref_slice %arg6[%rem3A_62, %parallel_loop3A_103, %parallel_loop3A_453] : memref<4x128x128xf32, #tpu.memory_space<vmem>> -> memref<1x16x128xf32, #tpu.memory_space<vmem>>
        %parallel_loop3A_455 = tpu.memref_squeeze %parallel_loop3A_454 : memref<1x16x128xf32, #tpu.memory_space<vmem>> -> memref<16x128xf32, #tpu.memory_space<vmem>>
        %parallel_loop3A_456 = arith.index_cast %parallel_loop3A_452 : i32 to index
        %parallel_loop3A_457 = arith.constant 112 : index
        %parallel_loop3A_458 = tpu.vector_load %parallel_loop3A_455[%parallel_loop3A_456, %parallel_loop3A_457] {strides = array<i32>} : memref<16x128xf32, #tpu.memory_space<vmem>>, vector<16xf32>,
        %parallel_loop3A_459 = arith.constant 3 : i32
        %parallel_loop3A_460 = arith.constant 0 : i32
        %parallel_loop3A_461 = tpu.memref_slice %arg6[%rem3A_62, %parallel_loop3A_103, %parallel_loop3A_460] : memref<4x128x128xf32, #tpu.memory_space<vmem>> -> memref<1x16x128xf32, #tpu.memory_space<vmem>>
        %parallel_loop3A_462 = tpu.memref_squeeze %parallel_loop3A_461 : memref<1x16x128xf32, #tpu.memory_space<vmem>> -> memref<16x128xf32, #tpu.memory_space<vmem>>
        %parallel_loop3A_463 = arith.index_cast %parallel_loop3A_459 : i32 to index
        %parallel_loop3A_464 = arith.constant 112 : index
        %parallel_loop3A_465 = tpu.vector_load %parallel_loop3A_462[%parallel_loop3A_463, %parallel_loop3A_464] {strides = array<i32>} : memref<16x128xf32, #tpu.memory_space<vmem>>, vector<16xf32>,
        %parallel_loop3A_466 = tpu.pack_subelements %parallel_loop3A_458, %parallel_loop3A_465 {pack_format = #tpu.pack_format<interleaved>, positions = array<i32: 0, 1>} : vector<16xf32>, vector<16xf32> -> vector<32xbf16>
        %parallel_loop3A_467 = vector.bitcast %parallel_loop3A_466 : vector<32xbf16> to vector<16xi32>
        %parallel_loop3A_468 = arith.constant 1 : i32
        %parallel_loop3A_469 = arith.constant 0 : i32
        %parallel_loop3A_470 = tpu.memref_slice %arg7[%rem3A_62, %parallel_loop3A_106, %parallel_loop3A_469] : memref<4x64x128xi32, #tpu.memory_space<vmem>> -> memref<1x8x128xi32, #tpu.memory_space<vmem>>
        %parallel_loop3A_471 = tpu.memref_squeeze %parallel_loop3A_470 : memref<1x8x128xi32, #tpu.memory_space<vmem>> -> memref<8x128xi32, #tpu.memory_space<vmem>>
        %parallel_loop3A_472 = arith.index_cast %parallel_loop3A_468 : i32 to index
        %parallel_loop3A_473 = arith.constant 112 : index
        %parallel_loop3A_474 = tpu.vector_load %parallel_loop3A_471[%parallel_loop3A_472, %parallel_loop3A_473] {strides = array<i32>} : memref<8x128xi32, #tpu.memory_space<vmem>>, vector<16xi32>,
        tpu.vector_store %parallel_loop3A_471[%parallel_loop3A_472, %parallel_loop3A_473], %parallel_loop3A_467 {strides = array<i32>} : memref<8x128xi32, #tpu.memory_space<vmem>>, vector<16xi32>,
        %parallel_loop3A_475 = arith.constant 4 : i32
        %parallel_loop3A_476 = arith.constant 0 : i32
        %parallel_loop3A_477 = tpu.memref_slice %arg6[%rem3A_62, %parallel_loop3A_103, %parallel_loop3A_476] : memref<4x128x128xf32, #tpu.memory_space<vmem>> -> memref<1x16x128xf32, #tpu.memory_space<vmem>>
        %parallel_loop3A_478 = tpu.memref_squeeze %parallel_loop3A_477 : memref<1x16x128xf32, #tpu.memory_space<vmem>> -> memref<16x128xf32, #tpu.memory_space<vmem>>
        %parallel_loop3A_479 = arith.index_cast %parallel_loop3A_475 : i32 to index
        %parallel_loop3A_480 = arith.constant 0 : index
        %parallel_loop3A_481 = tpu.vector_load %parallel_loop3A_478[%parallel_loop3A_479, %parallel_loop3A_480] {strides = array<i32>} : memref<16x128xf32, #tpu.memory_space<vmem>>, vector<16xf32>,
        %parallel_loop3A_482 = arith.constant 5 : i32
        %parallel_loop3A_483 = arith.constant 0 : i32
        %parallel_loop3A_484 = tpu.memref_slice %arg6[%rem3A_62, %parallel_loop3A_103, %parallel_loop3A_483] : memref<4x128x128xf32, #tpu.memory_space<vmem>> -> memref<1x16x128xf32, #tpu.memory_space<vmem>>
        %parallel_loop3A_485 = tpu.memref_squeeze %parallel_loop3A_484 : memref<1x16x128xf32, #tpu.memory_space<vmem>> -> memref<16x128xf32, #tpu.memory_space<vmem>>
        %parallel_loop3A_486 = arith.index_cast %parallel_loop3A_482 : i32 to index
        %parallel_loop3A_487 = arith.constant 0 : index
        %parallel_loop3A_488 = tpu.vector_load %parallel_loop3A_485[%parallel_loop3A_486, %parallel_loop3A_487] {strides = array<i32>} : memref<16x128xf32, #tpu.memory_space<vmem>>, vector<16xf32>,
        %parallel_loop3A_489 = tpu.pack_subelements %parallel_loop3A_481, %parallel_loop3A_488 {pack_format = #tpu.pack_format<interleaved>, positions = array<i32: 0, 1>} : vector<16xf32>, vector<16xf32> -> vector<32xbf16>
        %parallel_loop3A_490 = vector.bitcast %parallel_loop3A_489 : vector<32xbf16> to vector<16xi32>
        %parallel_loop3A_491 = arith.constant 2 : i32
        %parallel_loop3A_492 = arith.constant 0 : i32
        %parallel_loop3A_493 = tpu.memref_slice %arg7[%rem3A_62, %parallel_loop3A_106, %parallel_loop3A_492] : memref<4x64x128xi32, #tpu.memory_space<vmem>> -> memref<1x8x128xi32, #tpu.memory_space<vmem>>
        %parallel_loop3A_494 = tpu.memref_squeeze %parallel_loop3A_493 : memref<1x8x128xi32, #tpu.memory_space<vmem>> -> memref<8x128xi32, #tpu.memory_space<vmem>>
        %parallel_loop3A_495 = arith.index_cast %parallel_loop3A_491 : i32 to index
        %parallel_loop3A_496 = arith.constant 0 : index
        %parallel_loop3A_497 = tpu.vector_load %parallel_loop3A_494[%parallel_loop3A_495, %parallel_loop3A_496] {strides = array<i32>} : memref<8x128xi32, #tpu.memory_space<vmem>>, vector<16xi32>,
        tpu.vector_store %parallel_loop3A_494[%parallel_loop3A_495, %parallel_loop3A_496], %parallel_loop3A_490 {strides = array<i32>} : memref<8x128xi32, #tpu.memory_space<vmem>>, vector<16xi32>,
        %parallel_loop3A_498 = arith.constant 4 : i32
        %parallel_loop3A_499 = arith.constant 0 : i32
        %parallel_loop3A_500 = tpu.memref_slice %arg6[%rem3A_62, %parallel_loop3A_103, %parallel_loop3A_499] : memref<4x128x128xf32, #tpu.memory_space<vmem>> -> memref<1x16x128xf32, #tpu.memory_space<vmem>>
        %parallel_loop3A_501 = tpu.memref_squeeze %parallel_loop3A_500 : memref<1x16x128xf32, #tpu.memory_space<vmem>> -> memref<16x128xf32, #tpu.memory_space<vmem>>
        %parallel_loop3A_502 = arith.index_cast %parallel_loop3A_498 : i32 to index
        %parallel_loop3A_503 = arith.constant 16 : index
        %parallel_loop3A_504 = tpu.vector_load %parallel_loop3A_501[%parallel_loop3A_502, %parallel_loop3A_503] {strides = array<i32>} : memref<16x128xf32, #tpu.memory_space<vmem>>, vector<16xf32>,
        %parallel_loop3A_505 = arith.constant 5 : i32
        %parallel_loop3A_506 = arith.constant 0 : i32
        %parallel_loop3A_507 = tpu.memref_slice %arg6[%rem3A_62, %parallel_loop3A_103, %parallel_loop3A_506] : memref<4x128x128xf32, #tpu.memory_space<vmem>> -> memref<1x16x128xf32, #tpu.memory_space<vmem>>
        %parallel_loop3A_508 = tpu.memref_squeeze %parallel_loop3A_507 : memref<1x16x128xf32, #tpu.memory_space<vmem>> -> memref<16x128xf32, #tpu.memory_space<vmem>>
        %parallel_loop3A_509 = arith.index_cast %parallel_loop3A_505 : i32 to index
        %parallel_loop3A_510 = arith.constant 16 : index
        %parallel_loop3A_511 = tpu.vector_load %parallel_loop3A_508[%parallel_loop3A_509, %parallel_loop3A_510] {strides = array<i32>} : memref<16x128xf32, #tpu.memory_space<vmem>>, vector<16xf32>,
        %parallel_loop3A_512 = tpu.pack_subelements %parallel_loop3A_504, %parallel_loop3A_511 {pack_format = #tpu.pack_format<interleaved>, positions = array<i32: 0, 1>} : vector<16xf32>, vector<16xf32> -> vector<32xbf16>
        %parallel_loop3A_513 = vector.bitcast %parallel_loop3A_512 : vector<32xbf16> to vector<16xi32>
        %parallel_loop3A_514 = arith.constant 2 : i32
        %parallel_loop3A_515 = arith.constant 0 : i32
        %parallel_loop3A_516 = tpu.memref_slice %arg7[%rem3A_62, %parallel_loop3A_106, %parallel_loop3A_515] : memref<4x64x128xi32, #tpu.memory_space<vmem>> -> memref<1x8x128xi32, #tpu.memory_space<vmem>>
        %parallel_loop3A_517 = tpu.memref_squeeze %parallel_loop3A_516 : memref<1x8x128xi32, #tpu.memory_space<vmem>> -> memref<8x128xi32, #tpu.memory_space<vmem>>
        %parallel_loop3A_518 = arith.index_cast %parallel_loop3A_514 : i32 to index
        %parallel_loop3A_519 = arith.constant 16 : index
        %parallel_loop3A_520 = tpu.vector_load %parallel_loop3A_517[%parallel_loop3A_518, %parallel_loop3A_519] {strides = array<i32>} : memref<8x128xi32, #tpu.memory_space<vmem>>, vector<16xi32>,
        tpu.vector_store %parallel_loop3A_517[%parallel_loop3A_518, %parallel_loop3A_519], %parallel_loop3A_513 {strides = array<i32>} : memref<8x128xi32, #tpu.memory_space<vmem>>, vector<16xi32>,
        %parallel_loop3A_521 = arith.constant 4 : i32
        %parallel_loop3A_522 = arith.constant 0 : i32
        %parallel_loop3A_523 = tpu.memref_slice %arg6[%rem3A_62, %parallel_loop3A_103, %parallel_loop3A_522] : memref<4x128x128xf32, #tpu.memory_space<vmem>> -> memref<1x16x128xf32, #tpu.memory_space<vmem>>
        %parallel_loop3A_524 = tpu.memref_squeeze %parallel_loop3A_523 : memref<1x16x128xf32, #tpu.memory_space<vmem>> -> memref<16x128xf32, #tpu.memory_space<vmem>>
        %parallel_loop3A_525 = arith.index_cast %parallel_loop3A_521 : i32 to index
        %parallel_loop3A_526 = arith.constant 32 : index
        %parallel_loop3A_527 = tpu.vector_load %parallel_loop3A_524[%parallel_loop3A_525, %parallel_loop3A_526] {strides = array<i32>} : memref<16x128xf32, #tpu.memory_space<vmem>>, vector<16xf32>,
        %parallel_loop3A_528 = arith.constant 5 : i32
        %parallel_loop3A_529 = arith.constant 0 : i32
        %parallel_loop3A_530 = tpu.memref_slice %arg6[%rem3A_62, %parallel_loop3A_103, %parallel_loop3A_529] : memref<4x128x128xf32, #tpu.memory_space<vmem>> -> memref<1x16x128xf32, #tpu.memory_space<vmem>>
        %parallel_loop3A_531 = tpu.memref_squeeze %parallel_loop3A_530 : memref<1x16x128xf32, #tpu.memory_space<vmem>> -> memref<16x128xf32, #tpu.memory_space<vmem>>
        %parallel_loop3A_532 = arith.index_cast %parallel_loop3A_528 : i32 to index
        %parallel_loop3A_533 = arith.constant 32 : index
        %parallel_loop3A_534 = tpu.vector_load %parallel_loop3A_531[%parallel_loop3A_532, %parallel_loop3A_533] {strides = array<i32>} : memref<16x128xf32, #tpu.memory_space<vmem>>, vector<16xf32>,
        %parallel_loop3A_535 = tpu.pack_subelements %parallel_loop3A_527, %parallel_loop3A_534 {pack_format = #tpu.pack_format<interleaved>, positions = array<i32: 0, 1>} : vector<16xf32>, vector<16xf32> -> vector<32xbf16>
        %parallel_loop3A_536 = vector.bitcast %parallel_loop3A_535 : vector<32xbf16> to vector<16xi32>
        %parallel_loop3A_537 = arith.constant 2 : i32
        %parallel_loop3A_538 = arith.constant 0 : i32
        %parallel_loop3A_539 = tpu.memref_slice %arg7[%rem3A_62, %parallel_loop3A_106, %parallel_loop3A_538] : memref<4x64x128xi32, #tpu.memory_space<vmem>> -> memref<1x8x128xi32, #tpu.memory_space<vmem>>
        %parallel_loop3A_540 = tpu.memref_squeeze %parallel_loop3A_539 : memref<1x8x128xi32, #tpu.memory_space<vmem>> -> memref<8x128xi32, #tpu.memory_space<vmem>>
        %parallel_loop3A_541 = arith.index_cast %parallel_loop3A_537 : i32 to index
        %parallel_loop3A_542 = arith.constant 32 : index
        %parallel_loop3A_543 = tpu.vector_load %parallel_loop3A_540[%parallel_loop3A_541, %parallel_loop3A_542] {strides = array<i32>} : memref<8x128xi32, #tpu.memory_space<vmem>>, vector<16xi32>,
        tpu.vector_store %parallel_loop3A_540[%parallel_loop3A_541, %parallel_loop3A_542], %parallel_loop3A_536 {strides = array<i32>} : memref<8x128xi32, #tpu.memory_space<vmem>>, vector<16xi32>,
        %parallel_loop3A_544 = arith.constant 4 : i32
        %parallel_loop3A_545 = arith.constant 0 : i32
        %parallel_loop3A_546 = tpu.memref_slice %arg6[%rem3A_62, %parallel_loop3A_103, %parallel_loop3A_545] : memref<4x128x128xf32, #tpu.memory_space<vmem>> -> memref<1x16x128xf32, #tpu.memory_space<vmem>>
        %parallel_loop3A_547 = tpu.memref_squeeze %parallel_loop3A_546 : memref<1x16x128xf32, #tpu.memory_space<vmem>> -> memref<16x128xf32, #tpu.memory_space<vmem>>
        %parallel_loop3A_548 = arith.index_cast %parallel_loop3A_544 : i32 to index
        %parallel_loop3A_549 = arith.constant 48 : index
        %parallel_loop3A_550 = tpu.vector_load %parallel_loop3A_547[%parallel_loop3A_548, %parallel_loop3A_549] {strides = array<i32>} : memref<16x128xf32, #tpu.memory_space<vmem>>, vector<16xf32>,
        %parallel_loop3A_551 = arith.constant 5 : i32
        %parallel_loop3A_552 = arith.constant 0 : i32
        %parallel_loop3A_553 = tpu.memref_slice %arg6[%rem3A_62, %parallel_loop3A_103, %parallel_loop3A_552] : memref<4x128x128xf32, #tpu.memory_space<vmem>> -> memref<1x16x128xf32, #tpu.memory_space<vmem>>
        %parallel_loop3A_554 = tpu.memref_squeeze %parallel_loop3A_553 : memref<1x16x128xf32, #tpu.memory_space<vmem>> -> memref<16x128xf32, #tpu.memory_space<vmem>>
        %parallel_loop3A_555 = arith.index_cast %parallel_loop3A_551 : i32 to index
        %parallel_loop3A_556 = arith.constant 48 : index
        %parallel_loop3A_557 = tpu.vector_load %parallel_loop3A_554[%parallel_loop3A_555, %parallel_loop3A_556] {strides = array<i32>} : memref<16x128xf32, #tpu.memory_space<vmem>>, vector<16xf32>,
        %parallel_loop3A_558 = tpu.pack_subelements %parallel_loop3A_550, %parallel_loop3A_557 {pack_format = #tpu.pack_format<interleaved>, positions = array<i32: 0, 1>} : vector<16xf32>, vector<16xf32> -> vector<32xbf16>
        %parallel_loop3A_559 = vector.bitcast %parallel_loop3A_558 : vector<32xbf16> to vector<16xi32>
        %parallel_loop3A_560 = arith.constant 2 : i32
        %parallel_loop3A_561 = arith.constant 0 : i32
        %parallel_loop3A_562 = tpu.memref_slice %arg7[%rem3A_62, %parallel_loop3A_106, %parallel_loop3A_561] : memref<4x64x128xi32, #tpu.memory_space<vmem>> -> memref<1x8x128xi32, #tpu.memory_space<vmem>>
        %parallel_loop3A_563 = tpu.memref_squeeze %parallel_loop3A_562 : memref<1x8x128xi32, #tpu.memory_space<vmem>> -> memref<8x128xi32, #tpu.memory_space<vmem>>
        %parallel_loop3A_564 = arith.index_cast %parallel_loop3A_560 : i32 to index
        %parallel_loop3A_565 = arith.constant 48 : index
        %parallel_loop3A_566 = tpu.vector_load %parallel_loop3A_563[%parallel_loop3A_564, %parallel_loop3A_565] {strides = array<i32>} : memref<8x128xi32, #tpu.memory_space<vmem>>, vector<16xi32>,
        tpu.vector_store %parallel_loop3A_563[%parallel_loop3A_564, %parallel_loop3A_565], %parallel_loop3A_559 {strides = array<i32>} : memref<8x128xi32, #tpu.memory_space<vmem>>, vector<16xi32>,
        %parallel_loop3A_567 = arith.constant 4 : i32
        %parallel_loop3A_568 = arith.constant 0 : i32
        %parallel_loop3A_569 = tpu.memref_slice %arg6[%rem3A_62, %parallel_loop3A_103, %parallel_loop3A_568] : memref<4x128x128xf32, #tpu.memory_space<vmem>> -> memref<1x16x128xf32, #tpu.memory_space<vmem>>
        %parallel_loop3A_570 = tpu.memref_squeeze %parallel_loop3A_569 : memref<1x16x128xf32, #tpu.memory_space<vmem>> -> memref<16x128xf32, #tpu.memory_space<vmem>>
        %parallel_loop3A_571 = arith.index_cast %parallel_loop3A_567 : i32 to index
        %parallel_loop3A_572 = arith.constant 64 : index
        %parallel_loop3A_573 = tpu.vector_load %parallel_loop3A_570[%parallel_loop3A_571, %parallel_loop3A_572] {strides = array<i32>} : memref<16x128xf32, #tpu.memory_space<vmem>>, vector<16xf32>,
        %parallel_loop3A_574 = arith.constant 5 : i32
        %parallel_loop3A_575 = arith.constant 0 : i32
        %parallel_loop3A_576 = tpu.memref_slice %arg6[%rem3A_62, %parallel_loop3A_103, %parallel_loop3A_575] : memref<4x128x128xf32, #tpu.memory_space<vmem>> -> memref<1x16x128xf32, #tpu.memory_space<vmem>>
        %parallel_loop3A_577 = tpu.memref_squeeze %parallel_loop3A_576 : memref<1x16x128xf32, #tpu.memory_space<vmem>> -> memref<16x128xf32, #tpu.memory_space<vmem>>
        %parallel_loop3A_578 = arith.index_cast %parallel_loop3A_574 : i32 to index
        %parallel_loop3A_579 = arith.constant 64 : index
        %parallel_loop3A_580 = tpu.vector_load %parallel_loop3A_577[%parallel_loop3A_578, %parallel_loop3A_579] {strides = array<i32>} : memref<16x128xf32, #tpu.memory_space<vmem>>, vector<16xf32>,
        %parallel_loop3A_581 = tpu.pack_subelements %parallel_loop3A_573, %parallel_loop3A_580 {pack_format = #tpu.pack_format<interleaved>, positions = array<i32: 0, 1>} : vector<16xf32>, vector<16xf32> -> vector<32xbf16>
        %parallel_loop3A_582 = vector.bitcast %parallel_loop3A_581 : vector<32xbf16> to vector<16xi32>
        %parallel_loop3A_583 = arith.constant 2 : i32
        %parallel_loop3A_584 = arith.constant 0 : i32
        %parallel_loop3A_585 = tpu.memref_slice %arg7[%rem3A_62, %parallel_loop3A_106, %parallel_loop3A_584] : memref<4x64x128xi32, #tpu.memory_space<vmem>> -> memref<1x8x128xi32, #tpu.memory_space<vmem>>
        %parallel_loop3A_586 = tpu.memref_squeeze %parallel_loop3A_585 : memref<1x8x128xi32, #tpu.memory_space<vmem>> -> memref<8x128xi32, #tpu.memory_space<vmem>>
        %parallel_loop3A_587 = arith.index_cast %parallel_loop3A_583 : i32 to index
        %parallel_loop3A_588 = arith.constant 64 : index
        %parallel_loop3A_589 = tpu.vector_load %parallel_loop3A_586[%parallel_loop3A_587, %parallel_loop3A_588] {strides = array<i32>} : memref<8x128xi32, #tpu.memory_space<vmem>>, vector<16xi32>,
        tpu.vector_store %parallel_loop3A_586[%parallel_loop3A_587, %parallel_loop3A_588], %parallel_loop3A_582 {strides = array<i32>} : memref<8x128xi32, #tpu.memory_space<vmem>>, vector<16xi32>,
        %parallel_loop3A_590 = arith.constant 4 : i32
        %parallel_loop3A_591 = arith.constant 0 : i32
        %parallel_loop3A_592 = tpu.memref_slice %arg6[%rem3A_62, %parallel_loop3A_103, %parallel_loop3A_591] : memref<4x128x128xf32, #tpu.memory_space<vmem>> -> memref<1x16x128xf32, #tpu.memory_space<vmem>>
        %parallel_loop3A_593 = tpu.memref_squeeze %parallel_loop3A_592 : memref<1x16x128xf32, #tpu.memory_space<vmem>> -> memref<16x128xf32, #tpu.memory_space<vmem>>
        %parallel_loop3A_594 = arith.index_cast %parallel_loop3A_590 : i32 to index
        %parallel_loop3A_595 = arith.constant 80 : index
        %parallel_loop3A_596 = tpu.vector_load %parallel_loop3A_593[%parallel_loop3A_594, %parallel_loop3A_595] {strides = array<i32>} : memref<16x128xf32, #tpu.memory_space<vmem>>, vector<16xf32>,
        %parallel_loop3A_597 = arith.constant 5 : i32
        %parallel_loop3A_598 = arith.constant 0 : i32
        %parallel_loop3A_599 = tpu.memref_slice %arg6[%rem3A_62, %parallel_loop3A_103, %parallel_loop3A_598] : memref<4x128x128xf32, #tpu.memory_space<vmem>> -> memref<1x16x128xf32, #tpu.memory_space<vmem>>
        %parallel_loop3A_600 = tpu.memref_squeeze %parallel_loop3A_599 : memref<1x16x128xf32, #tpu.memory_space<vmem>> -> memref<16x128xf32, #tpu.memory_space<vmem>>
        %parallel_loop3A_601 = arith.index_cast %parallel_loop3A_597 : i32 to index
        %parallel_loop3A_602 = arith.constant 80 : index
        %parallel_loop3A_603 = tpu.vector_load %parallel_loop3A_600[%parallel_loop3A_601, %parallel_loop3A_602] {strides = array<i32>} : memref<16x128xf32, #tpu.memory_space<vmem>>, vector<16xf32>,
        %parallel_loop3A_604 = tpu.pack_subelements %parallel_loop3A_596, %parallel_loop3A_603 {pack_format = #tpu.pack_format<interleaved>, positions = array<i32: 0, 1>} : vector<16xf32>, vector<16xf32> -> vector<32xbf16>
        %parallel_loop3A_605 = vector.bitcast %parallel_loop3A_604 : vector<32xbf16> to vector<16xi32>
        %parallel_loop3A_606 = arith.constant 2 : i32
        %parallel_loop3A_607 = arith.constant 0 : i32
        %parallel_loop3A_608 = tpu.memref_slice %arg7[%rem3A_62, %parallel_loop3A_106, %parallel_loop3A_607] : memref<4x64x128xi32, #tpu.memory_space<vmem>> -> memref<1x8x128xi32, #tpu.memory_space<vmem>>
        %parallel_loop3A_609 = tpu.memref_squeeze %parallel_loop3A_608 : memref<1x8x128xi32, #tpu.memory_space<vmem>> -> memref<8x128xi32, #tpu.memory_space<vmem>>
        %parallel_loop3A_610 = arith.index_cast %parallel_loop3A_606 : i32 to index
        %parallel_loop3A_611 = arith.constant 80 : index
        %parallel_loop3A_612 = tpu.vector_load %parallel_loop3A_609[%parallel_loop3A_610, %parallel_loop3A_611] {strides = array<i32>} : memref<8x128xi32, #tpu.memory_space<vmem>>, vector<16xi32>,
        tpu.vector_store %parallel_loop3A_609[%parallel_loop3A_610, %parallel_loop3A_611], %parallel_loop3A_605 {strides = array<i32>} : memref<8x128xi32, #tpu.memory_space<vmem>>, vector<16xi32>,
        %parallel_loop3A_613 = arith.constant 4 : i32
        %parallel_loop3A_614 = arith.constant 0 : i32
        %parallel_loop3A_615 = tpu.memref_slice %arg6[%rem3A_62, %parallel_loop3A_103, %parallel_loop3A_614] : memref<4x128x128xf32, #tpu.memory_space<vmem>> -> memref<1x16x128xf32, #tpu.memory_space<vmem>>
        %parallel_loop3A_616 = tpu.memref_squeeze %parallel_loop3A_615 : memref<1x16x128xf32, #tpu.memory_space<vmem>> -> memref<16x128xf32, #tpu.memory_space<vmem>>
        %parallel_loop3A_617 = arith.index_cast %parallel_loop3A_613 : i32 to index
        %parallel_loop3A_618 = arith.constant 96 : index
        %parallel_loop3A_619 = tpu.vector_load %parallel_loop3A_616[%parallel_loop3A_617, %parallel_loop3A_618] {strides = array<i32>} : memref<16x128xf32, #tpu.memory_space<vmem>>, vector<16xf32>,
        %parallel_loop3A_620 = arith.constant 5 : i32
        %parallel_loop3A_621 = arith.constant 0 : i32
        %parallel_loop3A_622 = tpu.memref_slice %arg6[%rem3A_62, %parallel_loop3A_103, %parallel_loop3A_621] : memref<4x128x128xf32, #tpu.memory_space<vmem>> -> memref<1x16x128xf32, #tpu.memory_space<vmem>>
        %parallel_loop3A_623 = tpu.memref_squeeze %parallel_loop3A_622 : memref<1x16x128xf32, #tpu.memory_space<vmem>> -> memref<16x128xf32, #tpu.memory_space<vmem>>
        %parallel_loop3A_624 = arith.index_cast %parallel_loop3A_620 : i32 to index
        %parallel_loop3A_625 = arith.constant 96 : index
        %parallel_loop3A_626 = tpu.vector_load %parallel_loop3A_623[%parallel_loop3A_624, %parallel_loop3A_625] {strides = array<i32>} : memref<16x128xf32, #tpu.memory_space<vmem>>, vector<16xf32>,
        %parallel_loop3A_627 = tpu.pack_subelements %parallel_loop3A_619, %parallel_loop3A_626 {pack_format = #tpu.pack_format<interleaved>, positions = array<i32: 0, 1>} : vector<16xf32>, vector<16xf32> -> vector<32xbf16>
        %parallel_loop3A_628 = vector.bitcast %parallel_loop3A_627 : vector<32xbf16> to vector<16xi32>
        %parallel_loop3A_629 = arith.constant 2 : i32
        %parallel_loop3A_630 = arith.constant 0 : i32
        %parallel_loop3A_631 = tpu.memref_slice %arg7[%rem3A_62, %parallel_loop3A_106, %parallel_loop3A_630] : memref<4x64x128xi32, #tpu.memory_space<vmem>> -> memref<1x8x128xi32, #tpu.memory_space<vmem>>
        %parallel_loop3A_632 = tpu.memref_squeeze %parallel_loop3A_631 : memref<1x8x128xi32, #tpu.memory_space<vmem>> -> memref<8x128xi32, #tpu.memory_space<vmem>>
        %parallel_loop3A_633 = arith.index_cast %parallel_loop3A_629 : i32 to index
        %parallel_loop3A_634 = arith.constant 96 : index
        %parallel_loop3A_635 = tpu.vector_load %parallel_loop3A_632[%parallel_loop3A_633, %parallel_loop3A_634] {strides = array<i32>} : memref<8x128xi32, #tpu.memory_space<vmem>>, vector<16xi32>,
        tpu.vector_store %parallel_loop3A_632[%parallel_loop3A_633, %parallel_loop3A_634], %parallel_loop3A_628 {strides = array<i32>} : memref<8x128xi32, #tpu.memory_space<vmem>>, vector<16xi32>,
        %parallel_loop3A_636 = arith.constant 4 : i32
        %parallel_loop3A_637 = arith.constant 0 : i32
        %parallel_loop3A_638 = tpu.memref_slice %arg6[%rem3A_62, %parallel_loop3A_103, %parallel_loop3A_637] : memref<4x128x128xf32, #tpu.memory_space<vmem>> -> memref<1x16x128xf32, #tpu.memory_space<vmem>>
        %parallel_loop3A_639 = tpu.memref_squeeze %parallel_loop3A_638 : memref<1x16x128xf32, #tpu.memory_space<vmem>> -> memref<16x128xf32, #tpu.memory_space<vmem>>
        %parallel_loop3A_640 = arith.index_cast %parallel_loop3A_636 : i32 to index
        %parallel_loop3A_641 = arith.constant 112 : index
        %parallel_loop3A_642 = tpu.vector_load %parallel_loop3A_639[%parallel_loop3A_640, %parallel_loop3A_641] {strides = array<i32>} : memref<16x128xf32, #tpu.memory_space<vmem>>, vector<16xf32>,
        %parallel_loop3A_643 = arith.constant 5 : i32
        %parallel_loop3A_644 = arith.constant 0 : i32
        %parallel_loop3A_645 = tpu.memref_slice %arg6[%rem3A_62, %parallel_loop3A_103, %parallel_loop3A_644] : memref<4x128x128xf32, #tpu.memory_space<vmem>> -> memref<1x16x128xf32, #tpu.memory_space<vmem>>
        %parallel_loop3A_646 = tpu.memref_squeeze %parallel_loop3A_645 : memref<1x16x128xf32, #tpu.memory_space<vmem>> -> memref<16x128xf32, #tpu.memory_space<vmem>>
        %parallel_loop3A_647 = arith.index_cast %parallel_loop3A_643 : i32 to index
        %parallel_loop3A_648 = arith.constant 112 : index
        %parallel_loop3A_649 = tpu.vector_load %parallel_loop3A_646[%parallel_loop3A_647, %parallel_loop3A_648] {strides = array<i32>} : memref<16x128xf32, #tpu.memory_space<vmem>>, vector<16xf32>,
        %parallel_loop3A_650 = tpu.pack_subelements %parallel_loop3A_642, %parallel_loop3A_649 {pack_format = #tpu.pack_format<interleaved>, positions = array<i32: 0, 1>} : vector<16xf32>, vector<16xf32> -> vector<32xbf16>
        %parallel_loop3A_651 = vector.bitcast %parallel_loop3A_650 : vector<32xbf16> to vector<16xi32>
        %parallel_loop3A_652 = arith.constant 2 : i32
        %parallel_loop3A_653 = arith.constant 0 : i32
        %parallel_loop3A_654 = tpu.memref_slice %arg7[%rem3A_62, %parallel_loop3A_106, %parallel_loop3A_653] : memref<4x64x128xi32, #tpu.memory_space<vmem>> -> memref<1x8x128xi32, #tpu.memory_space<vmem>>
        %parallel_loop3A_655 = tpu.memref_squeeze %parallel_loop3A_654 : memref<1x8x128xi32, #tpu.memory_space<vmem>> -> memref<8x128xi32, #tpu.memory_space<vmem>>
        %parallel_loop3A_656 = arith.index_cast %parallel_loop3A_652 : i32 to index
        %parallel_loop3A_657 = arith.constant 112 : index
        %parallel_loop3A_658 = tpu.vector_load %parallel_loop3A_655[%parallel_loop3A_656, %parallel_loop3A_657] {strides = array<i32>} : memref<8x128xi32, #tpu.memory_space<vmem>>, vector<16xi32>,
        tpu.vector_store %parallel_loop3A_655[%parallel_loop3A_656, %parallel_loop3A_657], %parallel_loop3A_651 {strides = array<i32>} : memref<8x128xi32, #tpu.memory_space<vmem>>, vector<16xi32>,
        %parallel_loop3A_659 = arith.constant 6 : i32
        %parallel_loop3A_660 = arith.constant 0 : i32
        %parallel_loop3A_661 = tpu.memref_slice %arg6[%rem3A_62, %parallel_loop3A_103, %parallel_loop3A_660] : memref<4x128x128xf32, #tpu.memory_space<vmem>> -> memref<1x16x128xf32, #tpu.memory_space<vmem>>
        %parallel_loop3A_662 = tpu.memref_squeeze %parallel_loop3A_661 : memref<1x16x128xf32, #tpu.memory_space<vmem>> -> memref<16x128xf32, #tpu.memory_space<vmem>>
        %parallel_loop3A_663 = arith.index_cast %parallel_loop3A_659 : i32 to index
        %parallel_loop3A_664 = arith.constant 0 : index
        %parallel_loop3A_665 = tpu.vector_load %parallel_loop3A_662[%parallel_loop3A_663, %parallel_loop3A_664] {strides = array<i32>} : memref<16x128xf32, #tpu.memory_space<vmem>>, vector<16xf32>,
        %parallel_loop3A_666 = arith.constant 7 : i32
        %parallel_loop3A_667 = arith.constant 0 : i32
        %parallel_loop3A_668 = tpu.memref_slice %arg6[%rem3A_62, %parallel_loop3A_103, %parallel_loop3A_667] : memref<4x128x128xf32, #tpu.memory_space<vmem>> -> memref<1x16x128xf32, #tpu.memory_space<vmem>>
        %parallel_loop3A_669 = tpu.memref_squeeze %parallel_loop3A_668 : memref<1x16x128xf32, #tpu.memory_space<vmem>> -> memref<16x128xf32, #tpu.memory_space<vmem>>
        %parallel_loop3A_670 = arith.index_cast %parallel_loop3A_666 : i32 to index
        %parallel_loop3A_671 = arith.constant 0 : index
        %parallel_loop3A_672 = tpu.vector_load %parallel_loop3A_669[%parallel_loop3A_670, %parallel_loop3A_671] {strides = array<i32>} : memref<16x128xf32, #tpu.memory_space<vmem>>, vector<16xf32>,
        %parallel_loop3A_673 = tpu.pack_subelements %parallel_loop3A_665, %parallel_loop3A_672 {pack_format = #tpu.pack_format<interleaved>, positions = array<i32: 0, 1>} : vector<16xf32>, vector<16xf32> -> vector<32xbf16>
        %parallel_loop3A_674 = vector.bitcast %parallel_loop3A_673 : vector<32xbf16> to vector<16xi32>
        %parallel_loop3A_675 = arith.constant 3 : i32
        %parallel_loop3A_676 = arith.constant 0 : i32
        %parallel_loop3A_677 = tpu.memref_slice %arg7[%rem3A_62, %parallel_loop3A_106, %parallel_loop3A_676] : memref<4x64x128xi32, #tpu.memory_space<vmem>> -> memref<1x8x128xi32, #tpu.memory_space<vmem>>
        %parallel_loop3A_678 = tpu.memref_squeeze %parallel_loop3A_677 : memref<1x8x128xi32, #tpu.memory_space<vmem>> -> memref<8x128xi32, #tpu.memory_space<vmem>>
        %parallel_loop3A_679 = arith.index_cast %parallel_loop3A_675 : i32 to index
        %parallel_loop3A_680 = arith.constant 0 : index
        %parallel_loop3A_681 = tpu.vector_load %parallel_loop3A_678[%parallel_loop3A_679, %parallel_loop3A_680] {strides = array<i32>} : memref<8x128xi32, #tpu.memory_space<vmem>>, vector<16xi32>,
        tpu.vector_store %parallel_loop3A_678[%parallel_loop3A_679, %parallel_loop3A_680], %parallel_loop3A_674 {strides = array<i32>} : memref<8x128xi32, #tpu.memory_space<vmem>>, vector<16xi32>,
        %parallel_loop3A_682 = arith.constant 6 : i32
        %parallel_loop3A_683 = arith.constant 0 : i32
        %parallel_loop3A_684 = tpu.memref_slice %arg6[%rem3A_62, %parallel_loop3A_103, %parallel_loop3A_683] : memref<4x128x128xf32, #tpu.memory_space<vmem>> -> memref<1x16x128xf32, #tpu.memory_space<vmem>>
        %parallel_loop3A_685 = tpu.memref_squeeze %parallel_loop3A_684 : memref<1x16x128xf32, #tpu.memory_space<vmem>> -> memref<16x128xf32, #tpu.memory_space<vmem>>
        %parallel_loop3A_686 = arith.index_cast %parallel_loop3A_682 : i32 to index
        %parallel_loop3A_687 = arith.constant 16 : index
        %parallel_loop3A_688 = tpu.vector_load %parallel_loop3A_685[%parallel_loop3A_686, %parallel_loop3A_687] {strides = array<i32>} : memref<16x128xf32, #tpu.memory_space<vmem>>, vector<16xf32>,
        %parallel_loop3A_689 = arith.constant 7 : i32
        %parallel_loop3A_690 = arith.constant 0 : i32
        %parallel_loop3A_691 = tpu.memref_slice %arg6[%rem3A_62, %parallel_loop3A_103, %parallel_loop3A_690] : memref<4x128x128xf32, #tpu.memory_space<vmem>> -> memref<1x16x128xf32, #tpu.memory_space<vmem>>
        %parallel_loop3A_692 = tpu.memref_squeeze %parallel_loop3A_691 : memref<1x16x128xf32, #tpu.memory_space<vmem>> -> memref<16x128xf32, #tpu.memory_space<vmem>>
        %parallel_loop3A_693 = arith.index_cast %parallel_loop3A_689 : i32 to index
        %parallel_loop3A_694 = arith.constant 16 : index
        %parallel_loop3A_695 = tpu.vector_load %parallel_loop3A_692[%parallel_loop3A_693, %parallel_loop3A_694] {strides = array<i32>} : memref<16x128xf32, #tpu.memory_space<vmem>>, vector<16xf32>,
        %parallel_loop3A_696 = tpu.pack_subelements %parallel_loop3A_688, %parallel_loop3A_695 {pack_format = #tpu.pack_format<interleaved>, positions = array<i32: 0, 1>} : vector<16xf32>, vector<16xf32> -> vector<32xbf16>
        %parallel_loop3A_697 = vector.bitcast %parallel_loop3A_696 : vector<32xbf16> to vector<16xi32>
        %parallel_loop3A_698 = arith.constant 3 : i32
        %parallel_loop3A_699 = arith.constant 0 : i32
        %parallel_loop3A_700 = tpu.memref_slice %arg7[%rem3A_62, %parallel_loop3A_106, %parallel_loop3A_699] : memref<4x64x128xi32, #tpu.memory_space<vmem>> -> memref<1x8x128xi32, #tpu.memory_space<vmem>>
        %parallel_loop3A_701 = tpu.memref_squeeze %parallel_loop3A_700 : memref<1x8x128xi32, #tpu.memory_space<vmem>> -> memref<8x128xi32, #tpu.memory_space<vmem>>
        %parallel_loop3A_702 = arith.index_cast %parallel_loop3A_698 : i32 to index
        %parallel_loop3A_703 = arith.constant 16 : index
        %parallel_loop3A_704 = tpu.vector_load %parallel_loop3A_701[%parallel_loop3A_702, %parallel_loop3A_703] {strides = array<i32>} : memref<8x128xi32, #tpu.memory_space<vmem>>, vector<16xi32>,
        tpu.vector_store %parallel_loop3A_701[%parallel_loop3A_702, %parallel_loop3A_703], %parallel_loop3A_697 {strides = array<i32>} : memref<8x128xi32, #tpu.memory_space<vmem>>, vector<16xi32>,
        %parallel_loop3A_705 = arith.constant 6 : i32
        %parallel_loop3A_706 = arith.constant 0 : i32
        %parallel_loop3A_707 = tpu.memref_slice %arg6[%rem3A_62, %parallel_loop3A_103, %parallel_loop3A_706] : memref<4x128x128xf32, #tpu.memory_space<vmem>> -> memref<1x16x128xf32, #tpu.memory_space<vmem>>
        %parallel_loop3A_708 = tpu.memref_squeeze %parallel_loop3A_707 : memref<1x16x128xf32, #tpu.memory_space<vmem>> -> memref<16x128xf32, #tpu.memory_space<vmem>>
        %parallel_loop3A_709 = arith.index_cast %parallel_loop3A_705 : i32 to index
        %parallel_loop3A_710 = arith.constant 32 : index
        %parallel_loop3A_711 = tpu.vector_load %parallel_loop3A_708[%parallel_loop3A_709, %parallel_loop3A_710] {strides = array<i32>} : memref<16x128xf32, #tpu.memory_space<vmem>>, vector<16xf32>,
        %parallel_loop3A_712 = arith.constant 7 : i32
        %parallel_loop3A_713 = arith.constant 0 : i32
        %parallel_loop3A_714 = tpu.memref_slice %arg6[%rem3A_62, %parallel_loop3A_103, %parallel_loop3A_713] : memref<4x128x128xf32, #tpu.memory_space<vmem>> -> memref<1x16x128xf32, #tpu.memory_space<vmem>>
        %parallel_loop3A_715 = tpu.memref_squeeze %parallel_loop3A_714 : memref<1x16x128xf32, #tpu.memory_space<vmem>> -> memref<16x128xf32, #tpu.memory_space<vmem>>
        %parallel_loop3A_716 = arith.index_cast %parallel_loop3A_712 : i32 to index
        %parallel_loop3A_717 = arith.constant 32 : index
        %parallel_loop3A_718 = tpu.vector_load %parallel_loop3A_715[%parallel_loop3A_716, %parallel_loop3A_717] {strides = array<i32>} : memref<16x128xf32, #tpu.memory_space<vmem>>, vector<16xf32>,
        %parallel_loop3A_719 = tpu.pack_subelements %parallel_loop3A_711, %parallel_loop3A_718 {pack_format = #tpu.pack_format<interleaved>, positions = array<i32: 0, 1>} : vector<16xf32>, vector<16xf32> -> vector<32xbf16>
        %parallel_loop3A_720 = vector.bitcast %parallel_loop3A_719 : vector<32xbf16> to vector<16xi32>
        %parallel_loop3A_721 = arith.constant 3 : i32
        %parallel_loop3A_722 = arith.constant 0 : i32
        %parallel_loop3A_723 = tpu.memref_slice %arg7[%rem3A_62, %parallel_loop3A_106, %parallel_loop3A_722] : memref<4x64x128xi32, #tpu.memory_space<vmem>> -> memref<1x8x128xi32, #tpu.memory_space<vmem>>
        %parallel_loop3A_724 = tpu.memref_squeeze %parallel_loop3A_723 : memref<1x8x128xi32, #tpu.memory_space<vmem>> -> memref<8x128xi32, #tpu.memory_space<vmem>>
        %parallel_loop3A_725 = arith.index_cast %parallel_loop3A_721 : i32 to index
        %parallel_loop3A_726 = arith.constant 32 : index
        %parallel_loop3A_727 = tpu.vector_load %parallel_loop3A_724[%parallel_loop3A_725, %parallel_loop3A_726] {strides = array<i32>} : memref<8x128xi32, #tpu.memory_space<vmem>>, vector<16xi32>,
        tpu.vector_store %parallel_loop3A_724[%parallel_loop3A_725, %parallel_loop3A_726], %parallel_loop3A_720 {strides = array<i32>} : memref<8x128xi32, #tpu.memory_space<vmem>>, vector<16xi32>,
        %parallel_loop3A_728 = arith.constant 6 : i32
        %parallel_loop3A_729 = arith.constant 0 : i32
        %parallel_loop3A_730 = tpu.memref_slice %arg6[%rem3A_62, %parallel_loop3A_103, %parallel_loop3A_729] : memref<4x128x128xf32, #tpu.memory_space<vmem>> -> memref<1x16x128xf32, #tpu.memory_space<vmem>>
        %parallel_loop3A_731 = tpu.memref_squeeze %parallel_loop3A_730 : memref<1x16x128xf32, #tpu.memory_space<vmem>> -> memref<16x128xf32, #tpu.memory_space<vmem>>
        %parallel_loop3A_732 = arith.index_cast %parallel_loop3A_728 : i32 to index
        %parallel_loop3A_733 = arith.constant 48 : index
        %parallel_loop3A_734 = tpu.vector_load %parallel_loop3A_731[%parallel_loop3A_732, %parallel_loop3A_733] {strides = array<i32>} : memref<16x128xf32, #tpu.memory_space<vmem>>, vector<16xf32>,
        %parallel_loop3A_735 = arith.constant 7 : i32
        %parallel_loop3A_736 = arith.constant 0 : i32
        %parallel_loop3A_737 = tpu.memref_slice %arg6[%rem3A_62, %parallel_loop3A_103, %parallel_loop3A_736] : memref<4x128x128xf32, #tpu.memory_space<vmem>> -> memref<1x16x128xf32, #tpu.memory_space<vmem>>
        %parallel_loop3A_738 = tpu.memref_squeeze %parallel_loop3A_737 : memref<1x16x128xf32, #tpu.memory_space<vmem>> -> memref<16x128xf32, #tpu.memory_space<vmem>>
        %parallel_loop3A_739 = arith.index_cast %parallel_loop3A_735 : i32 to index
        %parallel_loop3A_740 = arith.constant 48 : index
        %parallel_loop3A_741 = tpu.vector_load %parallel_loop3A_738[%parallel_loop3A_739, %parallel_loop3A_740] {strides = array<i32>} : memref<16x128xf32, #tpu.memory_space<vmem>>, vector<16xf32>,
        %parallel_loop3A_742 = tpu.pack_subelements %parallel_loop3A_734, %parallel_loop3A_741 {pack_format = #tpu.pack_format<interleaved>, positions = array<i32: 0, 1>} : vector<16xf32>, vector<16xf32> -> vector<32xbf16>
        %parallel_loop3A_743 = vector.bitcast %parallel_loop3A_742 : vector<32xbf16> to vector<16xi32>
        %parallel_loop3A_744 = arith.constant 3 : i32
        %parallel_loop3A_745 = arith.constant 0 : i32
        %parallel_loop3A_746 = tpu.memref_slice %arg7[%rem3A_62, %parallel_loop3A_106, %parallel_loop3A_745] : memref<4x64x128xi32, #tpu.memory_space<vmem>> -> memref<1x8x128xi32, #tpu.memory_space<vmem>>
        %parallel_loop3A_747 = tpu.memref_squeeze %parallel_loop3A_746 : memref<1x8x128xi32, #tpu.memory_space<vmem>> -> memref<8x128xi32, #tpu.memory_space<vmem>>
        %parallel_loop3A_748 = arith.index_cast %parallel_loop3A_744 : i32 to index
        %parallel_loop3A_749 = arith.constant 48 : index
        %parallel_loop3A_750 = tpu.vector_load %parallel_loop3A_747[%parallel_loop3A_748, %parallel_loop3A_749] {strides = array<i32>} : memref<8x128xi32, #tpu.memory_space<vmem>>, vector<16xi32>,
        tpu.vector_store %parallel_loop3A_747[%parallel_loop3A_748, %parallel_loop3A_749], %parallel_loop3A_743 {strides = array<i32>} : memref<8x128xi32, #tpu.memory_space<vmem>>, vector<16xi32>,
        %parallel_loop3A_751 = arith.constant 6 : i32
        %parallel_loop3A_752 = arith.constant 0 : i32
        %parallel_loop3A_753 = tpu.memref_slice %arg6[%rem3A_62, %parallel_loop3A_103, %parallel_loop3A_752] : memref<4x128x128xf32, #tpu.memory_space<vmem>> -> memref<1x16x128xf32, #tpu.memory_space<vmem>>
        %parallel_loop3A_754 = tpu.memref_squeeze %parallel_loop3A_753 : memref<1x16x128xf32, #tpu.memory_space<vmem>> -> memref<16x128xf32, #tpu.memory_space<vmem>>
        %parallel_loop3A_755 = arith.index_cast %parallel_loop3A_751 : i32 to index
        %parallel_loop3A_756 = arith.constant 64 : index
        %parallel_loop3A_757 = tpu.vector_load %parallel_loop3A_754[%parallel_loop3A_755, %parallel_loop3A_756] {strides = array<i32>} : memref<16x128xf32, #tpu.memory_space<vmem>>, vector<16xf32>,
        %parallel_loop3A_758 = arith.constant 7 : i32
        %parallel_loop3A_759 = arith.constant 0 : i32
        %parallel_loop3A_760 = tpu.memref_slice %arg6[%rem3A_62, %parallel_loop3A_103, %parallel_loop3A_759] : memref<4x128x128xf32, #tpu.memory_space<vmem>> -> memref<1x16x128xf32, #tpu.memory_space<vmem>>
        %parallel_loop3A_761 = tpu.memref_squeeze %parallel_loop3A_760 : memref<1x16x128xf32, #tpu.memory_space<vmem>> -> memref<16x128xf32, #tpu.memory_space<vmem>>
        %parallel_loop3A_762 = arith.index_cast %parallel_loop3A_758 : i32 to index
        %parallel_loop3A_763 = arith.constant 64 : index
        %parallel_loop3A_764 = tpu.vector_load %parallel_loop3A_761[%parallel_loop3A_762, %parallel_loop3A_763] {strides = array<i32>} : memref<16x128xf32, #tpu.memory_space<vmem>>, vector<16xf32>,
        %parallel_loop3A_765 = tpu.pack_subelements %parallel_loop3A_757, %parallel_loop3A_764 {pack_format = #tpu.pack_format<interleaved>, positions = array<i32: 0, 1>} : vector<16xf32>, vector<16xf32> -> vector<32xbf16>
        %parallel_loop3A_766 = vector.bitcast %parallel_loop3A_765 : vector<32xbf16> to vector<16xi32>
        %parallel_loop3A_767 = arith.constant 3 : i32
        %parallel_loop3A_768 = arith.constant 0 : i32
        %parallel_loop3A_769 = tpu.memref_slice %arg7[%rem3A_62, %parallel_loop3A_106, %parallel_loop3A_768] : memref<4x64x128xi32, #tpu.memory_space<vmem>> -> memref<1x8x128xi32, #tpu.memory_space<vmem>>
        %parallel_loop3A_770 = tpu.memref_squeeze %parallel_loop3A_769 : memref<1x8x128xi32, #tpu.memory_space<vmem>> -> memref<8x128xi32, #tpu.memory_space<vmem>>
        %parallel_loop3A_771 = arith.index_cast %parallel_loop3A_767 : i32 to index
        %parallel_loop3A_772 = arith.constant 64 : index
        %parallel_loop3A_773 = tpu.vector_load %parallel_loop3A_770[%parallel_loop3A_771, %parallel_loop3A_772] {strides = array<i32>} : memref<8x128xi32, #tpu.memory_space<vmem>>, vector<16xi32>,
        tpu.vector_store %parallel_loop3A_770[%parallel_loop3A_771, %parallel_loop3A_772], %parallel_loop3A_766 {strides = array<i32>} : memref<8x128xi32, #tpu.memory_space<vmem>>, vector<16xi32>,
        %parallel_loop3A_774 = arith.constant 6 : i32
        %parallel_loop3A_775 = arith.constant 0 : i32
        %parallel_loop3A_776 = tpu.memref_slice %arg6[%rem3A_62, %parallel_loop3A_103, %parallel_loop3A_775] : memref<4x128x128xf32, #tpu.memory_space<vmem>> -> memref<1x16x128xf32, #tpu.memory_space<vmem>>
        %parallel_loop3A_777 = tpu.memref_squeeze %parallel_loop3A_776 : memref<1x16x128xf32, #tpu.memory_space<vmem>> -> memref<16x128xf32, #tpu.memory_space<vmem>>
        %parallel_loop3A_778 = arith.index_cast %parallel_loop3A_774 : i32 to index
        %parallel_loop3A_779 = arith.constant 80 : index
        %parallel_loop3A_780 = tpu.vector_load %parallel_loop3A_777[%parallel_loop3A_778, %parallel_loop3A_779] {strides = array<i32>} : memref<16x128xf32, #tpu.memory_space<vmem>>, vector<16xf32>,
        %parallel_loop3A_781 = arith.constant 7 : i32
        %parallel_loop3A_782 = arith.constant 0 : i32
        %parallel_loop3A_783 = tpu.memref_slice %arg6[%rem3A_62, %parallel_loop3A_103, %parallel_loop3A_782] : memref<4x128x128xf32, #tpu.memory_space<vmem>> -> memref<1x16x128xf32, #tpu.memory_space<vmem>>
        %parallel_loop3A_784 = tpu.memref_squeeze %parallel_loop3A_783 : memref<1x16x128xf32, #tpu.memory_space<vmem>> -> memref<16x128xf32, #tpu.memory_space<vmem>>
        %parallel_loop3A_785 = arith.index_cast %parallel_loop3A_781 : i32 to index
        %parallel_loop3A_786 = arith.constant 80 : index
        %parallel_loop3A_787 = tpu.vector_load %parallel_loop3A_784[%parallel_loop3A_785, %parallel_loop3A_786] {strides = array<i32>} : memref<16x128xf32, #tpu.memory_space<vmem>>, vector<16xf32>,
        %parallel_loop3A_788 = tpu.pack_subelements %parallel_loop3A_780, %parallel_loop3A_787 {pack_format = #tpu.pack_format<interleaved>, positions = array<i32: 0, 1>} : vector<16xf32>, vector<16xf32> -> vector<32xbf16>
        %parallel_loop3A_789 = vector.bitcast %parallel_loop3A_788 : vector<32xbf16> to vector<16xi32>
        %parallel_loop3A_790 = arith.constant 3 : i32
        %parallel_loop3A_791 = arith.constant 0 : i32
        %parallel_loop3A_792 = tpu.memref_slice %arg7[%rem3A_62, %parallel_loop3A_106, %parallel_loop3A_791] : memref<4x64x128xi32, #tpu.memory_space<vmem>> -> memref<1x8x128xi32, #tpu.memory_space<vmem>>
        %parallel_loop3A_793 = tpu.memref_squeeze %parallel_loop3A_792 : memref<1x8x128xi32, #tpu.memory_space<vmem>> -> memref<8x128xi32, #tpu.memory_space<vmem>>
        %parallel_loop3A_794 = arith.index_cast %parallel_loop3A_790 : i32 to index
        %parallel_loop3A_795 = arith.constant 80 : index
        %parallel_loop3A_796 = tpu.vector_load %parallel_loop3A_793[%parallel_loop3A_794, %parallel_loop3A_795] {strides = array<i32>} : memref<8x128xi32, #tpu.memory_space<vmem>>, vector<16xi32>,
        tpu.vector_store %parallel_loop3A_793[%parallel_loop3A_794, %parallel_loop3A_795], %parallel_loop3A_789 {strides = array<i32>} : memref<8x128xi32, #tpu.memory_space<vmem>>, vector<16xi32>,
        %parallel_loop3A_797 = arith.constant 6 : i32
        %parallel_loop3A_798 = arith.constant 0 : i32
        %parallel_loop3A_799 = tpu.memref_slice %arg6[%rem3A_62, %parallel_loop3A_103, %parallel_loop3A_798] : memref<4x128x128xf32, #tpu.memory_space<vmem>> -> memref<1x16x128xf32, #tpu.memory_space<vmem>>
        %parallel_loop3A_800 = tpu.memref_squeeze %parallel_loop3A_799 : memref<1x16x128xf32, #tpu.memory_space<vmem>> -> memref<16x128xf32, #tpu.memory_space<vmem>>
        %parallel_loop3A_801 = arith.index_cast %parallel_loop3A_797 : i32 to index
        %parallel_loop3A_802 = arith.constant 96 : index
        %parallel_loop3A_803 = tpu.vector_load %parallel_loop3A_800[%parallel_loop3A_801, %parallel_loop3A_802] {strides = array<i32>} : memref<16x128xf32, #tpu.memory_space<vmem>>, vector<16xf32>,
        %parallel_loop3A_804 = arith.constant 7 : i32
        %parallel_loop3A_805 = arith.constant 0 : i32
        %parallel_loop3A_806 = tpu.memref_slice %arg6[%rem3A_62, %parallel_loop3A_103, %parallel_loop3A_805] : memref<4x128x128xf32, #tpu.memory_space<vmem>> -> memref<1x16x128xf32, #tpu.memory_space<vmem>>
        %parallel_loop3A_807 = tpu.memref_squeeze %parallel_loop3A_806 : memref<1x16x128xf32, #tpu.memory_space<vmem>> -> memref<16x128xf32, #tpu.memory_space<vmem>>
        %parallel_loop3A_808 = arith.index_cast %parallel_loop3A_804 : i32 to index
        %parallel_loop3A_809 = arith.constant 96 : index
        %parallel_loop3A_810 = tpu.vector_load %parallel_loop3A_807[%parallel_loop3A_808, %parallel_loop3A_809] {strides = array<i32>} : memref<16x128xf32, #tpu.memory_space<vmem>>, vector<16xf32>,
        %parallel_loop3A_811 = tpu.pack_subelements %parallel_loop3A_803, %parallel_loop3A_810 {pack_format = #tpu.pack_format<interleaved>, positions = array<i32: 0, 1>} : vector<16xf32>, vector<16xf32> -> vector<32xbf16>
        %parallel_loop3A_812 = vector.bitcast %parallel_loop3A_811 : vector<32xbf16> to vector<16xi32>
        %parallel_loop3A_813 = arith.constant 3 : i32
        %parallel_loop3A_814 = arith.constant 0 : i32
        %parallel_loop3A_815 = tpu.memref_slice %arg7[%rem3A_62, %parallel_loop3A_106, %parallel_loop3A_814] : memref<4x64x128xi32, #tpu.memory_space<vmem>> -> memref<1x8x128xi32, #tpu.memory_space<vmem>>
        %parallel_loop3A_816 = tpu.memref_squeeze %parallel_loop3A_815 : memref<1x8x128xi32, #tpu.memory_space<vmem>> -> memref<8x128xi32, #tpu.memory_space<vmem>>
        %parallel_loop3A_817 = arith.index_cast %parallel_loop3A_813 : i32 to index
        %parallel_loop3A_818 = arith.constant 96 : index
        %parallel_loop3A_819 = tpu.vector_load %parallel_loop3A_816[%parallel_loop3A_817, %parallel_loop3A_818] {strides = array<i32>} : memref<8x128xi32, #tpu.memory_space<vmem>>, vector<16xi32>,
        tpu.vector_store %parallel_loop3A_816[%parallel_loop3A_817, %parallel_loop3A_818], %parallel_loop3A_812 {strides = array<i32>} : memref<8x128xi32, #tpu.memory_space<vmem>>, vector<16xi32>,
        %parallel_loop3A_820 = arith.constant 6 : i32
        %parallel_loop3A_821 = arith.constant 0 : i32
        %parallel_loop3A_822 = tpu.memref_slice %arg6[%rem3A_62, %parallel_loop3A_103, %parallel_loop3A_821] : memref<4x128x128xf32, #tpu.memory_space<vmem>> -> memref<1x16x128xf32, #tpu.memory_space<vmem>>
        %parallel_loop3A_823 = tpu.memref_squeeze %parallel_loop3A_822 : memref<1x16x128xf32, #tpu.memory_space<vmem>> -> memref<16x128xf32, #tpu.memory_space<vmem>>
        %parallel_loop3A_824 = arith.index_cast %parallel_loop3A_820 : i32 to index
        %parallel_loop3A_825 = arith.constant 112 : index
        %parallel_loop3A_826 = tpu.vector_load %parallel_loop3A_823[%parallel_loop3A_824, %parallel_loop3A_825] {strides = array<i32>} : memref<16x128xf32, #tpu.memory_space<vmem>>, vector<16xf32>,
        %parallel_loop3A_827 = arith.constant 7 : i32
        %parallel_loop3A_828 = arith.constant 0 : i32
        %parallel_loop3A_829 = tpu.memref_slice %arg6[%rem3A_62, %parallel_loop3A_103, %parallel_loop3A_828] : memref<4x128x128xf32, #tpu.memory_space<vmem>> -> memref<1x16x128xf32, #tpu.memory_space<vmem>>
        %parallel_loop3A_830 = tpu.memref_squeeze %parallel_loop3A_829 : memref<1x16x128xf32, #tpu.memory_space<vmem>> -> memref<16x128xf32, #tpu.memory_space<vmem>>
        %parallel_loop3A_831 = arith.index_cast %parallel_loop3A_827 : i32 to index
        %parallel_loop3A_832 = arith.constant 112 : index
        %parallel_loop3A_833 = tpu.vector_load %parallel_loop3A_830[%parallel_loop3A_831, %parallel_loop3A_832] {strides = array<i32>} : memref<16x128xf32, #tpu.memory_space<vmem>>, vector<16xf32>,
        %parallel_loop3A_834 = tpu.pack_subelements %parallel_loop3A_826, %parallel_loop3A_833 {pack_format = #tpu.pack_format<interleaved>, positions = array<i32: 0, 1>} : vector<16xf32>, vector<16xf32> -> vector<32xbf16>
        %parallel_loop3A_835 = vector.bitcast %parallel_loop3A_834 : vector<32xbf16> to vector<16xi32>
        %parallel_loop3A_836 = arith.constant 3 : i32
        %parallel_loop3A_837 = arith.constant 0 : i32
        %parallel_loop3A_838 = tpu.memref_slice %arg7[%rem3A_62, %parallel_loop3A_106, %parallel_loop3A_837] : memref<4x64x128xi32, #tpu.memory_space<vmem>> -> memref<1x8x128xi32, #tpu.memory_space<vmem>>
        %parallel_loop3A_839 = tpu.memref_squeeze %parallel_loop3A_838 : memref<1x8x128xi32, #tpu.memory_space<vmem>> -> memref<8x128xi32, #tpu.memory_space<vmem>>
        %parallel_loop3A_840 = arith.index_cast %parallel_loop3A_836 : i32 to index
        %parallel_loop3A_841 = arith.constant 112 : index
        %parallel_loop3A_842 = tpu.vector_load %parallel_loop3A_839[%parallel_loop3A_840, %parallel_loop3A_841] {strides = array<i32>} : memref<8x128xi32, #tpu.memory_space<vmem>>, vector<16xi32>,
        tpu.vector_store %parallel_loop3A_839[%parallel_loop3A_840, %parallel_loop3A_841], %parallel_loop3A_835 {strides = array<i32>} : memref<8x128xi32, #tpu.memory_space<vmem>>, vector<16xi32>,
        %parallel_loop3A_843 = arith.constant 8 : i32
        %parallel_loop3A_844 = arith.constant 0 : i32
        %parallel_loop3A_845 = tpu.memref_slice %arg6[%rem3A_62, %parallel_loop3A_103, %parallel_loop3A_844] : memref<4x128x128xf32, #tpu.memory_space<vmem>> -> memref<1x16x128xf32, #tpu.memory_space<vmem>>
        %parallel_loop3A_846 = tpu.memref_squeeze %parallel_loop3A_845 : memref<1x16x128xf32, #tpu.memory_space<vmem>> -> memref<16x128xf32, #tpu.memory_space<vmem>>
        %parallel_loop3A_847 = arith.index_cast %parallel_loop3A_843 : i32 to index
        %parallel_loop3A_848 = arith.constant 0 : index
        %parallel_loop3A_849 = tpu.vector_load %parallel_loop3A_846[%parallel_loop3A_847, %parallel_loop3A_848] {strides = array<i32>} : memref<16x128xf32, #tpu.memory_space<vmem>>, vector<16xf32>,
        %parallel_loop3A_850 = arith.constant 9 : i32
        %parallel_loop3A_851 = arith.constant 0 : i32
        %parallel_loop3A_852 = tpu.memref_slice %arg6[%rem3A_62, %parallel_loop3A_103, %parallel_loop3A_851] : memref<4x128x128xf32, #tpu.memory_space<vmem>> -> memref<1x16x128xf32, #tpu.memory_space<vmem>>
        %parallel_loop3A_853 = tpu.memref_squeeze %parallel_loop3A_852 : memref<1x16x128xf32, #tpu.memory_space<vmem>> -> memref<16x128xf32, #tpu.memory_space<vmem>>
        %parallel_loop3A_854 = arith.index_cast %parallel_loop3A_850 : i32 to index
        %parallel_loop3A_855 = arith.constant 0 : index
        %parallel_loop3A_856 = tpu.vector_load %parallel_loop3A_853[%parallel_loop3A_854, %parallel_loop3A_855] {strides = array<i32>} : memref<16x128xf32, #tpu.memory_space<vmem>>, vector<16xf32>,
        %parallel_loop3A_857 = tpu.pack_subelements %parallel_loop3A_849, %parallel_loop3A_856 {pack_format = #tpu.pack_format<interleaved>, positions = array<i32: 0, 1>} : vector<16xf32>, vector<16xf32> -> vector<32xbf16>
        %parallel_loop3A_858 = vector.bitcast %parallel_loop3A_857 : vector<32xbf16> to vector<16xi32>
        %parallel_loop3A_859 = arith.constant 4 : i32
        %parallel_loop3A_860 = arith.constant 0 : i32
        %parallel_loop3A_861 = tpu.memref_slice %arg7[%rem3A_62, %parallel_loop3A_106, %parallel_loop3A_860] : memref<4x64x128xi32, #tpu.memory_space<vmem>> -> memref<1x8x128xi32, #tpu.memory_space<vmem>>
        %parallel_loop3A_862 = tpu.memref_squeeze %parallel_loop3A_861 : memref<1x8x128xi32, #tpu.memory_space<vmem>> -> memref<8x128xi32, #tpu.memory_space<vmem>>
        %parallel_loop3A_863 = arith.index_cast %parallel_loop3A_859 : i32 to index
        %parallel_loop3A_864 = arith.constant 0 : index
        %parallel_loop3A_865 = tpu.vector_load %parallel_loop3A_862[%parallel_loop3A_863, %parallel_loop3A_864] {strides = array<i32>} : memref<8x128xi32, #tpu.memory_space<vmem>>, vector<16xi32>,
        tpu.vector_store %parallel_loop3A_862[%parallel_loop3A_863, %parallel_loop3A_864], %parallel_loop3A_858 {strides = array<i32>} : memref<8x128xi32, #tpu.memory_space<vmem>>, vector<16xi32>,
        %parallel_loop3A_866 = arith.constant 8 : i32
        %parallel_loop3A_867 = arith.constant 0 : i32
        %parallel_loop3A_868 = tpu.memref_slice %arg6[%rem3A_62, %parallel_loop3A_103, %parallel_loop3A_867] : memref<4x128x128xf32, #tpu.memory_space<vmem>> -> memref<1x16x128xf32, #tpu.memory_space<vmem>>
        %parallel_loop3A_869 = tpu.memref_squeeze %parallel_loop3A_868 : memref<1x16x128xf32, #tpu.memory_space<vmem>> -> memref<16x128xf32, #tpu.memory_space<vmem>>
        %parallel_loop3A_870 = arith.index_cast %parallel_loop3A_866 : i32 to index
        %parallel_loop3A_871 = arith.constant 16 : index
        %parallel_loop3A_872 = tpu.vector_load %parallel_loop3A_869[%parallel_loop3A_870, %parallel_loop3A_871] {strides = array<i32>} : memref<16x128xf32, #tpu.memory_space<vmem>>, vector<16xf32>,
        %parallel_loop3A_873 = arith.constant 9 : i32
        %parallel_loop3A_874 = arith.constant 0 : i32
        %parallel_loop3A_875 = tpu.memref_slice %arg6[%rem3A_62, %parallel_loop3A_103, %parallel_loop3A_874] : memref<4x128x128xf32, #tpu.memory_space<vmem>> -> memref<1x16x128xf32, #tpu.memory_space<vmem>>
        %parallel_loop3A_876 = tpu.memref_squeeze %parallel_loop3A_875 : memref<1x16x128xf32, #tpu.memory_space<vmem>> -> memref<16x128xf32, #tpu.memory_space<vmem>>
        %parallel_loop3A_877 = arith.index_cast %parallel_loop3A_873 : i32 to index
        %parallel_loop3A_878 = arith.constant 16 : index
        %parallel_loop3A_879 = tpu.vector_load %parallel_loop3A_876[%parallel_loop3A_877, %parallel_loop3A_878] {strides = array<i32>} : memref<16x128xf32, #tpu.memory_space<vmem>>, vector<16xf32>,
        %parallel_loop3A_880 = tpu.pack_subelements %parallel_loop3A_872, %parallel_loop3A_879 {pack_format = #tpu.pack_format<interleaved>, positions = array<i32: 0, 1>} : vector<16xf32>, vector<16xf32> -> vector<32xbf16>
        %parallel_loop3A_881 = vector.bitcast %parallel_loop3A_880 : vector<32xbf16> to vector<16xi32>
        %parallel_loop3A_882 = arith.constant 4 : i32
        %parallel_loop3A_883 = arith.constant 0 : i32
        %parallel_loop3A_884 = tpu.memref_slice %arg7[%rem3A_62, %parallel_loop3A_106, %parallel_loop3A_883] : memref<4x64x128xi32, #tpu.memory_space<vmem>> -> memref<1x8x128xi32, #tpu.memory_space<vmem>>
        %parallel_loop3A_885 = tpu.memref_squeeze %parallel_loop3A_884 : memref<1x8x128xi32, #tpu.memory_space<vmem>> -> memref<8x128xi32, #tpu.memory_space<vmem>>
        %parallel_loop3A_886 = arith.index_cast %parallel_loop3A_882 : i32 to index
        %parallel_loop3A_887 = arith.constant 16 : index
        %parallel_loop3A_888 = tpu.vector_load %parallel_loop3A_885[%parallel_loop3A_886, %parallel_loop3A_887] {strides = array<i32>} : memref<8x128xi32, #tpu.memory_space<vmem>>, vector<16xi32>,
        tpu.vector_store %parallel_loop3A_885[%parallel_loop3A_886, %parallel_loop3A_887], %parallel_loop3A_881 {strides = array<i32>} : memref<8x128xi32, #tpu.memory_space<vmem>>, vector<16xi32>,
        %parallel_loop3A_889 = arith.constant 8 : i32
        %parallel_loop3A_890 = arith.constant 0 : i32
        %parallel_loop3A_891 = tpu.memref_slice %arg6[%rem3A_62, %parallel_loop3A_103, %parallel_loop3A_890] : memref<4x128x128xf32, #tpu.memory_space<vmem>> -> memref<1x16x128xf32, #tpu.memory_space<vmem>>
        %parallel_loop3A_892 = tpu.memref_squeeze %parallel_loop3A_891 : memref<1x16x128xf32, #tpu.memory_space<vmem>> -> memref<16x128xf32, #tpu.memory_space<vmem>>
        %parallel_loop3A_893 = arith.index_cast %parallel_loop3A_889 : i32 to index
        %parallel_loop3A_894 = arith.constant 32 : index
        %parallel_loop3A_895 = tpu.vector_load %parallel_loop3A_892[%parallel_loop3A_893, %parallel_loop3A_894] {strides = array<i32>} : memref<16x128xf32, #tpu.memory_space<vmem>>, vector<16xf32>,
        %parallel_loop3A_896 = arith.constant 9 : i32
        %parallel_loop3A_897 = arith.constant 0 : i32
        %parallel_loop3A_898 = tpu.memref_slice %arg6[%rem3A_62, %parallel_loop3A_103, %parallel_loop3A_897] : memref<4x128x128xf32, #tpu.memory_space<vmem>> -> memref<1x16x128xf32, #tpu.memory_space<vmem>>
        %parallel_loop3A_899 = tpu.memref_squeeze %parallel_loop3A_898 : memref<1x16x128xf32, #tpu.memory_space<vmem>> -> memref<16x128xf32, #tpu.memory_space<vmem>>
        %parallel_loop3A_900 = arith.index_cast %parallel_loop3A_896 : i32 to index
        %parallel_loop3A_901 = arith.constant 32 : index
        %parallel_loop3A_902 = tpu.vector_load %parallel_loop3A_899[%parallel_loop3A_900, %parallel_loop3A_901] {strides = array<i32>} : memref<16x128xf32, #tpu.memory_space<vmem>>, vector<16xf32>,
        %parallel_loop3A_903 = tpu.pack_subelements %parallel_loop3A_895, %parallel_loop3A_902 {pack_format = #tpu.pack_format<interleaved>, positions = array<i32: 0, 1>} : vector<16xf32>, vector<16xf32> -> vector<32xbf16>
        %parallel_loop3A_904 = vector.bitcast %parallel_loop3A_903 : vector<32xbf16> to vector<16xi32>
        %parallel_loop3A_905 = arith.constant 4 : i32
        %parallel_loop3A_906 = arith.constant 0 : i32
        %parallel_loop3A_907 = tpu.memref_slice %arg7[%rem3A_62, %parallel_loop3A_106, %parallel_loop3A_906] : memref<4x64x128xi32, #tpu.memory_space<vmem>> -> memref<1x8x128xi32, #tpu.memory_space<vmem>>
        %parallel_loop3A_908 = tpu.memref_squeeze %parallel_loop3A_907 : memref<1x8x128xi32, #tpu.memory_space<vmem>> -> memref<8x128xi32, #tpu.memory_space<vmem>>
        %parallel_loop3A_909 = arith.index_cast %parallel_loop3A_905 : i32 to index
        %parallel_loop3A_910 = arith.constant 32 : index
        %parallel_loop3A_911 = tpu.vector_load %parallel_loop3A_908[%parallel_loop3A_909, %parallel_loop3A_910] {strides = array<i32>} : memref<8x128xi32, #tpu.memory_space<vmem>>, vector<16xi32>,
        tpu.vector_store %parallel_loop3A_908[%parallel_loop3A_909, %parallel_loop3A_910], %parallel_loop3A_904 {strides = array<i32>} : memref<8x128xi32, #tpu.memory_space<vmem>>, vector<16xi32>,
        %parallel_loop3A_912 = arith.constant 8 : i32
        %parallel_loop3A_913 = arith.constant 0 : i32
        %parallel_loop3A_914 = tpu.memref_slice %arg6[%rem3A_62, %parallel_loop3A_103, %parallel_loop3A_913] : memref<4x128x128xf32, #tpu.memory_space<vmem>> -> memref<1x16x128xf32, #tpu.memory_space<vmem>>
        %parallel_loop3A_915 = tpu.memref_squeeze %parallel_loop3A_914 : memref<1x16x128xf32, #tpu.memory_space<vmem>> -> memref<16x128xf32, #tpu.memory_space<vmem>>
        %parallel_loop3A_916 = arith.index_cast %parallel_loop3A_912 : i32 to index
        %parallel_loop3A_917 = arith.constant 48 : index
        %parallel_loop3A_918 = tpu.vector_load %parallel_loop3A_915[%parallel_loop3A_916, %parallel_loop3A_917] {strides = array<i32>} : memref<16x128xf32, #tpu.memory_space<vmem>>, vector<16xf32>,
        %parallel_loop3A_919 = arith.constant 9 : i32
        %parallel_loop3A_920 = arith.constant 0 : i32
        %parallel_loop3A_921 = tpu.memref_slice %arg6[%rem3A_62, %parallel_loop3A_103, %parallel_loop3A_920] : memref<4x128x128xf32, #tpu.memory_space<vmem>> -> memref<1x16x128xf32, #tpu.memory_space<vmem>>
        %parallel_loop3A_922 = tpu.memref_squeeze %parallel_loop3A_921 : memref<1x16x128xf32, #tpu.memory_space<vmem>> -> memref<16x128xf32, #tpu.memory_space<vmem>>
        %parallel_loop3A_923 = arith.index_cast %parallel_loop3A_919 : i32 to index
        %parallel_loop3A_924 = arith.constant 48 : index
        %parallel_loop3A_925 = tpu.vector_load %parallel_loop3A_922[%parallel_loop3A_923, %parallel_loop3A_924] {strides = array<i32>} : memref<16x128xf32, #tpu.memory_space<vmem>>, vector<16xf32>,
        %parallel_loop3A_926 = tpu.pack_subelements %parallel_loop3A_918, %parallel_loop3A_925 {pack_format = #tpu.pack_format<interleaved>, positions = array<i32: 0, 1>} : vector<16xf32>, vector<16xf32> -> vector<32xbf16>
        %parallel_loop3A_927 = vector.bitcast %parallel_loop3A_926 : vector<32xbf16> to vector<16xi32>
        %parallel_loop3A_928 = arith.constant 4 : i32
        %parallel_loop3A_929 = arith.constant 0 : i32
        %parallel_loop3A_930 = tpu.memref_slice %arg7[%rem3A_62, %parallel_loop3A_106, %parallel_loop3A_929] : memref<4x64x128xi32, #tpu.memory_space<vmem>> -> memref<1x8x128xi32, #tpu.memory_space<vmem>>
        %parallel_loop3A_931 = tpu.memref_squeeze %parallel_loop3A_930 : memref<1x8x128xi32, #tpu.memory_space<vmem>> -> memref<8x128xi32, #tpu.memory_space<vmem>>
        %parallel_loop3A_932 = arith.index_cast %parallel_loop3A_928 : i32 to index
        %parallel_loop3A_933 = arith.constant 48 : index
        %parallel_loop3A_934 = tpu.vector_load %parallel_loop3A_931[%parallel_loop3A_932, %parallel_loop3A_933] {strides = array<i32>} : memref<8x128xi32, #tpu.memory_space<vmem>>, vector<16xi32>,
        tpu.vector_store %parallel_loop3A_931[%parallel_loop3A_932, %parallel_loop3A_933], %parallel_loop3A_927 {strides = array<i32>} : memref<8x128xi32, #tpu.memory_space<vmem>>, vector<16xi32>,
        %parallel_loop3A_935 = arith.constant 8 : i32
        %parallel_loop3A_936 = arith.constant 0 : i32
        %parallel_loop3A_937 = tpu.memref_slice %arg6[%rem3A_62, %parallel_loop3A_103, %parallel_loop3A_936] : memref<4x128x128xf32, #tpu.memory_space<vmem>> -> memref<1x16x128xf32, #tpu.memory_space<vmem>>
        %parallel_loop3A_938 = tpu.memref_squeeze %parallel_loop3A_937 : memref<1x16x128xf32, #tpu.memory_space<vmem>> -> memref<16x128xf32, #tpu.memory_space<vmem>>
        %parallel_loop3A_939 = arith.index_cast %parallel_loop3A_935 : i32 to index
        %parallel_loop3A_940 = arith.constant 64 : index
        %parallel_loop3A_941 = tpu.vector_load %parallel_loop3A_938[%parallel_loop3A_939, %parallel_loop3A_940] {strides = array<i32>} : memref<16x128xf32, #tpu.memory_space<vmem>>, vector<16xf32>,
        %parallel_loop3A_942 = arith.constant 9 : i32
        %parallel_loop3A_943 = arith.constant 0 : i32
        %parallel_loop3A_944 = tpu.memref_slice %arg6[%rem3A_62, %parallel_loop3A_103, %parallel_loop3A_943] : memref<4x128x128xf32, #tpu.memory_space<vmem>> -> memref<1x16x128xf32, #tpu.memory_space<vmem>>
        %parallel_loop3A_945 = tpu.memref_squeeze %parallel_loop3A_944 : memref<1x16x128xf32, #tpu.memory_space<vmem>> -> memref<16x128xf32, #tpu.memory_space<vmem>>
        %parallel_loop3A_946 = arith.index_cast %parallel_loop3A_942 : i32 to index
        %parallel_loop3A_947 = arith.constant 64 : index
        %parallel_loop3A_948 = tpu.vector_load %parallel_loop3A_945[%parallel_loop3A_946, %parallel_loop3A_947] {strides = array<i32>} : memref<16x128xf32, #tpu.memory_space<vmem>>, vector<16xf32>,
        %parallel_loop3A_949 = tpu.pack_subelements %parallel_loop3A_941, %parallel_loop3A_948 {pack_format = #tpu.pack_format<interleaved>, positions = array<i32: 0, 1>} : vector<16xf32>, vector<16xf32> -> vector<32xbf16>
        %parallel_loop3A_950 = vector.bitcast %parallel_loop3A_949 : vector<32xbf16> to vector<16xi32>
        %parallel_loop3A_951 = arith.constant 4 : i32
        %parallel_loop3A_952 = arith.constant 0 : i32
        %parallel_loop3A_953 = tpu.memref_slice %arg7[%rem3A_62, %parallel_loop3A_106, %parallel_loop3A_952] : memref<4x64x128xi32, #tpu.memory_space<vmem>> -> memref<1x8x128xi32, #tpu.memory_space<vmem>>
        %parallel_loop3A_954 = tpu.memref_squeeze %parallel_loop3A_953 : memref<1x8x128xi32, #tpu.memory_space<vmem>> -> memref<8x128xi32, #tpu.memory_space<vmem>>
        %parallel_loop3A_955 = arith.index_cast %parallel_loop3A_951 : i32 to index
        %parallel_loop3A_956 = arith.constant 64 : index
        %parallel_loop3A_957 = tpu.vector_load %parallel_loop3A_954[%parallel_loop3A_955, %parallel_loop3A_956] {strides = array<i32>} : memref<8x128xi32, #tpu.memory_space<vmem>>, vector<16xi32>,
        tpu.vector_store %parallel_loop3A_954[%parallel_loop3A_955, %parallel_loop3A_956], %parallel_loop3A_950 {strides = array<i32>} : memref<8x128xi32, #tpu.memory_space<vmem>>, vector<16xi32>,
        %parallel_loop3A_958 = arith.constant 8 : i32
        %parallel_loop3A_959 = arith.constant 0 : i32
        %parallel_loop3A_960 = tpu.memref_slice %arg6[%rem3A_62, %parallel_loop3A_103, %parallel_loop3A_959] : memref<4x128x128xf32, #tpu.memory_space<vmem>> -> memref<1x16x128xf32, #tpu.memory_space<vmem>>
        %parallel_loop3A_961 = tpu.memref_squeeze %parallel_loop3A_960 : memref<1x16x128xf32, #tpu.memory_space<vmem>> -> memref<16x128xf32, #tpu.memory_space<vmem>>
        %parallel_loop3A_962 = arith.index_cast %parallel_loop3A_958 : i32 to index
        %parallel_loop3A_963 = arith.constant 80 : index
        %parallel_loop3A_964 = tpu.vector_load %parallel_loop3A_961[%parallel_loop3A_962, %parallel_loop3A_963] {strides = array<i32>} : memref<16x128xf32, #tpu.memory_space<vmem>>, vector<16xf32>,
        %parallel_loop3A_965 = arith.constant 9 : i32
        %parallel_loop3A_966 = arith.constant 0 : i32
        %parallel_loop3A_967 = tpu.memref_slice %arg6[%rem3A_62, %parallel_loop3A_103, %parallel_loop3A_966] : memref<4x128x128xf32, #tpu.memory_space<vmem>> -> memref<1x16x128xf32, #tpu.memory_space<vmem>>
        %parallel_loop3A_968 = tpu.memref_squeeze %parallel_loop3A_967 : memref<1x16x128xf32, #tpu.memory_space<vmem>> -> memref<16x128xf32, #tpu.memory_space<vmem>>
        %parallel_loop3A_969 = arith.index_cast %parallel_loop3A_965 : i32 to index
        %parallel_loop3A_970 = arith.constant 80 : index
        %parallel_loop3A_971 = tpu.vector_load %parallel_loop3A_968[%parallel_loop3A_969, %parallel_loop3A_970] {strides = array<i32>} : memref<16x128xf32, #tpu.memory_space<vmem>>, vector<16xf32>,
        %parallel_loop3A_972 = tpu.pack_subelements %parallel_loop3A_964, %parallel_loop3A_971 {pack_format = #tpu.pack_format<interleaved>, positions = array<i32: 0, 1>} : vector<16xf32>, vector<16xf32> -> vector<32xbf16>
        %parallel_loop3A_973 = vector.bitcast %parallel_loop3A_972 : vector<32xbf16> to vector<16xi32>
        %parallel_loop3A_974 = arith.constant 4 : i32
        %parallel_loop3A_975 = arith.constant 0 : i32
        %parallel_loop3A_976 = tpu.memref_slice %arg7[%rem3A_62, %parallel_loop3A_106, %parallel_loop3A_975] : memref<4x64x128xi32, #tpu.memory_space<vmem>> -> memref<1x8x128xi32, #tpu.memory_space<vmem>>
        %parallel_loop3A_977 = tpu.memref_squeeze %parallel_loop3A_976 : memref<1x8x128xi32, #tpu.memory_space<vmem>> -> memref<8x128xi32, #tpu.memory_space<vmem>>
        %parallel_loop3A_978 = arith.index_cast %parallel_loop3A_974 : i32 to index
        %parallel_loop3A_979 = arith.constant 80 : index
        %parallel_loop3A_980 = tpu.vector_load %parallel_loop3A_977[%parallel_loop3A_978, %parallel_loop3A_979] {strides = array<i32>} : memref<8x128xi32, #tpu.memory_space<vmem>>, vector<16xi32>,
        tpu.vector_store %parallel_loop3A_977[%parallel_loop3A_978, %parallel_loop3A_979], %parallel_loop3A_973 {strides = array<i32>} : memref<8x128xi32, #tpu.memory_space<vmem>>, vector<16xi32>,
        %parallel_loop3A_981 = arith.constant 8 : i32
        %parallel_loop3A_982 = arith.constant 0 : i32
        %parallel_loop3A_983 = tpu.memref_slice %arg6[%rem3A_62, %parallel_loop3A_103, %parallel_loop3A_982] : memref<4x128x128xf32, #tpu.memory_space<vmem>> -> memref<1x16x128xf32, #tpu.memory_space<vmem>>
        %parallel_loop3A_984 = tpu.memref_squeeze %parallel_loop3A_983 : memref<1x16x128xf32, #tpu.memory_space<vmem>> -> memref<16x128xf32, #tpu.memory_space<vmem>>
        %parallel_loop3A_985 = arith.index_cast %parallel_loop3A_981 : i32 to index
        %parallel_loop3A_986 = arith.constant 96 : index
        %parallel_loop3A_987 = tpu.vector_load %parallel_loop3A_984[%parallel_loop3A_985, %parallel_loop3A_986] {strides = array<i32>} : memref<16x128xf32, #tpu.memory_space<vmem>>, vector<16xf32>,
        %parallel_loop3A_988 = arith.constant 9 : i32
        %parallel_loop3A_989 = arith.constant 0 : i32
        %parallel_loop3A_990 = tpu.memref_slice %arg6[%rem3A_62, %parallel_loop3A_103, %parallel_loop3A_989] : memref<4x128x128xf32, #tpu.memory_space<vmem>> -> memref<1x16x128xf32, #tpu.memory_space<vmem>>
        %parallel_loop3A_991 = tpu.memref_squeeze %parallel_loop3A_990 : memref<1x16x128xf32, #tpu.memory_space<vmem>> -> memref<16x128xf32, #tpu.memory_space<vmem>>
        %parallel_loop3A_992 = arith.index_cast %parallel_loop3A_988 : i32 to index
        %parallel_loop3A_993 = arith.constant 96 : index
        %parallel_loop3A_994 = tpu.vector_load %parallel_loop3A_991[%parallel_loop3A_992, %parallel_loop3A_993] {strides = array<i32>} : memref<16x128xf32, #tpu.memory_space<vmem>>, vector<16xf32>,
        %parallel_loop3A_995 = tpu.pack_subelements %parallel_loop3A_987, %parallel_loop3A_994 {pack_format = #tpu.pack_format<interleaved>, positions = array<i32: 0, 1>} : vector<16xf32>, vector<16xf32> -> vector<32xbf16>
        %parallel_loop3A_996 = vector.bitcast %parallel_loop3A_995 : vector<32xbf16> to vector<16xi32>
        %parallel_loop3A_997 = arith.constant 4 : i32
        %parallel_loop3A_998 = arith.constant 0 : i32
        %parallel_loop3A_999 = tpu.memref_slice %arg7[%rem3A_62, %parallel_loop3A_106, %parallel_loop3A_998] : memref<4x64x128xi32, #tpu.memory_space<vmem>> -> memref<1x8x128xi32, #tpu.memory_space<vmem>>
        %parallel_loop3A_1000 = tpu.memref_squeeze %parallel_loop3A_999 : memref<1x8x128xi32, #tpu.memory_space<vmem>> -> memref<8x128xi32, #tpu.memory_space<vmem>>
        %parallel_loop3A_1001 = arith.index_cast %parallel_loop3A_997 : i32 to index
        %parallel_loop3A_1002 = arith.constant 96 : index
        %parallel_loop3A_1003 = tpu.vector_load %parallel_loop3A_1000[%parallel_loop3A_1001, %parallel_loop3A_1002] {strides = array<i32>} : memref<8x128xi32, #tpu.memory_space<vmem>>, vector<16xi32>,
        tpu.vector_store %parallel_loop3A_1000[%parallel_loop3A_1001, %parallel_loop3A_1002], %parallel_loop3A_996 {strides = array<i32>} : memref<8x128xi32, #tpu.memory_space<vmem>>, vector<16xi32>,
        %parallel_loop3A_1004 = arith.constant 8 : i32
        %parallel_loop3A_1005 = arith.constant 0 : i32
        %parallel_loop3A_1006 = tpu.memref_slice %arg6[%rem3A_62, %parallel_loop3A_103, %parallel_loop3A_1005] : memref<4x128x128xf32, #tpu.memory_space<vmem>> -> memref<1x16x128xf32, #tpu.memory_space<vmem>>
        %parallel_loop3A_1007 = tpu.memref_squeeze %parallel_loop3A_1006 : memref<1x16x128xf32, #tpu.memory_space<vmem>> -> memref<16x128xf32, #tpu.memory_space<vmem>>
        %parallel_loop3A_1008 = arith.index_cast %parallel_loop3A_1004 : i32 to index
        %parallel_loop3A_1009 = arith.constant 112 : index
        %parallel_loop3A_1010 = tpu.vector_load %parallel_loop3A_1007[%parallel_loop3A_1008, %parallel_loop3A_1009] {strides = array<i32>} : memref<16x128xf32, #tpu.memory_space<vmem>>, vector<16xf32>,
        %parallel_loop3A_1011 = arith.constant 9 : i32
        %parallel_loop3A_1012 = arith.constant 0 : i32
        %parallel_loop3A_1013 = tpu.memref_slice %arg6[%rem3A_62, %parallel_loop3A_103, %parallel_loop3A_1012] : memref<4x128x128xf32, #tpu.memory_space<vmem>> -> memref<1x16x128xf32, #tpu.memory_space<vmem>>
        %parallel_loop3A_1014 = tpu.memref_squeeze %parallel_loop3A_1013 : memref<1x16x128xf32, #tpu.memory_space<vmem>> -> memref<16x128xf32, #tpu.memory_space<vmem>>
        %parallel_loop3A_1015 = arith.index_cast %parallel_loop3A_1011 : i32 to index
        %parallel_loop3A_1016 = arith.constant 112 : index
        %parallel_loop3A_1017 = tpu.vector_load %parallel_loop3A_1014[%parallel_loop3A_1015, %parallel_loop3A_1016] {strides = array<i32>} : memref<16x128xf32, #tpu.memory_space<vmem>>, vector<16xf32>,
        %parallel_loop3A_1018 = tpu.pack_subelements %parallel_loop3A_1010, %parallel_loop3A_1017 {pack_format = #tpu.pack_format<interleaved>, positions = array<i32: 0, 1>} : vector<16xf32>, vector<16xf32> -> vector<32xbf16>
        %parallel_loop3A_1019 = vector.bitcast %parallel_loop3A_1018 : vector<32xbf16> to vector<16xi32>
        %parallel_loop3A_1020 = arith.constant 4 : i32
        %parallel_loop3A_1021 = arith.constant 0 : i32
        %parallel_loop3A_1022 = tpu.memref_slice %arg7[%rem3A_62, %parallel_loop3A_106, %parallel_loop3A_1021] : memref<4x64x128xi32, #tpu.memory_space<vmem>> -> memref<1x8x128xi32, #tpu.memory_space<vmem>>
        %parallel_loop3A_1023 = tpu.memref_squeeze %parallel_loop3A_1022 : memref<1x8x128xi32, #tpu.memory_space<vmem>> -> memref<8x128xi32, #tpu.memory_space<vmem>>
        %parallel_loop3A_1024 = arith.index_cast %parallel_loop3A_1020 : i32 to index
        %parallel_loop3A_1025 = arith.constant 112 : index
        %parallel_loop3A_1026 = tpu.vector_load %parallel_loop3A_1023[%parallel_loop3A_1024, %parallel_loop3A_1025] {strides = array<i32>} : memref<8x128xi32, #tpu.memory_space<vmem>>, vector<16xi32>,
        tpu.vector_store %parallel_loop3A_1023[%parallel_loop3A_1024, %parallel_loop3A_1025], %parallel_loop3A_1019 {strides = array<i32>} : memref<8x128xi32, #tpu.memory_space<vmem>>, vector<16xi32>,
        %parallel_loop3A_1027 = arith.constant 10 : i32
        %parallel_loop3A_1028 = arith.constant 0 : i32
        %parallel_loop3A_1029 = tpu.memref_slice %arg6[%rem3A_62, %parallel_loop3A_103, %parallel_loop3A_1028] : memref<4x128x128xf32, #tpu.memory_space<vmem>> -> memref<1x16x128xf32, #tpu.memory_space<vmem>>
        %parallel_loop3A_1030 = tpu.memref_squeeze %parallel_loop3A_1029 : memref<1x16x128xf32, #tpu.memory_space<vmem>> -> memref<16x128xf32, #tpu.memory_space<vmem>>
        %parallel_loop3A_1031 = arith.index_cast %parallel_loop3A_1027 : i32 to index
        %parallel_loop3A_1032 = arith.constant 0 : index
        %parallel_loop3A_1033 = tpu.vector_load %parallel_loop3A_1030[%parallel_loop3A_1031, %parallel_loop3A_1032] {strides = array<i32>} : memref<16x128xf32, #tpu.memory_space<vmem>>, vector<16xf32>,
        %parallel_loop3A_1034 = arith.constant 11 : i32
        %parallel_loop3A_1035 = arith.constant 0 : i32
        %parallel_loop3A_1036 = tpu.memref_slice %arg6[%rem3A_62, %parallel_loop3A_103, %parallel_loop3A_1035] : memref<4x128x128xf32, #tpu.memory_space<vmem>> -> memref<1x16x128xf32, #tpu.memory_space<vmem>>
        %parallel_loop3A_1037 = tpu.memref_squeeze %parallel_loop3A_1036 : memref<1x16x128xf32, #tpu.memory_space<vmem>> -> memref<16x128xf32, #tpu.memory_space<vmem>>
        %parallel_loop3A_1038 = arith.index_cast %parallel_loop3A_1034 : i32 to index
        %parallel_loop3A_1039 = arith.constant 0 : index
        %parallel_loop3A_1040 = tpu.vector_load %parallel_loop3A_1037[%parallel_loop3A_1038, %parallel_loop3A_1039] {strides = array<i32>} : memref<16x128xf32, #tpu.memory_space<vmem>>, vector<16xf32>,
        %parallel_loop3A_1041 = tpu.pack_subelements %parallel_loop3A_1033, %parallel_loop3A_1040 {pack_format = #tpu.pack_format<interleaved>, positions = array<i32: 0, 1>} : vector<16xf32>, vector<16xf32> -> vector<32xbf16>
        %parallel_loop3A_1042 = vector.bitcast %parallel_loop3A_1041 : vector<32xbf16> to vector<16xi32>
        %parallel_loop3A_1043 = arith.constant 5 : i32
        %parallel_loop3A_1044 = arith.constant 0 : i32
        %parallel_loop3A_1045 = tpu.memref_slice %arg7[%rem3A_62, %parallel_loop3A_106, %parallel_loop3A_1044] : memref<4x64x128xi32, #tpu.memory_space<vmem>> -> memref<1x8x128xi32, #tpu.memory_space<vmem>>
        %parallel_loop3A_1046 = tpu.memref_squeeze %parallel_loop3A_1045 : memref<1x8x128xi32, #tpu.memory_space<vmem>> -> memref<8x128xi32, #tpu.memory_space<vmem>>
        %parallel_loop3A_1047 = arith.index_cast %parallel_loop3A_1043 : i32 to index
        %parallel_loop3A_1048 = arith.constant 0 : index
        %parallel_loop3A_1049 = tpu.vector_load %parallel_loop3A_1046[%parallel_loop3A_1047, %parallel_loop3A_1048] {strides = array<i32>} : memref<8x128xi32, #tpu.memory_space<vmem>>, vector<16xi32>,
        tpu.vector_store %parallel_loop3A_1046[%parallel_loop3A_1047, %parallel_loop3A_1048], %parallel_loop3A_1042 {strides = array<i32>} : memref<8x128xi32, #tpu.memory_space<vmem>>, vector<16xi32>,
        %parallel_loop3A_1050 = arith.constant 10 : i32
        %parallel_loop3A_1051 = arith.constant 0 : i32
        %parallel_loop3A_1052 = tpu.memref_slice %arg6[%rem3A_62, %parallel_loop3A_103, %parallel_loop3A_1051] : memref<4x128x128xf32, #tpu.memory_space<vmem>> -> memref<1x16x128xf32, #tpu.memory_space<vmem>>
        %parallel_loop3A_1053 = tpu.memref_squeeze %parallel_loop3A_1052 : memref<1x16x128xf32, #tpu.memory_space<vmem>> -> memref<16x128xf32, #tpu.memory_space<vmem>>
        %parallel_loop3A_1054 = arith.index_cast %parallel_loop3A_1050 : i32 to index
        %parallel_loop3A_1055 = arith.constant 16 : index
        %parallel_loop3A_1056 = tpu.vector_load %parallel_loop3A_1053[%parallel_loop3A_1054, %parallel_loop3A_1055] {strides = array<i32>} : memref<16x128xf32, #tpu.memory_space<vmem>>, vector<16xf32>,
        %parallel_loop3A_1057 = arith.constant 11 : i32
        %parallel_loop3A_1058 = arith.constant 0 : i32
        %parallel_loop3A_1059 = tpu.memref_slice %arg6[%rem3A_62, %parallel_loop3A_103, %parallel_loop3A_1058] : memref<4x128x128xf32, #tpu.memory_space<vmem>> -> memref<1x16x128xf32, #tpu.memory_space<vmem>>
        %parallel_loop3A_1060 = tpu.memref_squeeze %parallel_loop3A_1059 : memref<1x16x128xf32, #tpu.memory_space<vmem>> -> memref<16x128xf32, #tpu.memory_space<vmem>>
        %parallel_loop3A_1061 = arith.index_cast %parallel_loop3A_1057 : i32 to index
        %parallel_loop3A_1062 = arith.constant 16 : index
        %parallel_loop3A_1063 = tpu.vector_load %parallel_loop3A_1060[%parallel_loop3A_1061, %parallel_loop3A_1062] {strides = array<i32>} : memref<16x128xf32, #tpu.memory_space<vmem>>, vector<16xf32>,
        %parallel_loop3A_1064 = tpu.pack_subelements %parallel_loop3A_1056, %parallel_loop3A_1063 {pack_format = #tpu.pack_format<interleaved>, positions = array<i32: 0, 1>} : vector<16xf32>, vector<16xf32> -> vector<32xbf16>
        %parallel_loop3A_1065 = vector.bitcast %parallel_loop3A_1064 : vector<32xbf16> to vector<16xi32>
        %parallel_loop3A_1066 = arith.constant 5 : i32
        %parallel_loop3A_1067 = arith.constant 0 : i32
        %parallel_loop3A_1068 = tpu.memref_slice %arg7[%rem3A_62, %parallel_loop3A_106, %parallel_loop3A_1067] : memref<4x64x128xi32, #tpu.memory_space<vmem>> -> memref<1x8x128xi32, #tpu.memory_space<vmem>>
        %parallel_loop3A_1069 = tpu.memref_squeeze %parallel_loop3A_1068 : memref<1x8x128xi32, #tpu.memory_space<vmem>> -> memref<8x128xi32, #tpu.memory_space<vmem>>
        %parallel_loop3A_1070 = arith.index_cast %parallel_loop3A_1066 : i32 to index
        %parallel_loop3A_1071 = arith.constant 16 : index
        %parallel_loop3A_1072 = tpu.vector_load %parallel_loop3A_1069[%parallel_loop3A_1070, %parallel_loop3A_1071] {strides = array<i32>} : memref<8x128xi32, #tpu.memory_space<vmem>>, vector<16xi32>,
        tpu.vector_store %parallel_loop3A_1069[%parallel_loop3A_1070, %parallel_loop3A_1071], %parallel_loop3A_1065 {strides = array<i32>} : memref<8x128xi32, #tpu.memory_space<vmem>>, vector<16xi32>,
        %parallel_loop3A_1073 = arith.constant 10 : i32
        %parallel_loop3A_1074 = arith.constant 0 : i32
        %parallel_loop3A_1075 = tpu.memref_slice %arg6[%rem3A_62, %parallel_loop3A_103, %parallel_loop3A_1074] : memref<4x128x128xf32, #tpu.memory_space<vmem>> -> memref<1x16x128xf32, #tpu.memory_space<vmem>>
        %parallel_loop3A_1076 = tpu.memref_squeeze %parallel_loop3A_1075 : memref<1x16x128xf32, #tpu.memory_space<vmem>> -> memref<16x128xf32, #tpu.memory_space<vmem>>
        %parallel_loop3A_1077 = arith.index_cast %parallel_loop3A_1073 : i32 to index
        %parallel_loop3A_1078 = arith.constant 32 : index
        %parallel_loop3A_1079 = tpu.vector_load %parallel_loop3A_1076[%parallel_loop3A_1077, %parallel_loop3A_1078] {strides = array<i32>} : memref<16x128xf32, #tpu.memory_space<vmem>>, vector<16xf32>,
        %parallel_loop3A_1080 = arith.constant 11 : i32
        %parallel_loop3A_1081 = arith.constant 0 : i32
        %parallel_loop3A_1082 = tpu.memref_slice %arg6[%rem3A_62, %parallel_loop3A_103, %parallel_loop3A_1081] : memref<4x128x128xf32, #tpu.memory_space<vmem>> -> memref<1x16x128xf32, #tpu.memory_space<vmem>>
        %parallel_loop3A_1083 = tpu.memref_squeeze %parallel_loop3A_1082 : memref<1x16x128xf32, #tpu.memory_space<vmem>> -> memref<16x128xf32, #tpu.memory_space<vmem>>
        %parallel_loop3A_1084 = arith.index_cast %parallel_loop3A_1080 : i32 to index
        %parallel_loop3A_1085 = arith.constant 32 : index
        %parallel_loop3A_1086 = tpu.vector_load %parallel_loop3A_1083[%parallel_loop3A_1084, %parallel_loop3A_1085] {strides = array<i32>} : memref<16x128xf32, #tpu.memory_space<vmem>>, vector<16xf32>,
        %parallel_loop3A_1087 = tpu.pack_subelements %parallel_loop3A_1079, %parallel_loop3A_1086 {pack_format = #tpu.pack_format<interleaved>, positions = array<i32: 0, 1>} : vector<16xf32>, vector<16xf32> -> vector<32xbf16>
        %parallel_loop3A_1088 = vector.bitcast %parallel_loop3A_1087 : vector<32xbf16> to vector<16xi32>
        %parallel_loop3A_1089 = arith.constant 5 : i32
        %parallel_loop3A_1090 = arith.constant 0 : i32
        %parallel_loop3A_1091 = tpu.memref_slice %arg7[%rem3A_62, %parallel_loop3A_106, %parallel_loop3A_1090] : memref<4x64x128xi32, #tpu.memory_space<vmem>> -> memref<1x8x128xi32, #tpu.memory_space<vmem>>
        %parallel_loop3A_1092 = tpu.memref_squeeze %parallel_loop3A_1091 : memref<1x8x128xi32, #tpu.memory_space<vmem>> -> memref<8x128xi32, #tpu.memory_space<vmem>>
        %parallel_loop3A_1093 = arith.index_cast %parallel_loop3A_1089 : i32 to index
        %parallel_loop3A_1094 = arith.constant 32 : index
        %parallel_loop3A_1095 = tpu.vector_load %parallel_loop3A_1092[%parallel_loop3A_1093, %parallel_loop3A_1094] {strides = array<i32>} : memref<8x128xi32, #tpu.memory_space<vmem>>, vector<16xi32>,
        tpu.vector_store %parallel_loop3A_1092[%parallel_loop3A_1093, %parallel_loop3A_1094], %parallel_loop3A_1088 {strides = array<i32>} : memref<8x128xi32, #tpu.memory_space<vmem>>, vector<16xi32>,
        %parallel_loop3A_1096 = arith.constant 10 : i32
        %parallel_loop3A_1097 = arith.constant 0 : i32
        %parallel_loop3A_1098 = tpu.memref_slice %arg6[%rem3A_62, %parallel_loop3A_103, %parallel_loop3A_1097] : memref<4x128x128xf32, #tpu.memory_space<vmem>> -> memref<1x16x128xf32, #tpu.memory_space<vmem>>
        %parallel_loop3A_1099 = tpu.memref_squeeze %parallel_loop3A_1098 : memref<1x16x128xf32, #tpu.memory_space<vmem>> -> memref<16x128xf32, #tpu.memory_space<vmem>>
        %parallel_loop3A_1100 = arith.index_cast %parallel_loop3A_1096 : i32 to index
        %parallel_loop3A_1101 = arith.constant 48 : index
        %parallel_loop3A_1102 = tpu.vector_load %parallel_loop3A_1099[%parallel_loop3A_1100, %parallel_loop3A_1101] {strides = array<i32>} : memref<16x128xf32, #tpu.memory_space<vmem>>, vector<16xf32>,
        %parallel_loop3A_1103 = arith.constant 11 : i32
        %parallel_loop3A_1104 = arith.constant 0 : i32
        %parallel_loop3A_1105 = tpu.memref_slice %arg6[%rem3A_62, %parallel_loop3A_103, %parallel_loop3A_1104] : memref<4x128x128xf32, #tpu.memory_space<vmem>> -> memref<1x16x128xf32, #tpu.memory_space<vmem>>
        %parallel_loop3A_1106 = tpu.memref_squeeze %parallel_loop3A_1105 : memref<1x16x128xf32, #tpu.memory_space<vmem>> -> memref<16x128xf32, #tpu.memory_space<vmem>>
        %parallel_loop3A_1107 = arith.index_cast %parallel_loop3A_1103 : i32 to index
        %parallel_loop3A_1108 = arith.constant 48 : index
        %parallel_loop3A_1109 = tpu.vector_load %parallel_loop3A_1106[%parallel_loop3A_1107, %parallel_loop3A_1108] {strides = array<i32>} : memref<16x128xf32, #tpu.memory_space<vmem>>, vector<16xf32>,
        %parallel_loop3A_1110 = tpu.pack_subelements %parallel_loop3A_1102, %parallel_loop3A_1109 {pack_format = #tpu.pack_format<interleaved>, positions = array<i32: 0, 1>} : vector<16xf32>, vector<16xf32> -> vector<32xbf16>
        %parallel_loop3A_1111 = vector.bitcast %parallel_loop3A_1110 : vector<32xbf16> to vector<16xi32>
        %parallel_loop3A_1112 = arith.constant 5 : i32
        %parallel_loop3A_1113 = arith.constant 0 : i32
        %parallel_loop3A_1114 = tpu.memref_slice %arg7[%rem3A_62, %parallel_loop3A_106, %parallel_loop3A_1113] : memref<4x64x128xi32, #tpu.memory_space<vmem>> -> memref<1x8x128xi32, #tpu.memory_space<vmem>>
        %parallel_loop3A_1115 = tpu.memref_squeeze %parallel_loop3A_1114 : memref<1x8x128xi32, #tpu.memory_space<vmem>> -> memref<8x128xi32, #tpu.memory_space<vmem>>
        %parallel_loop3A_1116 = arith.index_cast %parallel_loop3A_1112 : i32 to index
        %parallel_loop3A_1117 = arith.constant 48 : index
        %parallel_loop3A_1118 = tpu.vector_load %parallel_loop3A_1115[%parallel_loop3A_1116, %parallel_loop3A_1117] {strides = array<i32>} : memref<8x128xi32, #tpu.memory_space<vmem>>, vector<16xi32>,
        tpu.vector_store %parallel_loop3A_1115[%parallel_loop3A_1116, %parallel_loop3A_1117], %parallel_loop3A_1111 {strides = array<i32>} : memref<8x128xi32, #tpu.memory_space<vmem>>, vector<16xi32>,
        %parallel_loop3A_1119 = arith.constant 10 : i32
        %parallel_loop3A_1120 = arith.constant 0 : i32
        %parallel_loop3A_1121 = tpu.memref_slice %arg6[%rem3A_62, %parallel_loop3A_103, %parallel_loop3A_1120] : memref<4x128x128xf32, #tpu.memory_space<vmem>> -> memref<1x16x128xf32, #tpu.memory_space<vmem>>
        %parallel_loop3A_1122 = tpu.memref_squeeze %parallel_loop3A_1121 : memref<1x16x128xf32, #tpu.memory_space<vmem>> -> memref<16x128xf32, #tpu.memory_space<vmem>>
        %parallel_loop3A_1123 = arith.index_cast %parallel_loop3A_1119 : i32 to index
        %parallel_loop3A_1124 = arith.constant 64 : index
        %parallel_loop3A_1125 = tpu.vector_load %parallel_loop3A_1122[%parallel_loop3A_1123, %parallel_loop3A_1124] {strides = array<i32>} : memref<16x128xf32, #tpu.memory_space<vmem>>, vector<16xf32>,
        %parallel_loop3A_1126 = arith.constant 11 : i32
        %parallel_loop3A_1127 = arith.constant 0 : i32
        %parallel_loop3A_1128 = tpu.memref_slice %arg6[%rem3A_62, %parallel_loop3A_103, %parallel_loop3A_1127] : memref<4x128x128xf32, #tpu.memory_space<vmem>> -> memref<1x16x128xf32, #tpu.memory_space<vmem>>
        %parallel_loop3A_1129 = tpu.memref_squeeze %parallel_loop3A_1128 : memref<1x16x128xf32, #tpu.memory_space<vmem>> -> memref<16x128xf32, #tpu.memory_space<vmem>>
        %parallel_loop3A_1130 = arith.index_cast %parallel_loop3A_1126 : i32 to index
        %parallel_loop3A_1131 = arith.constant 64 : index
        %parallel_loop3A_1132 = tpu.vector_load %parallel_loop3A_1129[%parallel_loop3A_1130, %parallel_loop3A_1131] {strides = array<i32>} : memref<16x128xf32, #tpu.memory_space<vmem>>, vector<16xf32>,
        %parallel_loop3A_1133 = tpu.pack_subelements %parallel_loop3A_1125, %parallel_loop3A_1132 {pack_format = #tpu.pack_format<interleaved>, positions = array<i32: 0, 1>} : vector<16xf32>, vector<16xf32> -> vector<32xbf16>
        %parallel_loop3A_1134 = vector.bitcast %parallel_loop3A_1133 : vector<32xbf16> to vector<16xi32>
        %parallel_loop3A_1135 = arith.constant 5 : i32
        %parallel_loop3A_1136 = arith.constant 0 : i32
        %parallel_loop3A_1137 = tpu.memref_slice %arg7[%rem3A_62, %parallel_loop3A_106, %parallel_loop3A_1136] : memref<4x64x128xi32, #tpu.memory_space<vmem>> -> memref<1x8x128xi32, #tpu.memory_space<vmem>>
        %parallel_loop3A_1138 = tpu.memref_squeeze %parallel_loop3A_1137 : memref<1x8x128xi32, #tpu.memory_space<vmem>> -> memref<8x128xi32, #tpu.memory_space<vmem>>
        %parallel_loop3A_1139 = arith.index_cast %parallel_loop3A_1135 : i32 to index
        %parallel_loop3A_1140 = arith.constant 64 : index
        %parallel_loop3A_1141 = tpu.vector_load %parallel_loop3A_1138[%parallel_loop3A_1139, %parallel_loop3A_1140] {strides = array<i32>} : memref<8x128xi32, #tpu.memory_space<vmem>>, vector<16xi32>,
        tpu.vector_store %parallel_loop3A_1138[%parallel_loop3A_1139, %parallel_loop3A_1140], %parallel_loop3A_1134 {strides = array<i32>} : memref<8x128xi32, #tpu.memory_space<vmem>>, vector<16xi32>,
        %parallel_loop3A_1142 = arith.constant 10 : i32
        %parallel_loop3A_1143 = arith.constant 0 : i32
        %parallel_loop3A_1144 = tpu.memref_slice %arg6[%rem3A_62, %parallel_loop3A_103, %parallel_loop3A_1143] : memref<4x128x128xf32, #tpu.memory_space<vmem>> -> memref<1x16x128xf32, #tpu.memory_space<vmem>>
        %parallel_loop3A_1145 = tpu.memref_squeeze %parallel_loop3A_1144 : memref<1x16x128xf32, #tpu.memory_space<vmem>> -> memref<16x128xf32, #tpu.memory_space<vmem>>
        %parallel_loop3A_1146 = arith.index_cast %parallel_loop3A_1142 : i32 to index
        %parallel_loop3A_1147 = arith.constant 80 : index
        %parallel_loop3A_1148 = tpu.vector_load %parallel_loop3A_1145[%parallel_loop3A_1146, %parallel_loop3A_1147] {strides = array<i32>} : memref<16x128xf32, #tpu.memory_space<vmem>>, vector<16xf32>,
        %parallel_loop3A_1149 = arith.constant 11 : i32
        %parallel_loop3A_1150 = arith.constant 0 : i32
        %parallel_loop3A_1151 = tpu.memref_slice %arg6[%rem3A_62, %parallel_loop3A_103, %parallel_loop3A_1150] : memref<4x128x128xf32, #tpu.memory_space<vmem>> -> memref<1x16x128xf32, #tpu.memory_space<vmem>>
        %parallel_loop3A_1152 = tpu.memref_squeeze %parallel_loop3A_1151 : memref<1x16x128xf32, #tpu.memory_space<vmem>> -> memref<16x128xf32, #tpu.memory_space<vmem>>
        %parallel_loop3A_1153 = arith.index_cast %parallel_loop3A_1149 : i32 to index
        %parallel_loop3A_1154 = arith.constant 80 : index
        %parallel_loop3A_1155 = tpu.vector_load %parallel_loop3A_1152[%parallel_loop3A_1153, %parallel_loop3A_1154] {strides = array<i32>} : memref<16x128xf32, #tpu.memory_space<vmem>>, vector<16xf32>,
        %parallel_loop3A_1156 = tpu.pack_subelements %parallel_loop3A_1148, %parallel_loop3A_1155 {pack_format = #tpu.pack_format<interleaved>, positions = array<i32: 0, 1>} : vector<16xf32>, vector<16xf32> -> vector<32xbf16>
        %parallel_loop3A_1157 = vector.bitcast %parallel_loop3A_1156 : vector<32xbf16> to vector<16xi32>
        %parallel_loop3A_1158 = arith.constant 5 : i32
        %parallel_loop3A_1159 = arith.constant 0 : i32
        %parallel_loop3A_1160 = tpu.memref_slice %arg7[%rem3A_62, %parallel_loop3A_106, %parallel_loop3A_1159] : memref<4x64x128xi32, #tpu.memory_space<vmem>> -> memref<1x8x128xi32, #tpu.memory_space<vmem>>
        %parallel_loop3A_1161 = tpu.memref_squeeze %parallel_loop3A_1160 : memref<1x8x128xi32, #tpu.memory_space<vmem>> -> memref<8x128xi32, #tpu.memory_space<vmem>>
        %parallel_loop3A_1162 = arith.index_cast %parallel_loop3A_1158 : i32 to index
        %parallel_loop3A_1163 = arith.constant 80 : index
        %parallel_loop3A_1164 = tpu.vector_load %parallel_loop3A_1161[%parallel_loop3A_1162, %parallel_loop3A_1163] {strides = array<i32>} : memref<8x128xi32, #tpu.memory_space<vmem>>, vector<16xi32>,
        tpu.vector_store %parallel_loop3A_1161[%parallel_loop3A_1162, %parallel_loop3A_1163], %parallel_loop3A_1157 {strides = array<i32>} : memref<8x128xi32, #tpu.memory_space<vmem>>, vector<16xi32>,
        %parallel_loop3A_1165 = arith.constant 10 : i32
        %parallel_loop3A_1166 = arith.constant 0 : i32
        %parallel_loop3A_1167 = tpu.memref_slice %arg6[%rem3A_62, %parallel_loop3A_103, %parallel_loop3A_1166] : memref<4x128x128xf32, #tpu.memory_space<vmem>> -> memref<1x16x128xf32, #tpu.memory_space<vmem>>
        %parallel_loop3A_1168 = tpu.memref_squeeze %parallel_loop3A_1167 : memref<1x16x128xf32, #tpu.memory_space<vmem>> -> memref<16x128xf32, #tpu.memory_space<vmem>>
        %parallel_loop3A_1169 = arith.index_cast %parallel_loop3A_1165 : i32 to index
        %parallel_loop3A_1170 = arith.constant 96 : index
        %parallel_loop3A_1171 = tpu.vector_load %parallel_loop3A_1168[%parallel_loop3A_1169, %parallel_loop3A_1170] {strides = array<i32>} : memref<16x128xf32, #tpu.memory_space<vmem>>, vector<16xf32>,
        %parallel_loop3A_1172 = arith.constant 11 : i32
        %parallel_loop3A_1173 = arith.constant 0 : i32
        %parallel_loop3A_1174 = tpu.memref_slice %arg6[%rem3A_62, %parallel_loop3A_103, %parallel_loop3A_1173] : memref<4x128x128xf32, #tpu.memory_space<vmem>> -> memref<1x16x128xf32, #tpu.memory_space<vmem>>
        %parallel_loop3A_1175 = tpu.memref_squeeze %parallel_loop3A_1174 : memref<1x16x128xf32, #tpu.memory_space<vmem>> -> memref<16x128xf32, #tpu.memory_space<vmem>>
        %parallel_loop3A_1176 = arith.index_cast %parallel_loop3A_1172 : i32 to index
        %parallel_loop3A_1177 = arith.constant 96 : index
        %parallel_loop3A_1178 = tpu.vector_load %parallel_loop3A_1175[%parallel_loop3A_1176, %parallel_loop3A_1177] {strides = array<i32>} : memref<16x128xf32, #tpu.memory_space<vmem>>, vector<16xf32>,
        %parallel_loop3A_1179 = tpu.pack_subelements %parallel_loop3A_1171, %parallel_loop3A_1178 {pack_format = #tpu.pack_format<interleaved>, positions = array<i32: 0, 1>} : vector<16xf32>, vector<16xf32> -> vector<32xbf16>
        %parallel_loop3A_1180 = vector.bitcast %parallel_loop3A_1179 : vector<32xbf16> to vector<16xi32>
        %parallel_loop3A_1181 = arith.constant 5 : i32
        %parallel_loop3A_1182 = arith.constant 0 : i32
        %parallel_loop3A_1183 = tpu.memref_slice %arg7[%rem3A_62, %parallel_loop3A_106, %parallel_loop3A_1182] : memref<4x64x128xi32, #tpu.memory_space<vmem>> -> memref<1x8x128xi32, #tpu.memory_space<vmem>>
        %parallel_loop3A_1184 = tpu.memref_squeeze %parallel_loop3A_1183 : memref<1x8x128xi32, #tpu.memory_space<vmem>> -> memref<8x128xi32, #tpu.memory_space<vmem>>
        %parallel_loop3A_1185 = arith.index_cast %parallel_loop3A_1181 : i32 to index
        %parallel_loop3A_1186 = arith.constant 96 : index
        %parallel_loop3A_1187 = tpu.vector_load %parallel_loop3A_1184[%parallel_loop3A_1185, %parallel_loop3A_1186] {strides = array<i32>} : memref<8x128xi32, #tpu.memory_space<vmem>>, vector<16xi32>,
        tpu.vector_store %parallel_loop3A_1184[%parallel_loop3A_1185, %parallel_loop3A_1186], %parallel_loop3A_1180 {strides = array<i32>} : memref<8x128xi32, #tpu.memory_space<vmem>>, vector<16xi32>,
        %parallel_loop3A_1188 = arith.constant 10 : i32
        %parallel_loop3A_1189 = arith.constant 0 : i32
        %parallel_loop3A_1190 = tpu.memref_slice %arg6[%rem3A_62, %parallel_loop3A_103, %parallel_loop3A_1189] : memref<4x128x128xf32, #tpu.memory_space<vmem>> -> memref<1x16x128xf32, #tpu.memory_space<vmem>>
        %parallel_loop3A_1191 = tpu.memref_squeeze %parallel_loop3A_1190 : memref<1x16x128xf32, #tpu.memory_space<vmem>> -> memref<16x128xf32, #tpu.memory_space<vmem>>
        %parallel_loop3A_1192 = arith.index_cast %parallel_loop3A_1188 : i32 to index
        %parallel_loop3A_1193 = arith.constant 112 : index
        %parallel_loop3A_1194 = tpu.vector_load %parallel_loop3A_1191[%parallel_loop3A_1192, %parallel_loop3A_1193] {strides = array<i32>} : memref<16x128xf32, #tpu.memory_space<vmem>>, vector<16xf32>,
        %parallel_loop3A_1195 = arith.constant 11 : i32
        %parallel_loop3A_1196 = arith.constant 0 : i32
        %parallel_loop3A_1197 = tpu.memref_slice %arg6[%rem3A_62, %parallel_loop3A_103, %parallel_loop3A_1196] : memref<4x128x128xf32, #tpu.memory_space<vmem>> -> memref<1x16x128xf32, #tpu.memory_space<vmem>>
        %parallel_loop3A_1198 = tpu.memref_squeeze %parallel_loop3A_1197 : memref<1x16x128xf32, #tpu.memory_space<vmem>> -> memref<16x128xf32, #tpu.memory_space<vmem>>
        %parallel_loop3A_1199 = arith.index_cast %parallel_loop3A_1195 : i32 to index
        %parallel_loop3A_1200 = arith.constant 112 : index
        %parallel_loop3A_1201 = tpu.vector_load %parallel_loop3A_1198[%parallel_loop3A_1199, %parallel_loop3A_1200] {strides = array<i32>} : memref<16x128xf32, #tpu.memory_space<vmem>>, vector<16xf32>,
        %parallel_loop3A_1202 = tpu.pack_subelements %parallel_loop3A_1194, %parallel_loop3A_1201 {pack_format = #tpu.pack_format<interleaved>, positions = array<i32: 0, 1>} : vector<16xf32>, vector<16xf32> -> vector<32xbf16>
        %parallel_loop3A_1203 = vector.bitcast %parallel_loop3A_1202 : vector<32xbf16> to vector<16xi32>
        %parallel_loop3A_1204 = arith.constant 5 : i32
        %parallel_loop3A_1205 = arith.constant 0 : i32
        %parallel_loop3A_1206 = tpu.memref_slice %arg7[%rem3A_62, %parallel_loop3A_106, %parallel_loop3A_1205] : memref<4x64x128xi32, #tpu.memory_space<vmem>> -> memref<1x8x128xi32, #tpu.memory_space<vmem>>
        %parallel_loop3A_1207 = tpu.memref_squeeze %parallel_loop3A_1206 : memref<1x8x128xi32, #tpu.memory_space<vmem>> -> memref<8x128xi32, #tpu.memory_space<vmem>>
        %parallel_loop3A_1208 = arith.index_cast %parallel_loop3A_1204 : i32 to index
        %parallel_loop3A_1209 = arith.constant 112 : index
        %parallel_loop3A_1210 = tpu.vector_load %parallel_loop3A_1207[%parallel_loop3A_1208, %parallel_loop3A_1209] {strides = array<i32>} : memref<8x128xi32, #tpu.memory_space<vmem>>, vector<16xi32>,
        tpu.vector_store %parallel_loop3A_1207[%parallel_loop3A_1208, %parallel_loop3A_1209], %parallel_loop3A_1203 {strides = array<i32>} : memref<8x128xi32, #tpu.memory_space<vmem>>, vector<16xi32>,
        %parallel_loop3A_1211 = arith.constant 12 : i32
        %parallel_loop3A_1212 = arith.constant 0 : i32
        %parallel_loop3A_1213 = tpu.memref_slice %arg6[%rem3A_62, %parallel_loop3A_103, %parallel_loop3A_1212] : memref<4x128x128xf32, #tpu.memory_space<vmem>> -> memref<1x16x128xf32, #tpu.memory_space<vmem>>
        %parallel_loop3A_1214 = tpu.memref_squeeze %parallel_loop3A_1213 : memref<1x16x128xf32, #tpu.memory_space<vmem>> -> memref<16x128xf32, #tpu.memory_space<vmem>>
        %parallel_loop3A_1215 = arith.index_cast %parallel_loop3A_1211 : i32 to index
        %parallel_loop3A_1216 = arith.constant 0 : index
        %parallel_loop3A_1217 = tpu.vector_load %parallel_loop3A_1214[%parallel_loop3A_1215, %parallel_loop3A_1216] {strides = array<i32>} : memref<16x128xf32, #tpu.memory_space<vmem>>, vector<16xf32>,
        %parallel_loop3A_1218 = arith.constant 13 : i32
        %parallel_loop3A_1219 = arith.constant 0 : i32
        %parallel_loop3A_1220 = tpu.memref_slice %arg6[%rem3A_62, %parallel_loop3A_103, %parallel_loop3A_1219] : memref<4x128x128xf32, #tpu.memory_space<vmem>> -> memref<1x16x128xf32, #tpu.memory_space<vmem>>
        %parallel_loop3A_1221 = tpu.memref_squeeze %parallel_loop3A_1220 : memref<1x16x128xf32, #tpu.memory_space<vmem>> -> memref<16x128xf32, #tpu.memory_space<vmem>>
        %parallel_loop3A_1222 = arith.index_cast %parallel_loop3A_1218 : i32 to index
        %parallel_loop3A_1223 = arith.constant 0 : index
        %parallel_loop3A_1224 = tpu.vector_load %parallel_loop3A_1221[%parallel_loop3A_1222, %parallel_loop3A_1223] {strides = array<i32>} : memref<16x128xf32, #tpu.memory_space<vmem>>, vector<16xf32>,
        %parallel_loop3A_1225 = tpu.pack_subelements %parallel_loop3A_1217, %parallel_loop3A_1224 {pack_format = #tpu.pack_format<interleaved>, positions = array<i32: 0, 1>} : vector<16xf32>, vector<16xf32> -> vector<32xbf16>
        %parallel_loop3A_1226 = vector.bitcast %parallel_loop3A_1225 : vector<32xbf16> to vector<16xi32>
        %parallel_loop3A_1227 = arith.constant 6 : i32
        %parallel_loop3A_1228 = arith.constant 0 : i32
        %parallel_loop3A_1229 = tpu.memref_slice %arg7[%rem3A_62, %parallel_loop3A_106, %parallel_loop3A_1228] : memref<4x64x128xi32, #tpu.memory_space<vmem>> -> memref<1x8x128xi32, #tpu.memory_space<vmem>>
        %parallel_loop3A_1230 = tpu.memref_squeeze %parallel_loop3A_1229 : memref<1x8x128xi32, #tpu.memory_space<vmem>> -> memref<8x128xi32, #tpu.memory_space<vmem>>
        %parallel_loop3A_1231 = arith.index_cast %parallel_loop3A_1227 : i32 to index
        %parallel_loop3A_1232 = arith.constant 0 : index
        %parallel_loop3A_1233 = tpu.vector_load %parallel_loop3A_1230[%parallel_loop3A_1231, %parallel_loop3A_1232] {strides = array<i32>} : memref<8x128xi32, #tpu.memory_space<vmem>>, vector<16xi32>,
        tpu.vector_store %parallel_loop3A_1230[%parallel_loop3A_1231, %parallel_loop3A_1232], %parallel_loop3A_1226 {strides = array<i32>} : memref<8x128xi32, #tpu.memory_space<vmem>>, vector<16xi32>,
        %parallel_loop3A_1234 = arith.constant 12 : i32
        %parallel_loop3A_1235 = arith.constant 0 : i32
        %parallel_loop3A_1236 = tpu.memref_slice %arg6[%rem3A_62, %parallel_loop3A_103, %parallel_loop3A_1235] : memref<4x128x128xf32, #tpu.memory_space<vmem>> -> memref<1x16x128xf32, #tpu.memory_space<vmem>>
        %parallel_loop3A_1237 = tpu.memref_squeeze %parallel_loop3A_1236 : memref<1x16x128xf32, #tpu.memory_space<vmem>> -> memref<16x128xf32, #tpu.memory_space<vmem>>
        %parallel_loop3A_1238 = arith.index_cast %parallel_loop3A_1234 : i32 to index
        %parallel_loop3A_1239 = arith.constant 16 : index
        %parallel_loop3A_1240 = tpu.vector_load %parallel_loop3A_1237[%parallel_loop3A_1238, %parallel_loop3A_1239] {strides = array<i32>} : memref<16x128xf32, #tpu.memory_space<vmem>>, vector<16xf32>,
        %parallel_loop3A_1241 = arith.constant 13 : i32
        %parallel_loop3A_1242 = arith.constant 0 : i32
        %parallel_loop3A_1243 = tpu.memref_slice %arg6[%rem3A_62, %parallel_loop3A_103, %parallel_loop3A_1242] : memref<4x128x128xf32, #tpu.memory_space<vmem>> -> memref<1x16x128xf32, #tpu.memory_space<vmem>>
        %parallel_loop3A_1244 = tpu.memref_squeeze %parallel_loop3A_1243 : memref<1x16x128xf32, #tpu.memory_space<vmem>> -> memref<16x128xf32, #tpu.memory_space<vmem>>
        %parallel_loop3A_1245 = arith.index_cast %parallel_loop3A_1241 : i32 to index
        %parallel_loop3A_1246 = arith.constant 16 : index
        %parallel_loop3A_1247 = tpu.vector_load %parallel_loop3A_1244[%parallel_loop3A_1245, %parallel_loop3A_1246] {strides = array<i32>} : memref<16x128xf32, #tpu.memory_space<vmem>>, vector<16xf32>,
        %parallel_loop3A_1248 = tpu.pack_subelements %parallel_loop3A_1240, %parallel_loop3A_1247 {pack_format = #tpu.pack_format<interleaved>, positions = array<i32: 0, 1>} : vector<16xf32>, vector<16xf32> -> vector<32xbf16>
        %parallel_loop3A_1249 = vector.bitcast %parallel_loop3A_1248 : vector<32xbf16> to vector<16xi32>
        %parallel_loop3A_1250 = arith.constant 6 : i32
        %parallel_loop3A_1251 = arith.constant 0 : i32
        %parallel_loop3A_1252 = tpu.memref_slice %arg7[%rem3A_62, %parallel_loop3A_106, %parallel_loop3A_1251] : memref<4x64x128xi32, #tpu.memory_space<vmem>> -> memref<1x8x128xi32, #tpu.memory_space<vmem>>
        %parallel_loop3A_1253 = tpu.memref_squeeze %parallel_loop3A_1252 : memref<1x8x128xi32, #tpu.memory_space<vmem>> -> memref<8x128xi32, #tpu.memory_space<vmem>>
        %parallel_loop3A_1254 = arith.index_cast %parallel_loop3A_1250 : i32 to index
        %parallel_loop3A_1255 = arith.constant 16 : index
        %parallel_loop3A_1256 = tpu.vector_load %parallel_loop3A_1253[%parallel_loop3A_1254, %parallel_loop3A_1255] {strides = array<i32>} : memref<8x128xi32, #tpu.memory_space<vmem>>, vector<16xi32>,
        tpu.vector_store %parallel_loop3A_1253[%parallel_loop3A_1254, %parallel_loop3A_1255], %parallel_loop3A_1249 {strides = array<i32>} : memref<8x128xi32, #tpu.memory_space<vmem>>, vector<16xi32>,
        %parallel_loop3A_1257 = arith.constant 12 : i32
        %parallel_loop3A_1258 = arith.constant 0 : i32
        %parallel_loop3A_1259 = tpu.memref_slice %arg6[%rem3A_62, %parallel_loop3A_103, %parallel_loop3A_1258] : memref<4x128x128xf32, #tpu.memory_space<vmem>> -> memref<1x16x128xf32, #tpu.memory_space<vmem>>
        %parallel_loop3A_1260 = tpu.memref_squeeze %parallel_loop3A_1259 : memref<1x16x128xf32, #tpu.memory_space<vmem>> -> memref<16x128xf32, #tpu.memory_space<vmem>>
        %parallel_loop3A_1261 = arith.index_cast %parallel_loop3A_1257 : i32 to index
        %parallel_loop3A_1262 = arith.constant 32 : index
        %parallel_loop3A_1263 = tpu.vector_load %parallel_loop3A_1260[%parallel_loop3A_1261, %parallel_loop3A_1262] {strides = array<i32>} : memref<16x128xf32, #tpu.memory_space<vmem>>, vector<16xf32>,
        %parallel_loop3A_1264 = arith.constant 13 : i32
        %parallel_loop3A_1265 = arith.constant 0 : i32
        %parallel_loop3A_1266 = tpu.memref_slice %arg6[%rem3A_62, %parallel_loop3A_103, %parallel_loop3A_1265] : memref<4x128x128xf32, #tpu.memory_space<vmem>> -> memref<1x16x128xf32, #tpu.memory_space<vmem>>
        %parallel_loop3A_1267 = tpu.memref_squeeze %parallel_loop3A_1266 : memref<1x16x128xf32, #tpu.memory_space<vmem>> -> memref<16x128xf32, #tpu.memory_space<vmem>>
        %parallel_loop3A_1268 = arith.index_cast %parallel_loop3A_1264 : i32 to index
        %parallel_loop3A_1269 = arith.constant 32 : index
        %parallel_loop3A_1270 = tpu.vector_load %parallel_loop3A_1267[%parallel_loop3A_1268, %parallel_loop3A_1269] {strides = array<i32>} : memref<16x128xf32, #tpu.memory_space<vmem>>, vector<16xf32>,
        %parallel_loop3A_1271 = tpu.pack_subelements %parallel_loop3A_1263, %parallel_loop3A_1270 {pack_format = #tpu.pack_format<interleaved>, positions = array<i32: 0, 1>} : vector<16xf32>, vector<16xf32> -> vector<32xbf16>
        %parallel_loop3A_1272 = vector.bitcast %parallel_loop3A_1271 : vector<32xbf16> to vector<16xi32>
        %parallel_loop3A_1273 = arith.constant 6 : i32
        %parallel_loop3A_1274 = arith.constant 0 : i32
        %parallel_loop3A_1275 = tpu.memref_slice %arg7[%rem3A_62, %parallel_loop3A_106, %parallel_loop3A_1274] : memref<4x64x128xi32, #tpu.memory_space<vmem>> -> memref<1x8x128xi32, #tpu.memory_space<vmem>>
        %parallel_loop3A_1276 = tpu.memref_squeeze %parallel_loop3A_1275 : memref<1x8x128xi32, #tpu.memory_space<vmem>> -> memref<8x128xi32, #tpu.memory_space<vmem>>
        %parallel_loop3A_1277 = arith.index_cast %parallel_loop3A_1273 : i32 to index
        %parallel_loop3A_1278 = arith.constant 32 : index
        %parallel_loop3A_1279 = tpu.vector_load %parallel_loop3A_1276[%parallel_loop3A_1277, %parallel_loop3A_1278] {strides = array<i32>} : memref<8x128xi32, #tpu.memory_space<vmem>>, vector<16xi32>,
        tpu.vector_store %parallel_loop3A_1276[%parallel_loop3A_1277, %parallel_loop3A_1278], %parallel_loop3A_1272 {strides = array<i32>} : memref<8x128xi32, #tpu.memory_space<vmem>>, vector<16xi32>,
        %parallel_loop3A_1280 = arith.constant 12 : i32
        %parallel_loop3A_1281 = arith.constant 0 : i32
        %parallel_loop3A_1282 = tpu.memref_slice %arg6[%rem3A_62, %parallel_loop3A_103, %parallel_loop3A_1281] : memref<4x128x128xf32, #tpu.memory_space<vmem>> -> memref<1x16x128xf32, #tpu.memory_space<vmem>>
        %parallel_loop3A_1283 = tpu.memref_squeeze %parallel_loop3A_1282 : memref<1x16x128xf32, #tpu.memory_space<vmem>> -> memref<16x128xf32, #tpu.memory_space<vmem>>
        %parallel_loop3A_1284 = arith.index_cast %parallel_loop3A_1280 : i32 to index
        %parallel_loop3A_1285 = arith.constant 48 : index
        %parallel_loop3A_1286 = tpu.vector_load %parallel_loop3A_1283[%parallel_loop3A_1284, %parallel_loop3A_1285] {strides = array<i32>} : memref<16x128xf32, #tpu.memory_space<vmem>>, vector<16xf32>,
        %parallel_loop3A_1287 = arith.constant 13 : i32
        %parallel_loop3A_1288 = arith.constant 0 : i32
        %parallel_loop3A_1289 = tpu.memref_slice %arg6[%rem3A_62, %parallel_loop3A_103, %parallel_loop3A_1288] : memref<4x128x128xf32, #tpu.memory_space<vmem>> -> memref<1x16x128xf32, #tpu.memory_space<vmem>>
        %parallel_loop3A_1290 = tpu.memref_squeeze %parallel_loop3A_1289 : memref<1x16x128xf32, #tpu.memory_space<vmem>> -> memref<16x128xf32, #tpu.memory_space<vmem>>
        %parallel_loop3A_1291 = arith.index_cast %parallel_loop3A_1287 : i32 to index
        %parallel_loop3A_1292 = arith.constant 48 : index
        %parallel_loop3A_1293 = tpu.vector_load %parallel_loop3A_1290[%parallel_loop3A_1291, %parallel_loop3A_1292] {strides = array<i32>} : memref<16x128xf32, #tpu.memory_space<vmem>>, vector<16xf32>,
        %parallel_loop3A_1294 = tpu.pack_subelements %parallel_loop3A_1286, %parallel_loop3A_1293 {pack_format = #tpu.pack_format<interleaved>, positions = array<i32: 0, 1>} : vector<16xf32>, vector<16xf32> -> vector<32xbf16>
        %parallel_loop3A_1295 = vector.bitcast %parallel_loop3A_1294 : vector<32xbf16> to vector<16xi32>
        %parallel_loop3A_1296 = arith.constant 6 : i32
        %parallel_loop3A_1297 = arith.constant 0 : i32
        %parallel_loop3A_1298 = tpu.memref_slice %arg7[%rem3A_62, %parallel_loop3A_106, %parallel_loop3A_1297] : memref<4x64x128xi32, #tpu.memory_space<vmem>> -> memref<1x8x128xi32, #tpu.memory_space<vmem>>
        %parallel_loop3A_1299 = tpu.memref_squeeze %parallel_loop3A_1298 : memref<1x8x128xi32, #tpu.memory_space<vmem>> -> memref<8x128xi32, #tpu.memory_space<vmem>>
        %parallel_loop3A_1300 = arith.index_cast %parallel_loop3A_1296 : i32 to index
        %parallel_loop3A_1301 = arith.constant 48 : index
        %parallel_loop3A_1302 = tpu.vector_load %parallel_loop3A_1299[%parallel_loop3A_1300, %parallel_loop3A_1301] {strides = array<i32>} : memref<8x128xi32, #tpu.memory_space<vmem>>, vector<16xi32>,
        tpu.vector_store %parallel_loop3A_1299[%parallel_loop3A_1300, %parallel_loop3A_1301], %parallel_loop3A_1295 {strides = array<i32>} : memref<8x128xi32, #tpu.memory_space<vmem>>, vector<16xi32>,
        %parallel_loop3A_1303 = arith.constant 12 : i32
        %parallel_loop3A_1304 = arith.constant 0 : i32
        %parallel_loop3A_1305 = tpu.memref_slice %arg6[%rem3A_62, %parallel_loop3A_103, %parallel_loop3A_1304] : memref<4x128x128xf32, #tpu.memory_space<vmem>> -> memref<1x16x128xf32, #tpu.memory_space<vmem>>
        %parallel_loop3A_1306 = tpu.memref_squeeze %parallel_loop3A_1305 : memref<1x16x128xf32, #tpu.memory_space<vmem>> -> memref<16x128xf32, #tpu.memory_space<vmem>>
        %parallel_loop3A_1307 = arith.index_cast %parallel_loop3A_1303 : i32 to index
        %parallel_loop3A_1308 = arith.constant 64 : index
        %parallel_loop3A_1309 = tpu.vector_load %parallel_loop3A_1306[%parallel_loop3A_1307, %parallel_loop3A_1308] {strides = array<i32>} : memref<16x128xf32, #tpu.memory_space<vmem>>, vector<16xf32>,
        %parallel_loop3A_1310 = arith.constant 13 : i32
        %parallel_loop3A_1311 = arith.constant 0 : i32
        %parallel_loop3A_1312 = tpu.memref_slice %arg6[%rem3A_62, %parallel_loop3A_103, %parallel_loop3A_1311] : memref<4x128x128xf32, #tpu.memory_space<vmem>> -> memref<1x16x128xf32, #tpu.memory_space<vmem>>
        %parallel_loop3A_1313 = tpu.memref_squeeze %parallel_loop3A_1312 : memref<1x16x128xf32, #tpu.memory_space<vmem>> -> memref<16x128xf32, #tpu.memory_space<vmem>>
        %parallel_loop3A_1314 = arith.index_cast %parallel_loop3A_1310 : i32 to index
        %parallel_loop3A_1315 = arith.constant 64 : index
        %parallel_loop3A_1316 = tpu.vector_load %parallel_loop3A_1313[%parallel_loop3A_1314, %parallel_loop3A_1315] {strides = array<i32>} : memref<16x128xf32, #tpu.memory_space<vmem>>, vector<16xf32>,
        %parallel_loop3A_1317 = tpu.pack_subelements %parallel_loop3A_1309, %parallel_loop3A_1316 {pack_format = #tpu.pack_format<interleaved>, positions = array<i32: 0, 1>} : vector<16xf32>, vector<16xf32> -> vector<32xbf16>
        %parallel_loop3A_1318 = vector.bitcast %parallel_loop3A_1317 : vector<32xbf16> to vector<16xi32>
        %parallel_loop3A_1319 = arith.constant 6 : i32
        %parallel_loop3A_1320 = arith.constant 0 : i32
        %parallel_loop3A_1321 = tpu.memref_slice %arg7[%rem3A_62, %parallel_loop3A_106, %parallel_loop3A_1320] : memref<4x64x128xi32, #tpu.memory_space<vmem>> -> memref<1x8x128xi32, #tpu.memory_space<vmem>>
        %parallel_loop3A_1322 = tpu.memref_squeeze %parallel_loop3A_1321 : memref<1x8x128xi32, #tpu.memory_space<vmem>> -> memref<8x128xi32, #tpu.memory_space<vmem>>
        %parallel_loop3A_1323 = arith.index_cast %parallel_loop3A_1319 : i32 to index
        %parallel_loop3A_1324 = arith.constant 64 : index
        %parallel_loop3A_1325 = tpu.vector_load %parallel_loop3A_1322[%parallel_loop3A_1323, %parallel_loop3A_1324] {strides = array<i32>} : memref<8x128xi32, #tpu.memory_space<vmem>>, vector<16xi32>,
        tpu.vector_store %parallel_loop3A_1322[%parallel_loop3A_1323, %parallel_loop3A_1324], %parallel_loop3A_1318 {strides = array<i32>} : memref<8x128xi32, #tpu.memory_space<vmem>>, vector<16xi32>,
        %parallel_loop3A_1326 = arith.constant 12 : i32
        %parallel_loop3A_1327 = arith.constant 0 : i32
        %parallel_loop3A_1328 = tpu.memref_slice %arg6[%rem3A_62, %parallel_loop3A_103, %parallel_loop3A_1327] : memref<4x128x128xf32, #tpu.memory_space<vmem>> -> memref<1x16x128xf32, #tpu.memory_space<vmem>>
        %parallel_loop3A_1329 = tpu.memref_squeeze %parallel_loop3A_1328 : memref<1x16x128xf32, #tpu.memory_space<vmem>> -> memref<16x128xf32, #tpu.memory_space<vmem>>
        %parallel_loop3A_1330 = arith.index_cast %parallel_loop3A_1326 : i32 to index
        %parallel_loop3A_1331 = arith.constant 80 : index
        %parallel_loop3A_1332 = tpu.vector_load %parallel_loop3A_1329[%parallel_loop3A_1330, %parallel_loop3A_1331] {strides = array<i32>} : memref<16x128xf32, #tpu.memory_space<vmem>>, vector<16xf32>,
        %parallel_loop3A_1333 = arith.constant 13 : i32
        %parallel_loop3A_1334 = arith.constant 0 : i32
        %parallel_loop3A_1335 = tpu.memref_slice %arg6[%rem3A_62, %parallel_loop3A_103, %parallel_loop3A_1334] : memref<4x128x128xf32, #tpu.memory_space<vmem>> -> memref<1x16x128xf32, #tpu.memory_space<vmem>>
        %parallel_loop3A_1336 = tpu.memref_squeeze %parallel_loop3A_1335 : memref<1x16x128xf32, #tpu.memory_space<vmem>> -> memref<16x128xf32, #tpu.memory_space<vmem>>
        %parallel_loop3A_1337 = arith.index_cast %parallel_loop3A_1333 : i32 to index
        %parallel_loop3A_1338 = arith.constant 80 : index
        %parallel_loop3A_1339 = tpu.vector_load %parallel_loop3A_1336[%parallel_loop3A_1337, %parallel_loop3A_1338] {strides = array<i32>} : memref<16x128xf32, #tpu.memory_space<vmem>>, vector<16xf32>,
        %parallel_loop3A_1340 = tpu.pack_subelements %parallel_loop3A_1332, %parallel_loop3A_1339 {pack_format = #tpu.pack_format<interleaved>, positions = array<i32: 0, 1>} : vector<16xf32>, vector<16xf32> -> vector<32xbf16>
        %parallel_loop3A_1341 = vector.bitcast %parallel_loop3A_1340 : vector<32xbf16> to vector<16xi32>
        %parallel_loop3A_1342 = arith.constant 6 : i32
        %parallel_loop3A_1343 = arith.constant 0 : i32
        %parallel_loop3A_1344 = tpu.memref_slice %arg7[%rem3A_62, %parallel_loop3A_106, %parallel_loop3A_1343] : memref<4x64x128xi32, #tpu.memory_space<vmem>> -> memref<1x8x128xi32, #tpu.memory_space<vmem>>
        %parallel_loop3A_1345 = tpu.memref_squeeze %parallel_loop3A_1344 : memref<1x8x128xi32, #tpu.memory_space<vmem>> -> memref<8x128xi32, #tpu.memory_space<vmem>>
        %parallel_loop3A_1346 = arith.index_cast %parallel_loop3A_1342 : i32 to index
        %parallel_loop3A_1347 = arith.constant 80 : index
        %parallel_loop3A_1348 = tpu.vector_load %parallel_loop3A_1345[%parallel_loop3A_1346, %parallel_loop3A_1347] {strides = array<i32>} : memref<8x128xi32, #tpu.memory_space<vmem>>, vector<16xi32>,
        tpu.vector_store %parallel_loop3A_1345[%parallel_loop3A_1346, %parallel_loop3A_1347], %parallel_loop3A_1341 {strides = array<i32>} : memref<8x128xi32, #tpu.memory_space<vmem>>, vector<16xi32>,
        %parallel_loop3A_1349 = arith.constant 12 : i32
        %parallel_loop3A_1350 = arith.constant 0 : i32
        %parallel_loop3A_1351 = tpu.memref_slice %arg6[%rem3A_62, %parallel_loop3A_103, %parallel_loop3A_1350] : memref<4x128x128xf32, #tpu.memory_space<vmem>> -> memref<1x16x128xf32, #tpu.memory_space<vmem>>
        %parallel_loop3A_1352 = tpu.memref_squeeze %parallel_loop3A_1351 : memref<1x16x128xf32, #tpu.memory_space<vmem>> -> memref<16x128xf32, #tpu.memory_space<vmem>>
        %parallel_loop3A_1353 = arith.index_cast %parallel_loop3A_1349 : i32 to index
        %parallel_loop3A_1354 = arith.constant 96 : index
        %parallel_loop3A_1355 = tpu.vector_load %parallel_loop3A_1352[%parallel_loop3A_1353, %parallel_loop3A_1354] {strides = array<i32>} : memref<16x128xf32, #tpu.memory_space<vmem>>, vector<16xf32>,
        %parallel_loop3A_1356 = arith.constant 13 : i32
        %parallel_loop3A_1357 = arith.constant 0 : i32
        %parallel_loop3A_1358 = tpu.memref_slice %arg6[%rem3A_62, %parallel_loop3A_103, %parallel_loop3A_1357] : memref<4x128x128xf32, #tpu.memory_space<vmem>> -> memref<1x16x128xf32, #tpu.memory_space<vmem>>
        %parallel_loop3A_1359 = tpu.memref_squeeze %parallel_loop3A_1358 : memref<1x16x128xf32, #tpu.memory_space<vmem>> -> memref<16x128xf32, #tpu.memory_space<vmem>>
        %parallel_loop3A_1360 = arith.index_cast %parallel_loop3A_1356 : i32 to index
        %parallel_loop3A_1361 = arith.constant 96 : index
        %parallel_loop3A_1362 = tpu.vector_load %parallel_loop3A_1359[%parallel_loop3A_1360, %parallel_loop3A_1361] {strides = array<i32>} : memref<16x128xf32, #tpu.memory_space<vmem>>, vector<16xf32>,
        %parallel_loop3A_1363 = tpu.pack_subelements %parallel_loop3A_1355, %parallel_loop3A_1362 {pack_format = #tpu.pack_format<interleaved>, positions = array<i32: 0, 1>} : vector<16xf32>, vector<16xf32> -> vector<32xbf16>
        %parallel_loop3A_1364 = vector.bitcast %parallel_loop3A_1363 : vector<32xbf16> to vector<16xi32>
        %parallel_loop3A_1365 = arith.constant 6 : i32
        %parallel_loop3A_1366 = arith.constant 0 : i32
        %parallel_loop3A_1367 = tpu.memref_slice %arg7[%rem3A_62, %parallel_loop3A_106, %parallel_loop3A_1366] : memref<4x64x128xi32, #tpu.memory_space<vmem>> -> memref<1x8x128xi32, #tpu.memory_space<vmem>>
        %parallel_loop3A_1368 = tpu.memref_squeeze %parallel_loop3A_1367 : memref<1x8x128xi32, #tpu.memory_space<vmem>> -> memref<8x128xi32, #tpu.memory_space<vmem>>
        %parallel_loop3A_1369 = arith.index_cast %parallel_loop3A_1365 : i32 to index
        %parallel_loop3A_1370 = arith.constant 96 : index
        %parallel_loop3A_1371 = tpu.vector_load %parallel_loop3A_1368[%parallel_loop3A_1369, %parallel_loop3A_1370] {strides = array<i32>} : memref<8x128xi32, #tpu.memory_space<vmem>>, vector<16xi32>,
        tpu.vector_store %parallel_loop3A_1368[%parallel_loop3A_1369, %parallel_loop3A_1370], %parallel_loop3A_1364 {strides = array<i32>} : memref<8x128xi32, #tpu.memory_space<vmem>>, vector<16xi32>,
        %parallel_loop3A_1372 = arith.constant 12 : i32
        %parallel_loop3A_1373 = arith.constant 0 : i32
        %parallel_loop3A_1374 = tpu.memref_slice %arg6[%rem3A_62, %parallel_loop3A_103, %parallel_loop3A_1373] : memref<4x128x128xf32, #tpu.memory_space<vmem>> -> memref<1x16x128xf32, #tpu.memory_space<vmem>>
        %parallel_loop3A_1375 = tpu.memref_squeeze %parallel_loop3A_1374 : memref<1x16x128xf32, #tpu.memory_space<vmem>> -> memref<16x128xf32, #tpu.memory_space<vmem>>
        %parallel_loop3A_1376 = arith.index_cast %parallel_loop3A_1372 : i32 to index
        %parallel_loop3A_1377 = arith.constant 112 : index
        %parallel_loop3A_1378 = tpu.vector_load %parallel_loop3A_1375[%parallel_loop3A_1376, %parallel_loop3A_1377] {strides = array<i32>} : memref<16x128xf32, #tpu.memory_space<vmem>>, vector<16xf32>,
        %parallel_loop3A_1379 = arith.constant 13 : i32
        %parallel_loop3A_1380 = arith.constant 0 : i32
        %parallel_loop3A_1381 = tpu.memref_slice %arg6[%rem3A_62, %parallel_loop3A_103, %parallel_loop3A_1380] : memref<4x128x128xf32, #tpu.memory_space<vmem>> -> memref<1x16x128xf32, #tpu.memory_space<vmem>>
        %parallel_loop3A_1382 = tpu.memref_squeeze %parallel_loop3A_1381 : memref<1x16x128xf32, #tpu.memory_space<vmem>> -> memref<16x128xf32, #tpu.memory_space<vmem>>
        %parallel_loop3A_1383 = arith.index_cast %parallel_loop3A_1379 : i32 to index
        %parallel_loop3A_1384 = arith.constant 112 : index
        %parallel_loop3A_1385 = tpu.vector_load %parallel_loop3A_1382[%parallel_loop3A_1383, %parallel_loop3A_1384] {strides = array<i32>} : memref<16x128xf32, #tpu.memory_space<vmem>>, vector<16xf32>,
        %parallel_loop3A_1386 = tpu.pack_subelements %parallel_loop3A_1378, %parallel_loop3A_1385 {pack_format = #tpu.pack_format<interleaved>, positions = array<i32: 0, 1>} : vector<16xf32>, vector<16xf32> -> vector<32xbf16>
        %parallel_loop3A_1387 = vector.bitcast %parallel_loop3A_1386 : vector<32xbf16> to vector<16xi32>
        %parallel_loop3A_1388 = arith.constant 6 : i32
        %parallel_loop3A_1389 = arith.constant 0 : i32
        %parallel_loop3A_1390 = tpu.memref_slice %arg7[%rem3A_62, %parallel_loop3A_106, %parallel_loop3A_1389] : memref<4x64x128xi32, #tpu.memory_space<vmem>> -> memref<1x8x128xi32, #tpu.memory_space<vmem>>
        %parallel_loop3A_1391 = tpu.memref_squeeze %parallel_loop3A_1390 : memref<1x8x128xi32, #tpu.memory_space<vmem>> -> memref<8x128xi32, #tpu.memory_space<vmem>>
        %parallel_loop3A_1392 = arith.index_cast %parallel_loop3A_1388 : i32 to index
        %parallel_loop3A_1393 = arith.constant 112 : index
        %parallel_loop3A_1394 = tpu.vector_load %parallel_loop3A_1391[%parallel_loop3A_1392, %parallel_loop3A_1393] {strides = array<i32>} : memref<8x128xi32, #tpu.memory_space<vmem>>, vector<16xi32>,
        tpu.vector_store %parallel_loop3A_1391[%parallel_loop3A_1392, %parallel_loop3A_1393], %parallel_loop3A_1387 {strides = array<i32>} : memref<8x128xi32, #tpu.memory_space<vmem>>, vector<16xi32>,
        %parallel_loop3A_1395 = arith.constant 14 : i32
        %parallel_loop3A_1396 = arith.constant 0 : i32
        %parallel_loop3A_1397 = tpu.memref_slice %arg6[%rem3A_62, %parallel_loop3A_103, %parallel_loop3A_1396] : memref<4x128x128xf32, #tpu.memory_space<vmem>> -> memref<1x16x128xf32, #tpu.memory_space<vmem>>
        %parallel_loop3A_1398 = tpu.memref_squeeze %parallel_loop3A_1397 : memref<1x16x128xf32, #tpu.memory_space<vmem>> -> memref<16x128xf32, #tpu.memory_space<vmem>>
        %parallel_loop3A_1399 = arith.index_cast %parallel_loop3A_1395 : i32 to index
        %parallel_loop3A_1400 = arith.constant 0 : index
        %parallel_loop3A_1401 = tpu.vector_load %parallel_loop3A_1398[%parallel_loop3A_1399, %parallel_loop3A_1400] {strides = array<i32>} : memref<16x128xf32, #tpu.memory_space<vmem>>, vector<16xf32>,
        %parallel_loop3A_1402 = arith.constant 15 : i32
        %parallel_loop3A_1403 = arith.constant 0 : i32
        %parallel_loop3A_1404 = tpu.memref_slice %arg6[%rem3A_62, %parallel_loop3A_103, %parallel_loop3A_1403] : memref<4x128x128xf32, #tpu.memory_space<vmem>> -> memref<1x16x128xf32, #tpu.memory_space<vmem>>
        %parallel_loop3A_1405 = tpu.memref_squeeze %parallel_loop3A_1404 : memref<1x16x128xf32, #tpu.memory_space<vmem>> -> memref<16x128xf32, #tpu.memory_space<vmem>>
        %parallel_loop3A_1406 = arith.index_cast %parallel_loop3A_1402 : i32 to index
        %parallel_loop3A_1407 = arith.constant 0 : index
        %parallel_loop3A_1408 = tpu.vector_load %parallel_loop3A_1405[%parallel_loop3A_1406, %parallel_loop3A_1407] {strides = array<i32>} : memref<16x128xf32, #tpu.memory_space<vmem>>, vector<16xf32>,
        %parallel_loop3A_1409 = tpu.pack_subelements %parallel_loop3A_1401, %parallel_loop3A_1408 {pack_format = #tpu.pack_format<interleaved>, positions = array<i32: 0, 1>} : vector<16xf32>, vector<16xf32> -> vector<32xbf16>
        %parallel_loop3A_1410 = vector.bitcast %parallel_loop3A_1409 : vector<32xbf16> to vector<16xi32>
        %parallel_loop3A_1411 = arith.constant 7 : i32
        %parallel_loop3A_1412 = arith.constant 0 : i32
        %parallel_loop3A_1413 = tpu.memref_slice %arg7[%rem3A_62, %parallel_loop3A_106, %parallel_loop3A_1412] : memref<4x64x128xi32, #tpu.memory_space<vmem>> -> memref<1x8x128xi32, #tpu.memory_space<vmem>>
        %parallel_loop3A_1414 = tpu.memref_squeeze %parallel_loop3A_1413 : memref<1x8x128xi32, #tpu.memory_space<vmem>> -> memref<8x128xi32, #tpu.memory_space<vmem>>
        %parallel_loop3A_1415 = arith.index_cast %parallel_loop3A_1411 : i32 to index
        %parallel_loop3A_1416 = arith.constant 0 : index
        %parallel_loop3A_1417 = tpu.vector_load %parallel_loop3A_1414[%parallel_loop3A_1415, %parallel_loop3A_1416] {strides = array<i32>} : memref<8x128xi32, #tpu.memory_space<vmem>>, vector<16xi32>,
        tpu.vector_store %parallel_loop3A_1414[%parallel_loop3A_1415, %parallel_loop3A_1416], %parallel_loop3A_1410 {strides = array<i32>} : memref<8x128xi32, #tpu.memory_space<vmem>>, vector<16xi32>,
        %parallel_loop3A_1418 = arith.constant 14 : i32
        %parallel_loop3A_1419 = arith.constant 0 : i32
        %parallel_loop3A_1420 = tpu.memref_slice %arg6[%rem3A_62, %parallel_loop3A_103, %parallel_loop3A_1419] : memref<4x128x128xf32, #tpu.memory_space<vmem>> -> memref<1x16x128xf32, #tpu.memory_space<vmem>>
        %parallel_loop3A_1421 = tpu.memref_squeeze %parallel_loop3A_1420 : memref<1x16x128xf32, #tpu.memory_space<vmem>> -> memref<16x128xf32, #tpu.memory_space<vmem>>
        %parallel_loop3A_1422 = arith.index_cast %parallel_loop3A_1418 : i32 to index
        %parallel_loop3A_1423 = arith.constant 16 : index
        %parallel_loop3A_1424 = tpu.vector_load %parallel_loop3A_1421[%parallel_loop3A_1422, %parallel_loop3A_1423] {strides = array<i32>} : memref<16x128xf32, #tpu.memory_space<vmem>>, vector<16xf32>,
        %parallel_loop3A_1425 = arith.constant 15 : i32
        %parallel_loop3A_1426 = arith.constant 0 : i32
        %parallel_loop3A_1427 = tpu.memref_slice %arg6[%rem3A_62, %parallel_loop3A_103, %parallel_loop3A_1426] : memref<4x128x128xf32, #tpu.memory_space<vmem>> -> memref<1x16x128xf32, #tpu.memory_space<vmem>>
        %parallel_loop3A_1428 = tpu.memref_squeeze %parallel_loop3A_1427 : memref<1x16x128xf32, #tpu.memory_space<vmem>> -> memref<16x128xf32, #tpu.memory_space<vmem>>
        %parallel_loop3A_1429 = arith.index_cast %parallel_loop3A_1425 : i32 to index
        %parallel_loop3A_1430 = arith.constant 16 : index
        %parallel_loop3A_1431 = tpu.vector_load %parallel_loop3A_1428[%parallel_loop3A_1429, %parallel_loop3A_1430] {strides = array<i32>} : memref<16x128xf32, #tpu.memory_space<vmem>>, vector<16xf32>,
        %parallel_loop3A_1432 = tpu.pack_subelements %parallel_loop3A_1424, %parallel_loop3A_1431 {pack_format = #tpu.pack_format<interleaved>, positions = array<i32: 0, 1>} : vector<16xf32>, vector<16xf32> -> vector<32xbf16>
        %parallel_loop3A_1433 = vector.bitcast %parallel_loop3A_1432 : vector<32xbf16> to vector<16xi32>
        %parallel_loop3A_1434 = arith.constant 7 : i32
        %parallel_loop3A_1435 = arith.constant 0 : i32
        %parallel_loop3A_1436 = tpu.memref_slice %arg7[%rem3A_62, %parallel_loop3A_106, %parallel_loop3A_1435] : memref<4x64x128xi32, #tpu.memory_space<vmem>> -> memref<1x8x128xi32, #tpu.memory_space<vmem>>
        %parallel_loop3A_1437 = tpu.memref_squeeze %parallel_loop3A_1436 : memref<1x8x128xi32, #tpu.memory_space<vmem>> -> memref<8x128xi32, #tpu.memory_space<vmem>>
        %parallel_loop3A_1438 = arith.index_cast %parallel_loop3A_1434 : i32 to index
        %parallel_loop3A_1439 = arith.constant 16 : index
        %parallel_loop3A_1440 = tpu.vector_load %parallel_loop3A_1437[%parallel_loop3A_1438, %parallel_loop3A_1439] {strides = array<i32>} : memref<8x128xi32, #tpu.memory_space<vmem>>, vector<16xi32>,
        tpu.vector_store %parallel_loop3A_1437[%parallel_loop3A_1438, %parallel_loop3A_1439], %parallel_loop3A_1433 {strides = array<i32>} : memref<8x128xi32, #tpu.memory_space<vmem>>, vector<16xi32>,
        %parallel_loop3A_1441 = arith.constant 14 : i32
        %parallel_loop3A_1442 = arith.constant 0 : i32
        %parallel_loop3A_1443 = tpu.memref_slice %arg6[%rem3A_62, %parallel_loop3A_103, %parallel_loop3A_1442] : memref<4x128x128xf32, #tpu.memory_space<vmem>> -> memref<1x16x128xf32, #tpu.memory_space<vmem>>
        %parallel_loop3A_1444 = tpu.memref_squeeze %parallel_loop3A_1443 : memref<1x16x128xf32, #tpu.memory_space<vmem>> -> memref<16x128xf32, #tpu.memory_space<vmem>>
        %parallel_loop3A_1445 = arith.index_cast %parallel_loop3A_1441 : i32 to index
        %parallel_loop3A_1446 = arith.constant 32 : index
        %parallel_loop3A_1447 = tpu.vector_load %parallel_loop3A_1444[%parallel_loop3A_1445, %parallel_loop3A_1446] {strides = array<i32>} : memref<16x128xf32, #tpu.memory_space<vmem>>, vector<16xf32>,
        %parallel_loop3A_1448 = arith.constant 15 : i32
        %parallel_loop3A_1449 = arith.constant 0 : i32
        %parallel_loop3A_1450 = tpu.memref_slice %arg6[%rem3A_62, %parallel_loop3A_103, %parallel_loop3A_1449] : memref<4x128x128xf32, #tpu.memory_space<vmem>> -> memref<1x16x128xf32, #tpu.memory_space<vmem>>
        %parallel_loop3A_1451 = tpu.memref_squeeze %parallel_loop3A_1450 : memref<1x16x128xf32, #tpu.memory_space<vmem>> -> memref<16x128xf32, #tpu.memory_space<vmem>>
        %parallel_loop3A_1452 = arith.index_cast %parallel_loop3A_1448 : i32 to index
        %parallel_loop3A_1453 = arith.constant 32 : index
        %parallel_loop3A_1454 = tpu.vector_load %parallel_loop3A_1451[%parallel_loop3A_1452, %parallel_loop3A_1453] {strides = array<i32>} : memref<16x128xf32, #tpu.memory_space<vmem>>, vector<16xf32>,
        %parallel_loop3A_1455 = tpu.pack_subelements %parallel_loop3A_1447, %parallel_loop3A_1454 {pack_format = #tpu.pack_format<interleaved>, positions = array<i32: 0, 1>} : vector<16xf32>, vector<16xf32> -> vector<32xbf16>
        %parallel_loop3A_1456 = vector.bitcast %parallel_loop3A_1455 : vector<32xbf16> to vector<16xi32>
        %parallel_loop3A_1457 = arith.constant 7 : i32
        %parallel_loop3A_1458 = arith.constant 0 : i32
        %parallel_loop3A_1459 = tpu.memref_slice %arg7[%rem3A_62, %parallel_loop3A_106, %parallel_loop3A_1458] : memref<4x64x128xi32, #tpu.memory_space<vmem>> -> memref<1x8x128xi32, #tpu.memory_space<vmem>>
        %parallel_loop3A_1460 = tpu.memref_squeeze %parallel_loop3A_1459 : memref<1x8x128xi32, #tpu.memory_space<vmem>> -> memref<8x128xi32, #tpu.memory_space<vmem>>
        %parallel_loop3A_1461 = arith.index_cast %parallel_loop3A_1457 : i32 to index
        %parallel_loop3A_1462 = arith.constant 32 : index
        %parallel_loop3A_1463 = tpu.vector_load %parallel_loop3A_1460[%parallel_loop3A_1461, %parallel_loop3A_1462] {strides = array<i32>} : memref<8x128xi32, #tpu.memory_space<vmem>>, vector<16xi32>,
        tpu.vector_store %parallel_loop3A_1460[%parallel_loop3A_1461, %parallel_loop3A_1462], %parallel_loop3A_1456 {strides = array<i32>} : memref<8x128xi32, #tpu.memory_space<vmem>>, vector<16xi32>,
        %parallel_loop3A_1464 = arith.constant 14 : i32
        %parallel_loop3A_1465 = arith.constant 0 : i32
        %parallel_loop3A_1466 = tpu.memref_slice %arg6[%rem3A_62, %parallel_loop3A_103, %parallel_loop3A_1465] : memref<4x128x128xf32, #tpu.memory_space<vmem>> -> memref<1x16x128xf32, #tpu.memory_space<vmem>>
        %parallel_loop3A_1467 = tpu.memref_squeeze %parallel_loop3A_1466 : memref<1x16x128xf32, #tpu.memory_space<vmem>> -> memref<16x128xf32, #tpu.memory_space<vmem>>
        %parallel_loop3A_1468 = arith.index_cast %parallel_loop3A_1464 : i32 to index
        %parallel_loop3A_1469 = arith.constant 48 : index
        %parallel_loop3A_1470 = tpu.vector_load %parallel_loop3A_1467[%parallel_loop3A_1468, %parallel_loop3A_1469] {strides = array<i32>} : memref<16x128xf32, #tpu.memory_space<vmem>>, vector<16xf32>,
        %parallel_loop3A_1471 = arith.constant 15 : i32
        %parallel_loop3A_1472 = arith.constant 0 : i32
        %parallel_loop3A_1473 = tpu.memref_slice %arg6[%rem3A_62, %parallel_loop3A_103, %parallel_loop3A_1472] : memref<4x128x128xf32, #tpu.memory_space<vmem>> -> memref<1x16x128xf32, #tpu.memory_space<vmem>>
        %parallel_loop3A_1474 = tpu.memref_squeeze %parallel_loop3A_1473 : memref<1x16x128xf32, #tpu.memory_space<vmem>> -> memref<16x128xf32, #tpu.memory_space<vmem>>
        %parallel_loop3A_1475 = arith.index_cast %parallel_loop3A_1471 : i32 to index
        %parallel_loop3A_1476 = arith.constant 48 : index
        %parallel_loop3A_1477 = tpu.vector_load %parallel_loop3A_1474[%parallel_loop3A_1475, %parallel_loop3A_1476] {strides = array<i32>} : memref<16x128xf32, #tpu.memory_space<vmem>>, vector<16xf32>,
        %parallel_loop3A_1478 = tpu.pack_subelements %parallel_loop3A_1470, %parallel_loop3A_1477 {pack_format = #tpu.pack_format<interleaved>, positions = array<i32: 0, 1>} : vector<16xf32>, vector<16xf32> -> vector<32xbf16>
        %parallel_loop3A_1479 = vector.bitcast %parallel_loop3A_1478 : vector<32xbf16> to vector<16xi32>
        %parallel_loop3A_1480 = arith.constant 7 : i32
        %parallel_loop3A_1481 = arith.constant 0 : i32
        %parallel_loop3A_1482 = tpu.memref_slice %arg7[%rem3A_62, %parallel_loop3A_106, %parallel_loop3A_1481] : memref<4x64x128xi32, #tpu.memory_space<vmem>> -> memref<1x8x128xi32, #tpu.memory_space<vmem>>
        %parallel_loop3A_1483 = tpu.memref_squeeze %parallel_loop3A_1482 : memref<1x8x128xi32, #tpu.memory_space<vmem>> -> memref<8x128xi32, #tpu.memory_space<vmem>>
        %parallel_loop3A_1484 = arith.index_cast %parallel_loop3A_1480 : i32 to index
        %parallel_loop3A_1485 = arith.constant 48 : index
        %parallel_loop3A_1486 = tpu.vector_load %parallel_loop3A_1483[%parallel_loop3A_1484, %parallel_loop3A_1485] {strides = array<i32>} : memref<8x128xi32, #tpu.memory_space<vmem>>, vector<16xi32>,
        tpu.vector_store %parallel_loop3A_1483[%parallel_loop3A_1484, %parallel_loop3A_1485], %parallel_loop3A_1479 {strides = array<i32>} : memref<8x128xi32, #tpu.memory_space<vmem>>, vector<16xi32>,
        %parallel_loop3A_1487 = arith.constant 14 : i32
        %parallel_loop3A_1488 = arith.constant 0 : i32
        %parallel_loop3A_1489 = tpu.memref_slice %arg6[%rem3A_62, %parallel_loop3A_103, %parallel_loop3A_1488] : memref<4x128x128xf32, #tpu.memory_space<vmem>> -> memref<1x16x128xf32, #tpu.memory_space<vmem>>
        %parallel_loop3A_1490 = tpu.memref_squeeze %parallel_loop3A_1489 : memref<1x16x128xf32, #tpu.memory_space<vmem>> -> memref<16x128xf32, #tpu.memory_space<vmem>>
        %parallel_loop3A_1491 = arith.index_cast %parallel_loop3A_1487 : i32 to index
        %parallel_loop3A_1492 = arith.constant 64 : index
        %parallel_loop3A_1493 = tpu.vector_load %parallel_loop3A_1490[%parallel_loop3A_1491, %parallel_loop3A_1492] {strides = array<i32>} : memref<16x128xf32, #tpu.memory_space<vmem>>, vector<16xf32>,
        %parallel_loop3A_1494 = arith.constant 15 : i32
        %parallel_loop3A_1495 = arith.constant 0 : i32
        %parallel_loop3A_1496 = tpu.memref_slice %arg6[%rem3A_62, %parallel_loop3A_103, %parallel_loop3A_1495] : memref<4x128x128xf32, #tpu.memory_space<vmem>> -> memref<1x16x128xf32, #tpu.memory_space<vmem>>
        %parallel_loop3A_1497 = tpu.memref_squeeze %parallel_loop3A_1496 : memref<1x16x128xf32, #tpu.memory_space<vmem>> -> memref<16x128xf32, #tpu.memory_space<vmem>>
        %parallel_loop3A_1498 = arith.index_cast %parallel_loop3A_1494 : i32 to index
        %parallel_loop3A_1499 = arith.constant 64 : index
        %parallel_loop3A_1500 = tpu.vector_load %parallel_loop3A_1497[%parallel_loop3A_1498, %parallel_loop3A_1499] {strides = array<i32>} : memref<16x128xf32, #tpu.memory_space<vmem>>, vector<16xf32>,
        %parallel_loop3A_1501 = tpu.pack_subelements %parallel_loop3A_1493, %parallel_loop3A_1500 {pack_format = #tpu.pack_format<interleaved>, positions = array<i32: 0, 1>} : vector<16xf32>, vector<16xf32> -> vector<32xbf16>
        %parallel_loop3A_1502 = vector.bitcast %parallel_loop3A_1501 : vector<32xbf16> to vector<16xi32>
        %parallel_loop3A_1503 = arith.constant 7 : i32
        %parallel_loop3A_1504 = arith.constant 0 : i32
        %parallel_loop3A_1505 = tpu.memref_slice %arg7[%rem3A_62, %parallel_loop3A_106, %parallel_loop3A_1504] : memref<4x64x128xi32, #tpu.memory_space<vmem>> -> memref<1x8x128xi32, #tpu.memory_space<vmem>>
        %parallel_loop3A_1506 = tpu.memref_squeeze %parallel_loop3A_1505 : memref<1x8x128xi32, #tpu.memory_space<vmem>> -> memref<8x128xi32, #tpu.memory_space<vmem>>
        %parallel_loop3A_1507 = arith.index_cast %parallel_loop3A_1503 : i32 to index
        %parallel_loop3A_1508 = arith.constant 64 : index
        %parallel_loop3A_1509 = tpu.vector_load %parallel_loop3A_1506[%parallel_loop3A_1507, %parallel_loop3A_1508] {strides = array<i32>} : memref<8x128xi32, #tpu.memory_space<vmem>>, vector<16xi32>,
        tpu.vector_store %parallel_loop3A_1506[%parallel_loop3A_1507, %parallel_loop3A_1508], %parallel_loop3A_1502 {strides = array<i32>} : memref<8x128xi32, #tpu.memory_space<vmem>>, vector<16xi32>,
        %parallel_loop3A_1510 = arith.constant 14 : i32
        %parallel_loop3A_1511 = arith.constant 0 : i32
        %parallel_loop3A_1512 = tpu.memref_slice %arg6[%rem3A_62, %parallel_loop3A_103, %parallel_loop3A_1511] : memref<4x128x128xf32, #tpu.memory_space<vmem>> -> memref<1x16x128xf32, #tpu.memory_space<vmem>>
        %parallel_loop3A_1513 = tpu.memref_squeeze %parallel_loop3A_1512 : memref<1x16x128xf32, #tpu.memory_space<vmem>> -> memref<16x128xf32, #tpu.memory_space<vmem>>
        %parallel_loop3A_1514 = arith.index_cast %parallel_loop3A_1510 : i32 to index
        %parallel_loop3A_1515 = arith.constant 80 : index
        %parallel_loop3A_1516 = tpu.vector_load %parallel_loop3A_1513[%parallel_loop3A_1514, %parallel_loop3A_1515] {strides = array<i32>} : memref<16x128xf32, #tpu.memory_space<vmem>>, vector<16xf32>,
        %parallel_loop3A_1517 = arith.constant 15 : i32
        %parallel_loop3A_1518 = arith.constant 0 : i32
        %parallel_loop3A_1519 = tpu.memref_slice %arg6[%rem3A_62, %parallel_loop3A_103, %parallel_loop3A_1518] : memref<4x128x128xf32, #tpu.memory_space<vmem>> -> memref<1x16x128xf32, #tpu.memory_space<vmem>>
        %parallel_loop3A_1520 = tpu.memref_squeeze %parallel_loop3A_1519 : memref<1x16x128xf32, #tpu.memory_space<vmem>> -> memref<16x128xf32, #tpu.memory_space<vmem>>
        %parallel_loop3A_1521 = arith.index_cast %parallel_loop3A_1517 : i32 to index
        %parallel_loop3A_1522 = arith.constant 80 : index
        %parallel_loop3A_1523 = tpu.vector_load %parallel_loop3A_1520[%parallel_loop3A_1521, %parallel_loop3A_1522] {strides = array<i32>} : memref<16x128xf32, #tpu.memory_space<vmem>>, vector<16xf32>,
        %parallel_loop3A_1524 = tpu.pack_subelements %parallel_loop3A_1516, %parallel_loop3A_1523 {pack_format = #tpu.pack_format<interleaved>, positions = array<i32: 0, 1>} : vector<16xf32>, vector<16xf32> -> vector<32xbf16>
        %parallel_loop3A_1525 = vector.bitcast %parallel_loop3A_1524 : vector<32xbf16> to vector<16xi32>
        %parallel_loop3A_1526 = arith.constant 7 : i32
        %parallel_loop3A_1527 = arith.constant 0 : i32
        %parallel_loop3A_1528 = tpu.memref_slice %arg7[%rem3A_62, %parallel_loop3A_106, %parallel_loop3A_1527] : memref<4x64x128xi32, #tpu.memory_space<vmem>> -> memref<1x8x128xi32, #tpu.memory_space<vmem>>
        %parallel_loop3A_1529 = tpu.memref_squeeze %parallel_loop3A_1528 : memref<1x8x128xi32, #tpu.memory_space<vmem>> -> memref<8x128xi32, #tpu.memory_space<vmem>>
        %parallel_loop3A_1530 = arith.index_cast %parallel_loop3A_1526 : i32 to index
        %parallel_loop3A_1531 = arith.constant 80 : index
        %parallel_loop3A_1532 = tpu.vector_load %parallel_loop3A_1529[%parallel_loop3A_1530, %parallel_loop3A_1531] {strides = array<i32>} : memref<8x128xi32, #tpu.memory_space<vmem>>, vector<16xi32>,
        tpu.vector_store %parallel_loop3A_1529[%parallel_loop3A_1530, %parallel_loop3A_1531], %parallel_loop3A_1525 {strides = array<i32>} : memref<8x128xi32, #tpu.memory_space<vmem>>, vector<16xi32>,
        %parallel_loop3A_1533 = arith.constant 14 : i32
        %parallel_loop3A_1534 = arith.constant 0 : i32
        %parallel_loop3A_1535 = tpu.memref_slice %arg6[%rem3A_62, %parallel_loop3A_103, %parallel_loop3A_1534] : memref<4x128x128xf32, #tpu.memory_space<vmem>> -> memref<1x16x128xf32, #tpu.memory_space<vmem>>
        %parallel_loop3A_1536 = tpu.memref_squeeze %parallel_loop3A_1535 : memref<1x16x128xf32, #tpu.memory_space<vmem>> -> memref<16x128xf32, #tpu.memory_space<vmem>>
        %parallel_loop3A_1537 = arith.index_cast %parallel_loop3A_1533 : i32 to index
        %parallel_loop3A_1538 = arith.constant 96 : index
        %parallel_loop3A_1539 = tpu.vector_load %parallel_loop3A_1536[%parallel_loop3A_1537, %parallel_loop3A_1538] {strides = array<i32>} : memref<16x128xf32, #tpu.memory_space<vmem>>, vector<16xf32>,
        %parallel_loop3A_1540 = arith.constant 15 : i32
        %parallel_loop3A_1541 = arith.constant 0 : i32
        %parallel_loop3A_1542 = tpu.memref_slice %arg6[%rem3A_62, %parallel_loop3A_103, %parallel_loop3A_1541] : memref<4x128x128xf32, #tpu.memory_space<vmem>> -> memref<1x16x128xf32, #tpu.memory_space<vmem>>
        %parallel_loop3A_1543 = tpu.memref_squeeze %parallel_loop3A_1542 : memref<1x16x128xf32, #tpu.memory_space<vmem>> -> memref<16x128xf32, #tpu.memory_space<vmem>>
        %parallel_loop3A_1544 = arith.index_cast %parallel_loop3A_1540 : i32 to index
        %parallel_loop3A_1545 = arith.constant 96 : index
        %parallel_loop3A_1546 = tpu.vector_load %parallel_loop3A_1543[%parallel_loop3A_1544, %parallel_loop3A_1545] {strides = array<i32>} : memref<16x128xf32, #tpu.memory_space<vmem>>, vector<16xf32>,
        %parallel_loop3A_1547 = tpu.pack_subelements %parallel_loop3A_1539, %parallel_loop3A_1546 {pack_format = #tpu.pack_format<interleaved>, positions = array<i32: 0, 1>} : vector<16xf32>, vector<16xf32> -> vector<32xbf16>
        %parallel_loop3A_1548 = vector.bitcast %parallel_loop3A_1547 : vector<32xbf16> to vector<16xi32>
        %parallel_loop3A_1549 = arith.constant 7 : i32
        %parallel_loop3A_1550 = arith.constant 0 : i32
        %parallel_loop3A_1551 = tpu.memref_slice %arg7[%rem3A_62, %parallel_loop3A_106, %parallel_loop3A_1550] : memref<4x64x128xi32, #tpu.memory_space<vmem>> -> memref<1x8x128xi32, #tpu.memory_space<vmem>>
        %parallel_loop3A_1552 = tpu.memref_squeeze %parallel_loop3A_1551 : memref<1x8x128xi32, #tpu.memory_space<vmem>> -> memref<8x128xi32, #tpu.memory_space<vmem>>
        %parallel_loop3A_1553 = arith.index_cast %parallel_loop3A_1549 : i32 to index
        %parallel_loop3A_1554 = arith.constant 96 : index
        %parallel_loop3A_1555 = tpu.vector_load %parallel_loop3A_1552[%parallel_loop3A_1553, %parallel_loop3A_1554] {strides = array<i32>} : memref<8x128xi32, #tpu.memory_space<vmem>>, vector<16xi32>,
        tpu.vector_store %parallel_loop3A_1552[%parallel_loop3A_1553, %parallel_loop3A_1554], %parallel_loop3A_1548 {strides = array<i32>} : memref<8x128xi32, #tpu.memory_space<vmem>>, vector<16xi32>,
        %parallel_loop3A_1556 = arith.constant 14 : i32
        %parallel_loop3A_1557 = arith.constant 0 : i32
        %parallel_loop3A_1558 = tpu.memref_slice %arg6[%rem3A_62, %parallel_loop3A_103, %parallel_loop3A_1557] : memref<4x128x128xf32, #tpu.memory_space<vmem>> -> memref<1x16x128xf32, #tpu.memory_space<vmem>>
        %parallel_loop3A_1559 = tpu.memref_squeeze %parallel_loop3A_1558 : memref<1x16x128xf32, #tpu.memory_space<vmem>> -> memref<16x128xf32, #tpu.memory_space<vmem>>
        %parallel_loop3A_1560 = arith.index_cast %parallel_loop3A_1556 : i32 to index
        %parallel_loop3A_1561 = arith.constant 112 : index
        %parallel_loop3A_1562 = tpu.vector_load %parallel_loop3A_1559[%parallel_loop3A_1560, %parallel_loop3A_1561] {strides = array<i32>} : memref<16x128xf32, #tpu.memory_space<vmem>>, vector<16xf32>,
        %parallel_loop3A_1563 = arith.constant 15 : i32
        %parallel_loop3A_1564 = arith.constant 0 : i32
        %parallel_loop3A_1565 = tpu.memref_slice %arg6[%rem3A_62, %parallel_loop3A_103, %parallel_loop3A_1564] : memref<4x128x128xf32, #tpu.memory_space<vmem>> -> memref<1x16x128xf32, #tpu.memory_space<vmem>>
        %parallel_loop3A_1566 = tpu.memref_squeeze %parallel_loop3A_1565 : memref<1x16x128xf32, #tpu.memory_space<vmem>> -> memref<16x128xf32, #tpu.memory_space<vmem>>
        %parallel_loop3A_1567 = arith.index_cast %parallel_loop3A_1563 : i32 to index
        %parallel_loop3A_1568 = arith.constant 112 : index
        %parallel_loop3A_1569 = tpu.vector_load %parallel_loop3A_1566[%parallel_loop3A_1567, %parallel_loop3A_1568] {strides = array<i32>} : memref<16x128xf32, #tpu.memory_space<vmem>>, vector<16xf32>,
        %parallel_loop3A_1570 = tpu.pack_subelements %parallel_loop3A_1562, %parallel_loop3A_1569 {pack_format = #tpu.pack_format<interleaved>, positions = array<i32: 0, 1>} : vector<16xf32>, vector<16xf32> -> vector<32xbf16>
        %parallel_loop3A_1571 = vector.bitcast %parallel_loop3A_1570 : vector<32xbf16> to vector<16xi32>
        %parallel_loop3A_1572 = arith.constant 7 : i32
        %parallel_loop3A_1573 = arith.constant 0 : i32
        %parallel_loop3A_1574 = tpu.memref_slice %arg7[%rem3A_62, %parallel_loop3A_106, %parallel_loop3A_1573] : memref<4x64x128xi32, #tpu.memory_space<vmem>> -> memref<1x8x128xi32, #tpu.memory_space<vmem>>
        %parallel_loop3A_1575 = tpu.memref_squeeze %parallel_loop3A_1574 : memref<1x8x128xi32, #tpu.memory_space<vmem>> -> memref<8x128xi32, #tpu.memory_space<vmem>>
        %parallel_loop3A_1576 = arith.index_cast %parallel_loop3A_1572 : i32 to index
        %parallel_loop3A_1577 = arith.constant 112 : index
        %parallel_loop3A_1578 = tpu.vector_load %parallel_loop3A_1575[%parallel_loop3A_1576, %parallel_loop3A_1577] {strides = array<i32>} : memref<8x128xi32, #tpu.memory_space<vmem>>, vector<16xi32>,
        tpu.vector_store %parallel_loop3A_1575[%parallel_loop3A_1576, %parallel_loop3A_1577], %parallel_loop3A_1571 {strides = array<i32>} : memref<8x128xi32, #tpu.memory_space<vmem>>, vector<16xi32>,
      } {sc.loop_unroll_factor = 2 : i64, sc.parallel_access}
      %mul3A_75 = arith.constant 128 : i32
      %mul3A_76 = arith.muli %scan3A_61, %mul3A_75 : i32
      %add3A_77 = arith.addi %mul3A_2, %mul3A_76 : i32
      %dma_start3A_78 = arith.constant 0 : i32
      %dma_start3A_79 = arith.constant 0 : i32
      %dma_start3A_80 = tpu.memref_slice %arg7[%rem3A_62, %dma_start3A_78, %dma_start3A_79] : memref<4x64x128xi32, #tpu.memory_space<vmem>> -> memref<1x64x128xi32, #tpu.memory_space<vmem>>
      %dma_start3A_81 = tpu.memref_squeeze %dma_start3A_80 : memref<1x64x128xi32, #tpu.memory_space<vmem>> -> memref<64x128xi32, #tpu.memory_space<vmem>>
      %dma_start3A_82 = tpu.memref_bitcast %dma_start3A_81 : memref<64x128xi32, #tpu.memory_space<vmem>> -> memref<128x128xbf16, #tpu.memory_space<vmem>>
      %dma_start3A_83 = arith.constant 0 : i32
      %dma_start3A_84 = tpu.memref_slice %arg4[%add3A_77, %dma_start3A_83] : memref<819200x128xbf16, #tpu.memory_space<hbm>> -> memref<128x128xbf16, #tpu.memory_space<hbm>>
      %dma_start3A_85 = arith.constant 0 : i32
      %dma_start3A_86 = tpu.memref_slice %arg4[%add3A_77, %dma_start3A_85] : memref<819200x128xbf16, #tpu.memory_space<hbm>> -> memref<128x128xbf16, #tpu.memory_space<hbm>>
      %dma_start3A_87 = arith.constant 0 : i32
      %dma_start3A_88 = arith.constant 0 : i32
      %dma_start3A_89 = tpu.memref_slice %arg7[%rem3A_62, %dma_start3A_87, %dma_start3A_88] : memref<4x64x128xi32, #tpu.memory_space<vmem>> -> memref<1x64x128xi32, #tpu.memory_space<vmem>>
      %dma_start3A_90 = tpu.memref_squeeze %dma_start3A_89 : memref<1x64x128xi32, #tpu.memory_space<vmem>> -> memref<64x128xi32, #tpu.memory_space<vmem>>
      %dma_start3A_91 = tpu.memref_bitcast %dma_start3A_90 : memref<64x128xi32, #tpu.memory_space<vmem>> -> memref<128x128xbf16, #tpu.memory_space<vmem>>
      tpu.enqueue_dma source(%dma_start3A_91 : memref<128x128xbf16, #tpu.memory_space<vmem>>) target(%dma_start3A_86 : memref<128x128xbf16, #tpu.memory_space<hbm>>) target_semaphore(%arg9 : memref<!tpu.dma_semaphore, #tpu.memory_space<semaphore_mem>>)
      %ge3A = arith.constant 1 : i32
      %ge3A_92 = arith.cmpi sge, %scan3A_61, %ge3A : i32
      %convert_element_type3A = arith.extui %ge3A_92 : i1 to i32
      %cond3A = arith.constant 0 : i32
      %cond3A_93 = arith.cmpi ne, %convert_element_type3A, %cond3A : i32
      scf.if %cond3A_93 {
        %dma_wait3A_100 = arith.constant 0 : i32
        %dma_wait3A_101 = arith.constant 0 : i32
        %dma_wait3A_102 = arith.constant 0 : i32
        %dma_wait3A_103 = tpu.memref_slice %arg7[%dma_wait3A_100, %dma_wait3A_101, %dma_wait3A_102] : memref<4x64x128xi32, #tpu.memory_space<vmem>> -> memref<1x64x128xi32, #tpu.memory_space<vmem>>
        %dma_wait3A_104 = tpu.memref_squeeze %dma_wait3A_103 : memref<1x64x128xi32, #tpu.memory_space<vmem>> -> memref<64x128xi32, #tpu.memory_space<vmem>>
        %dma_wait3A_105 = tpu.memref_bitcast %dma_wait3A_104 : memref<64x128xi32, #tpu.memory_space<vmem>> -> memref<128x128xbf16, #tpu.memory_space<vmem>>
        %dma_wait3A_106 = arith.constant 0 : i32
        %dma_wait3A_107 = tpu.memref_slice %arg4[%mul3A_2, %dma_wait3A_106] : memref<819200x128xbf16, #tpu.memory_space<hbm>> -> memref<128x128xbf16, #tpu.memory_space<hbm>>
        %dma_wait3A_108 = arith.constant 0 : i32
        %dma_wait3A_109 = tpu.memref_slice %arg4[%mul3A_2, %dma_wait3A_108] : memref<819200x128xbf16, #tpu.memory_space<hbm>> -> memref<128x128xbf16, #tpu.memory_space<hbm>>
        %dma_wait3A_110 = arith.constant 0 : i32
        %dma_wait3A_111 = arith.constant 0 : i32
        %dma_wait3A_112 = tpu.memref_slice %arg7[%dma_wait3A_100, %dma_wait3A_110, %dma_wait3A_111] : memref<4x64x128xi32, #tpu.memory_space<vmem>> -> memref<1x64x128xi32, #tpu.memory_space<vmem>>
        %dma_wait3A_113 = tpu.memref_squeeze %dma_wait3A_112 : memref<1x64x128xi32, #tpu.memory_space<vmem>> -> memref<64x128xi32, #tpu.memory_space<vmem>>
        %dma_wait3A_114 = tpu.memref_bitcast %dma_wait3A_113 : memref<64x128xi32, #tpu.memory_space<vmem>> -> memref<128x128xbf16, #tpu.memory_space<vmem>>
        tpu.wait_dma2 semaphore(%arg9 : memref<!tpu.dma_semaphore, #tpu.memory_space<semaphore_mem>>) src(%dma_wait3A_114 : memref<128x128xbf16, #tpu.memory_space<vmem>>) dst(%dma_wait3A_109 : memref<128x128xbf16, #tpu.memory_space<hbm>>)
      } else {
      }
      %add3A_94 = arith.constant 4 : i32
      %add3A_95 = arith.addi %scan3A_61, %add3A_94 : i32
      %lt3A = arith.constant 200 : i32
      %lt3A_96 = arith.cmpi slt, %add3A_95, %lt3A : i32
      %convert_element_type3A_97 = arith.extui %lt3A_96 : i1 to i32
      %cond3A_98 = arith.constant 0 : i32
      %cond3A_99 = arith.cmpi ne, %convert_element_type3A_97, %cond3A_98 : i32
      scf.if %cond3A_99 {
        %add3A_100 = arith.constant 4 : i32
        %add3A_101 = arith.addi %scan3A_61, %add3A_100 : i32
        %mul3A_102 = arith.constant 128 : i32
        %mul3A_103 = arith.muli %add3A_101, %mul3A_102 : i32
        %dma_start3A_104 = arith.constant 0 : i32
        %dma_start3A_105 = arith.constant 0 : i32
        %dma_start3A_106 = tpu.memref_slice %arg6[%rem3A_62, %dma_start3A_104, %dma_start3A_105] : memref<4x128x128xf32, #tpu.memory_space<vmem>> -> memref<1x128x128xf32, #tpu.memory_space<vmem>>
        %dma_start3A_107 = tpu.memref_squeeze %dma_start3A_106 : memref<1x128x128xf32, #tpu.memory_space<vmem>> -> memref<128x128xf32, #tpu.memory_space<vmem>>
        %dma_start3A_108 = tpu.memref_slice %arg5[%mul3A_103] : memref<25600xi32, #tpu.memory_space<vmem>> -> memref<128xi32, #tpu.memory_space<vmem>>
        %dma_start3A_109 = arith.constant 0 : i32
        %dma_start3A_110 = arith.constant 0 : i32
        %dma_start3A_111 = tpu.memref_slice %arg2[%dma_start3A_109, %dma_start3A_110] : memref<100000x128xf32, #tpu.memory_space<hbm>> -> memref<100000x128xf32, #tpu.memory_space<hbm>>
        tpu.enqueue_indirect_dma source(%dma_start3A_111 : memref<100000x128xf32, #tpu.memory_space<hbm>>) target(%dma_start3A_107 : memref<128x128xf32, #tpu.memory_space<vmem>>) offsets(%dma_start3A_108 : memref<128xi32, #tpu.memory_space<vmem>>) semaphore(%arg8 : memref<!tpu.dma_semaphore, #tpu.memory_space<semaphore_mem>>)
      } else {
      }
    }
    %scan3A_46 = arith.constant 200 : i32
    %dma_wait3A = arith.constant 0 : i32
    %dma_wait3A_47 = arith.constant 0 : i32
    %dma_wait3A_48 = arith.constant 0 : i32
    %dma_wait3A_49 = tpu.memref_slice %arg7[%dma_wait3A, %dma_wait3A_47, %dma_wait3A_48] : memref<4x64x128xi32, #tpu.memory_space<vmem>> -> memref<1x64x128xi32, #tpu.memory_space<vmem>>
    %dma_wait3A_50 = tpu.memref_squeeze %dma_wait3A_49 : memref<1x64x128xi32, #tpu.memory_space<vmem>> -> memref<64x128xi32, #tpu.memory_space<vmem>>
    %dma_wait3A_51 = tpu.memref_bitcast %dma_wait3A_50 : memref<64x128xi32, #tpu.memory_space<vmem>> -> memref<128x128xbf16, #tpu.memory_space<vmem>>
    %dma_wait3A_52 = arith.constant 0 : i32
    %dma_wait3A_53 = tpu.memref_slice %arg4[%mul3A_2, %dma_wait3A_52] : memref<819200x128xbf16, #tpu.memory_space<hbm>> -> memref<128x128xbf16, #tpu.memory_space<hbm>>
    %dma_wait3A_54 = arith.constant 0 : i32
    %dma_wait3A_55 = tpu.memref_slice %arg4[%mul3A_2, %dma_wait3A_54] : memref<819200x128xbf16, #tpu.memory_space<hbm>> -> memref<128x128xbf16, #tpu.memory_space<hbm>>
    %dma_wait3A_56 = arith.constant 0 : i32
    %dma_wait3A_57 = arith.constant 0 : i32
    %dma_wait3A_58 = tpu.memref_slice %arg7[%dma_wait3A, %dma_wait3A_56, %dma_wait3A_57] : memref<4x64x128xi32, #tpu.memory_space<vmem>> -> memref<1x64x128xi32, #tpu.memory_space<vmem>>
    %dma_wait3A_59 = tpu.memref_squeeze %dma_wait3A_58 : memref<1x64x128xi32, #tpu.memory_space<vmem>> -> memref<64x128xi32, #tpu.memory_space<vmem>>
    %dma_wait3A_60 = tpu.memref_bitcast %dma_wait3A_59 : memref<64x128xi32, #tpu.memory_space<vmem>> -> memref<128x128xbf16, #tpu.memory_space<vmem>>
    tpu.wait_dma2 semaphore(%arg9 : memref<!tpu.dma_semaphore, #tpu.memory_space<semaphore_mem>>) src(%dma_wait3A_60 : memref<128x128xbf16, #tpu.memory_space<vmem>>) dst(%dma_wait3A_55 : memref<128x128xbf16, #tpu.memory_space<hbm>>)
    return
  }
}

</mosaic_0001>

<sc_bundles>
// kernel: kernel.3.cloned.1.call-start
scs
__scs_entry_jumppad:
0x0: {  	(pc) =	sbr.rel $0x88, $3  }
0x1: {  	(tag) =	ssettag $0x0;
	lr =	simm.s32 $0x1  }
0x2: {  	[smem:$0x3F9F] =	sst lr;
	_ =	strace $0xD0000000  }
0x3: {  	_ = 	snop  }
0x4: {  	_ = 	snop  }
0x5: {  	_ = 	snop  }
0x6: {  	_ = 	snop  }
0x7: {  	_ = 	snop  }
__scs_overlays_trampoline_lowered:
0x8: {  	[smem:$0x3FAE] =	sst s0  }
0x9: {  	[smem:$0x3FAF] =	sst s1  }
0xa: {  	[smem:$0x3FB0] =	sst s2  }
0xb: {  	[smem:$0x3FB1] =	sst s3  }
0xc: {  	[smem:$0x3FB2] =	sst s4  }
0xd: {  	[smem:$0x3FB3] =	sst s5  }
0xe: {  	[smem:$0x3FB4] =	sst s6  }
0xf: {  	[smem:$0x3FB5] =	sst s7  }
0x10: {  	[smem:$0x3FB6] =	sst s8  }
0x11: {  	[smem:$0x3FB7] =	sst s9;
	s0 =	simm.s32 @!p0 $0x0  }
0x12: {  	s1 =	sld [smem:$0x3F9D];
	s0 =	simm.s32 @p0 $0x1  }
0x13: {  	[smem:$0x3FB8] =	sst s0;
	s0 =	simm.s32 @!p1 $0x0  }
0x14: {  	s2 =	sld [smem:$0x3F9C];
	s0 =	simm.s32 @p1 $0x1  }
0x15: {  	[smem:$0x3FB9] =	sst s0;
	s0 =	simm.s32 @!p2 $0x0  }
0x16: {  	s3 =	sld [smem:$0x3FDB];
	s0 =	simm.s32 @p2 $0x1  }
0x17: {  	s4 =	simm.s32 $0x1BF5;
	[smem:$0x3FBB] =	sst s0  }
0x18: {  	s0 =	sld [smem:$0x3F9E];
	_ =	swait.ge [sflag:s4], $0x0  }
0x19: {  	s7 =	sld [smem:$0x3F9F]  }
0x1a: {  	s8 =	sadd.s32 $0xFFFFE003, lr  }
0x1b: {  	s9 =	sadd.s32 $0xFFFFFEF7, lr;
	s5 =	simm.s32 $0xFFFFFFFF;
	p2 =	slt.u32 s8, $0xFFFFF086  }
0x1c: {  	p1 =	slt.u32 s9, $0xF7A;
	s5 =	simm.s32 @!p2 $0x0  }
0x1d: {  	s5 =	simm.s32 @p1 $0x1;
	p0 =	seq.s32 s7, s2  }
0x1e: {  	s7 =	smul.u32 @!p0 $0xF7A, s2;
	p2 =	seq.s32 @!p0 s5, $0x0  }
0x1f: {  	s9 =	smul.u32 $0xF7A, s1;
	s8 =	simm.s32 @!p0 $0x1BF5;
	p2 =	por !p2, p0  }
0x20: {  	[sflag:s8] =	ssyncset.s32 @!p0 $0xFFFFF086;
	s6 =	sadd.s32 @!p0 s3, s7;
	s7 =	simm.s32 @!p0 $0x108  }
0x21: {  	s3 =	sadd.s32 s3, s9;
	s6 =	sadd.s32 @!p0 $0x88, s6;
	s7 =	simm.s32 @p2 $0x1082  }
0x22: {  	[simem:s7], [sflag:s8] =	dma.local @!p0 [hbm:s6], $0xF7A  }
0x23: {  	s9 =	sor.u32 $0xD0000000, s2;
	s6 =	simm.s32 $0x108;
	_ =	swait.ge @!p0 [sflag:s8], $0x0  }
0x24: {  	s3 =	sadd.s32 $0x88, s3;
	s6 =	simm.s32 @!p1 $0x1082;
	[sflag:s4] =	ssyncset.s32 $0xFFFFF086  }
0x25: {  	[simem:s6], [sflag:s4] =	dma.local [hbm:s3], $0xF7A  }
0x26: {  	[smem:$0x3F9F] =	sst s1;
	(tag) =	ssettag s2;
	_ =	strace s9  }
0x27: {  	s1 =	sld [smem:$0x3FAF]  }
0x28: {  	s2 =	sld [smem:$0x3FB0]  }
0x29: {  	s4 =	sld [smem:$0x3FB2]  }
0x2a: {  	p0 =	seq.s32 s5, $0x0;
	s5 =	sld [smem:$0x3FB3]  }
0x2b: {  	s6 =	sld [smem:$0x3FB4]  }
0x2c: {  	s7 =	sld [smem:$0x3FB5]  }
0x2d: {  	s3 =	simm.s32 $0x108;
	s8 =	sld [smem:$0x3FB6]  }
0x2e: {  	s3 =	simm.s32 @!p0 $0x1082;
	s9 =	sld [smem:$0x3FB7]  }
0x2f: {  	lr =	sadd.s32 s0, s3;
	s0 =	sld [smem:$0x3FAE]  }
0x30: {  	s3 =	sld [smem:$0x3FB1]  }
0x31: {  	[smem:$0x3FBA] =	sst s10  }
0x32: {  	s10 =	sld [smem:$0x3FB8];
	_ =	sdelay $0x3  }
0x33: {  	p0 =	seq.s32 s10, $0x1;
	s10 =	sld [smem:$0x3FBA];
	_ =	sdelay $0x3  }
0x34: {  	[smem:$0x3FBA] =	sst s10  }
0x35: {  	s10 =	sld [smem:$0x3FB9];
	_ =	sdelay $0x3  }
0x36: {  	p1 =	seq.s32 s10, $0x1;
	s10 =	sld [smem:$0x3FBA];
	_ =	sdelay $0x3  }
0x37: {  	[smem:$0x3FBA] =	sst s10  }
0x38: {  	s10 =	sld [smem:$0x3FBB]  }
0x39: {  	_ = 	snop;
	(pc) =	sbr.ind lr, $3  }
0x3a: {  	_ = 	snop  }
0x3b: {  	_ = 	snop  }
0x3c: {  	p2 =	seq.s32 s10, $0x1;
	s10 =	sld [smem:$0x3FBA]  }
0x3d: {  	_ =	shalt  }
0x3e: {  	_ =	shalt  }
0x3f: {  	_ =	shalt  }
0x40: {  	_ =	shalt  }
0x41: {  	_ =	shalt  }
0x42: {  	_ =	shalt  }
0x43: {  	_ =	shalt  }
0x44: {  	_ =	shalt  }
0x45: {  	_ =	shalt  }
0x46: {  	_ =	shalt  }
0x47: {  	_ =	shalt  }
0x48: {  	_ =	shalt  }
0x49: {  	_ =	shalt  }
0x4a: {  	_ =	shalt  }
0x4b: {  	_ =	shalt  }
0x4c: {  	_ =	shalt  }
0x4d: {  	_ =	shalt  }
0x4e: {  	_ =	shalt  }
0x4f: {  	_ =	shalt  }
0x50: {  	_ =	shalt  }
0x51: {  	_ =	shalt  }
0x52: {  	_ =	shalt  }
0x53: {  	_ =	shalt  }
0x54: {  	_ =	shalt  }
0x55: {  	_ =	shalt  }
0x56: {  	_ =	shalt  }
0x57: {  	_ =	shalt  }
0x58: {  	_ =	shalt  }
0x59: {  	_ =	shalt  }
0x5a: {  	_ =	shalt  }
0x5b: {  	_ =	shalt  }
0x5c: {  	_ =	shalt  }
0x5d: {  	_ =	shalt  }
0x5e: {  	_ =	shalt  }
0x5f: {  	_ =	shalt  }
0x60: {  	_ =	shalt  }
0x61: {  	_ =	shalt  }
0x62: {  	_ =	shalt  }
0x63: {  	_ =	shalt  }
0x64: {  	_ =	shalt  }
0x65: {  	_ =	shalt  }
0x66: {  	_ =	shalt  }
0x67: {  	_ =	shalt  }
0x68: {  	_ =	shalt  }
0x69: {  	_ =	shalt  }
0x6a: {  	_ =	shalt  }
0x6b: {  	_ =	shalt  }
0x6c: {  	_ =	shalt  }
0x6d: {  	_ =	shalt  }
0x6e: {  	_ =	shalt  }
0x6f: {  	_ =	shalt  }
0x70: {  	_ =	shalt  }
0x71: {  	_ =	shalt  }
0x72: {  	_ =	shalt  }
0x73: {  	_ =	shalt  }
0x74: {  	_ =	shalt  }
0x75: {  	_ =	shalt  }
0x76: {  	_ =	shalt  }
0x77: {  	_ =	shalt  }
0x78: {  	_ =	shalt  }
0x79: {  	_ =	shalt  }
0x7a: {  	_ =	shalt  }
0x7b: {  	_ =	shalt  }
0x7c: {  	_ =	shalt  }
0x7d: {  	_ =	shalt  }
0x7e: {  	_ =	shalt  }
0x7f: {  	_ =	shalt  }
0x80: {  	_ =	shalt  }
0x81: {  	_ =	shalt  }
0x82: {  	_ =	shalt  }
0x83: {  	_ =	shalt  }
0x84: {  	_ =	shalt  }
0x85: {  	_ =	shalt  }
0x86: {  	_ =	shalt  }
0x87: {  	_ =	shalt  }
.Lfunc_end0:
.L_simem_size_0:
called_computation_lowered:
.L_overlay_start_0:
0x88: {  	s2 =	sld [smem:$0x3FD9]  }
0x89: {  	s3 =	sld [smem:$0x3FFE];
	_ =	sdelay $0x1  }
0x8a: {  	s1 =	srdreg.scid  }
0x8b: {  	s0 =	sand.u32 $0x1, s1  }
0x8c: {  	s17 =	sshll.u32 s0, $0xA;
	s2 =	sadd.s32 s3, s2  }
0x8d: {  	s2 =	sadd.s32 s2, s17  }
0x8e: {  	[smem:$0x3FC6] =	sst s2  }
0x8f: {  	_ = 	snop  }
0x90: {  	s2 =	sld [smem:$0x3FC8]  }
0x91: {  	s18 =	sld [smem:$0x3FD0];
	(tm) =	ssettm $0x1  }
0x92: {  	s4 =	sld [smem:$0x3FFB];
	_ =	sdelay $0x3  }
0x93: {  	_ =	strace s4  }
0x94: {  	s4 =	sld [smem:$0x3FFC];
	_ =	sdelay $0x3  }
0x95: {  	_ =	strace s4  }
0x96: {  	s4 =	sld [smem:$0x3FFD];
	_ =	sdelay $0x3  }
0x97: {  	_ =	strace s4  }
0x98: {  	_ =	strace $0x8FFFFFFF  }
0x99: {  	s19 =	sld [smem:$0x3FDB];
	_ =	sdelay $0x1  }
0x9a: {  	s5 =	simm.s32 $_scs_section_size  }
0x9b: {  	s6 =	simm.s32 $_size__tile_overlayer_lowered;
	s7 =	simm.s32 $_tile_overlayer_lowered  }
0x9c: {  	s22 =	simm.s32 $0x1BFF;
	s21 =	sshll.u32 s7, $0x1;
	s4 =	sadd.s32 s5, s19  }
0x9d: {  	s8 =	simm.s32 $0x0;
	s20 =	sshll.u32 s6, $0x1;
	s6 =	sadd.s32 s21, s4  }
0x9e: {  	[timem:s8], [sflag:s22] =	dma.local [hbm:s6], s20  }
0x9f: {  	_ =	swait.ge [sflag:s22], s20  }
0xa0: {  	s5 =	ssub.s32 $0x0, s20;
	[sflag:s22] =	ssyncset.done $0x0  }
0xa1: {  	[sflag:s22] =	ssyncadd.s32 s5;
	_ =	sdelay $0x1  }
0xa2: {  	s23 =	simm.s32 $0x1B8B  }
0xa3: {  	_ =	swait.ge [sflag:s23], $0x1  }
0xa4: {  	[sflag:s23] =	ssyncset.done $0x0  }
0xa5: {  	s25 =	simm.s32 $0x1B8E;
	s24 =	sld [smem:$0x3FFE];
	[sflag:s23] =	ssyncadd.s32 $0xFFFFFFFF  }
0xa6: {  	s26 =	simm.s32 $execute0_lowered;
	[smem:$0x3FD2] =	sst s25  }
0xa7: {  	s6 =	sshll.u32 s26, $0x1;
	_ =	strace $0x80000046;
	[dreg:$0x1] =	wrdreg $0xFFFFFFFF  }
0xa8: {  	s28 =	simm.s32 $_size_execute0_lowered;
	s4 =	sadd.s32 s4, s6;
	[dreg:$0x0] =	wrdreg $0x0  }
0xa9: {  	s6 =	sshll.u32 s28, $0x1;
	[dreg:$0x2] =	wrdreg s4  }
0xaa: {  	[dreg:$0x3] =	wrdreg s6  }
0xab: {  	[dreg:$0x4] =	wrdreg $0xC0  }
0xac: {  	_ =	task [dreg:s8], $0x5FFFF  }
0xad: {  	[dreg:$0x1] =	wrdreg $0xFFFFFFFF  }
0xae: {  	[dreg:$0x0] =	wrdreg $0x60  }
0xaf: {  	[dreg:$0x2] =	wrdreg s2  }
0xb0: {  	[dreg:$0x3] =	wrdreg s24  }
0xb1: {  	[dreg:$0x4] =	wrdreg s18  }
0xb2: {  	[dreg:$0x5] =	wrdreg $0x9  }
0xb3: {  	_ =	task.clear_ibuf [dreg:s8], $0x6FFFF;
	_ =	strace $0x90000046  }
0xb4: {  	s29 =	simm.s32 $0x9;
	_ =	strace $0x80000048  }
0xb5: {  	_ =	swait.ge [sflag:s29], $0x1  }
0xb6: {  	[sflag:s29] =	ssyncadd.s32 $0xFFFFFFFF  }
0xb7: {  	_ =	strace $0x90000048  }
0xb8: {  	_ =	sfence  }
0xb9: {  	s30 =	sld [smem:$0x0];
	_ =	sdelay $0x2  }
0xba: {  	s31 =	sshll.u32 s1, $0xD;
	s1 =	sshrl.u32 s1, $0x2  }
0xbb: {  	s3 =	sand.u32 $0x4000, s31;
	s1 =	sadd.s32 s1, s30  }
0xbc: {  	s0 =	sor.u32 s3, s0;
	s1 =	sshll.u32 s1, $0x11  }
0xbd: {  	s0 =	sor.u32 s1, s0  }
0xbe: {  	s0 =	sadd.s32 $0x8F2B, s0  }
0xbf: {  	[sflag:s0] =	ssyncadd.remote.s32 $0x1  }
0xc0: {  	_ =	sfence.sel $0xFFFF  }
0xc1: {  	[dreg:$0x0] =	wrdreg $0xFFFFFFFF;
	(pc) =	sbr.abs _section_cstart, $3  }
0xc2: {  	[dreg:$0x1] =	wrdreg $0xFFFFFFFF  }
0xc3: {  	_ =	task.clear_ibuf [dreg:s8], $0x2FFFF;
	_ =	strace $0x9FFFFFFF  }
0xc4: {  	(tm) =	ssettm $0x7FFFFFFF  }
0xc5: {  	_ =	shalt  }
tec
execute0_lowered:
.L_overlay_start_1:
0x0: {  	(tag) =	ssettag $0x1  }
0x1: {  	s1 =	rddreg [dreg:$0x0];
	s2 =	srdreg.scid  }
0x2: {  	s0 =	stileid.u32;
	s5 =	rddreg [dreg:$0x1]  }
0x3: {  	s3 =	rddreg [dreg:$0x2];
	s4 =	simm.s32 $0x0;
	s9 =	simm.s32 $0x80  }
0x4: {  	s10 =	simm.s32 $0x6400;
	s11 =	simm.s32 $0xA400;
	s12 =	simm.s32 $0x100  }
0x5: {  	s13 =	simm.s32 $0xE400;
	s14 =	simm.s32 $0x180;
	s15 =	simm.s32 $0x12400  }
0x6: {  	s16 =	simm.s32 $0x1;
	s6 =	sand.u32 $0x1, s2;
	s30 =	sshll.u32 s0, $0x1  }
0x7: {  	s17 =	simm.s32 $0x2;
	s18 =	simm.s32 $0x0;
	s7 =	sor.u32 s6, s30  }
0x8: {  	[smem:$0x7FF] =	sst s4;
	s6 =	ssub.s32 $0x2, s6;
	s8 =	smul.u32 $0xC80, s7  }
0x9: {  	s2 =	rddreg [dreg:$0x3];
	_ =	strace $0x80000047;
	s31 =	sshrl.u32 s6, $0x1  }
0xa: {  	s5 =	sadd.s32 s8, s5;
	s8 =	ssub.s32 s6, s31;
	s6 =	smul.u32 $0x320000, s7  }
0xb: {  	s5 =	sadd.s32 $0x400, s5;
	s7 =	smax.u32 s8, $0x1;
	s8 =	simm.s32 $0x3  }
.LBB2_1:
0xc: {  	[tilespmem:s4], [sflag:$0x3] =	stream.linear.gather [hbm4b:s5+s4], $0x6400, $0x38;
	[tilespmem:$0x1E400] =	vst v63  }
0xd: {  	_ =	swait.ge [sflag:s8], $0x6400  }
0xe: {  	[sflag:s8] =	ssyncset.done $0x0  }
0xf: {  	[sflag:s8] =	ssyncadd.s32 $0xFFFF9C00  }
0x10: {  	[tilespmem:s10], [sflag:$0x1] =	stream.indirect.gather [hbm4b:s1+s9], $0x80, s4, s9, $0xb8;
	[tilespmem:$0x1E400] =	vst v63  }
0x11: {  	_ = 	snop  }
0x12: {  	[tilespmem:s11], [sflag:$0x1] =	stream.indirect.gather [hbm4b:s1+s9], $0x80, s9, s9, $0xb8;
	[tilespmem:$0x1E400] =	vst v63  }
0x13: {  	_ = 	snop  }
0x14: {  	[tilespmem:s13], [sflag:$0x1] =	stream.indirect.gather [hbm4b:s1+s9], $0x80, s12, s9, $0xb8;
	[tilespmem:$0x1E400] =	vst v63  }
0x15: {  	s19 =	simm.s32 $0x0  }
0x16: {  	[tilespmem:s15], [sflag:$0x1] =	stream.indirect.gather [hbm4b:s1+s9], $0x80, s14, s9, $0xb8;
	[tilespmem:$0x1E400] =	vst v63  }
.LBB2_2:
0x17: {  	s20 =	sand.u32 $0x3, s19  }
0x18: {  	s21 =	sshll.u32 s20, $0xE  }
0x19: {  	s22 =	sshll.u32 s20, $0xD;
	s20 =	sadd.s32 $0x6400, s21  }
0x1a: {  	_ =	swait.ge [sflag:s16], $0x4000;
	v0 =	vmov s20  }
0x1b: {  	[sflag:s16] =	ssyncset.done $0x0;
	s21 =	sadd.s32 $0x16400, s22  }
0x1c: {  	[sflag:s16] =	ssyncadd.s32 $0xFFFFC000;
	s22 =	simm.s32 $0x0;
	v1 =	vmov s21  }
.LBB2_3:
0x1d: {  	s23 =	sshll.u32 s22, $0xB  }
0x1e: {  	s26 =	sor.u32 $0x1, s22;
	s23 =	sand.u32 $0x3FFFF800, s23  }
0x1f: {  	s24 =	sshll.u32 s26, $0xB;
	v2 =	vld.idx.msk [tilespmem:v0+s23+$0x0 ss:$0x1], $0xffff  }
0x20: {  	v3 =	vld.idx.msk [tilespmem:v0+s23+$0x80 ss:$0x1], $0xffff;
	s24 =	sand.u32 $0x3FFFF800, s24  }
0x21: {  	v4 =	vld.idx.msk [tilespmem:v0+s24+$0x0 ss:$0x1], $0xffff  }
0x22: {  	v5 =	vld.idx.msk [tilespmem:v0+s24+$0x80 ss:$0x1], $0xffff;
	_ =	sdelay $0x1  }
0x23: {  	s25 =	sshll.u32 s22, $0xA  }
0x24: {  	s25 =	sand.u32 $0x3FFFFC00, s25;
	v2 =	vpack.i.f32.bf16 v3, v2  }
0x25: {  	s26 =	sshll.u32 s26, $0xA;
	[tilespmem:v1+s25+$0x0 ss:$0x1] =	vst.idx.msk $0xffff, v2  }
0x26: {  	s26 =	sand.u32 $0x3FFFFC00, s26;
	v3 =	vpack.i.f32.bf16 v5, v4;
	v2 =	vld.idx.msk [tilespmem:v0+s23+$0x10 ss:$0x1], $0xffff  }
0x27: {  	v50 =	vld.idx.msk [tilespmem:v0+s23+$0x90 ss:$0x1], $0xffff;
	[tilespmem:v1+s26+$0x0 ss:$0x1] =	vst.idx.msk $0xffff, v3  }
0x28: {  	v3 =	vld.idx.msk [tilespmem:v0+s24+$0x10 ss:$0x1], $0xffff  }
0x29: {  	v51 =	vld.idx.msk [tilespmem:v0+s24+$0x90 ss:$0x1], $0xffff;
	_ =	sdelay $0x2  }
0x2a: {  	v2 =	vpack.i.f32.bf16 v50, v2  }
0x2b: {  	[tilespmem:v1+s25+$0x10 ss:$0x1] =	vst.idx.msk $0xffff, v2  }
0x2c: {  	v3 =	vpack.i.f32.bf16 v51, v3;
	v2 =	vld.idx.msk [tilespmem:v0+s23+$0x20 ss:$0x1], $0xffff  }
0x2d: {  	v52 =	vld.idx.msk [tilespmem:v0+s23+$0xA0 ss:$0x1], $0xffff;
	[tilespmem:v1+s26+$0x10 ss:$0x1] =	vst.idx.msk $0xffff, v3  }
0x2e: {  	v3 =	vld.idx.msk [tilespmem:v0+s24+$0x20 ss:$0x1], $0xffff  }
0x2f: {  	v53 =	vld.idx.msk [tilespmem:v0+s24+$0xA0 ss:$0x1], $0xffff;
	_ =	sdelay $0x2  }
0x30: {  	v2 =	vpack.i.f32.bf16 v52, v2  }
0x31: {  	[tilespmem:v1+s25+$0x20 ss:$0x1] =	vst.idx.msk $0xffff, v2  }
0x32: {  	v3 =	vpack.i.f32.bf16 v53, v3;
	v2 =	vld.idx.msk [tilespmem:v0+s23+$0x30 ss:$0x1], $0xffff  }
0x33: {  	v54 =	vld.idx.msk [tilespmem:v0+s23+$0xB0 ss:$0x1], $0xffff;
	[tilespmem:v1+s26+$0x20 ss:$0x1] =	vst.idx.msk $0xffff, v3  }
0x34: {  	v3 =	vld.idx.msk [tilespmem:v0+s24+$0x30 ss:$0x1], $0xffff  }
0x35: {  	v55 =	vld.idx.msk [tilespmem:v0+s24+$0xB0 ss:$0x1], $0xffff;
	_ =	sdelay $0x2  }
0x36: {  	v2 =	vpack.i.f32.bf16 v54, v2  }
0x37: {  	[tilespmem:v1+s25+$0x30 ss:$0x1] =	vst.idx.msk $0xffff, v2  }
0x38: {  	v3 =	vpack.i.f32.bf16 v55, v3;
	v2 =	vld.idx.msk [tilespmem:v0+s23+$0x40 ss:$0x1], $0xffff  }
0x39: {  	v56 =	vld.idx.msk [tilespmem:v0+s23+$0xC0 ss:$0x1], $0xffff;
	[tilespmem:v1+s26+$0x30 ss:$0x1] =	vst.idx.msk $0xffff, v3  }
0x3a: {  	v3 =	vld.idx.msk [tilespmem:v0+s24+$0x40 ss:$0x1], $0xffff  }
0x3b: {  	v57 =	vld.idx.msk [tilespmem:v0+s24+$0xC0 ss:$0x1], $0xffff;
	_ =	sdelay $0x2  }
0x3c: {  	v2 =	vpack.i.f32.bf16 v56, v2  }
0x3d: {  	[tilespmem:v1+s25+$0x40 ss:$0x1] =	vst.idx.msk $0xffff, v2  }
0x3e: {  	v3 =	vpack.i.f32.bf16 v57, v3;
	v2 =	vld.idx.msk [tilespmem:v0+s23+$0x50 ss:$0x1], $0xffff  }
0x3f: {  	v58 =	vld.idx.msk [tilespmem:v0+s23+$0xD0 ss:$0x1], $0xffff;
	[tilespmem:v1+s26+$0x40 ss:$0x1] =	vst.idx.msk $0xffff, v3  }
0x40: {  	v3 =	vld.idx.msk [tilespmem:v0+s24+$0x50 ss:$0x1], $0xffff  }
0x41: {  	v59 =	vld.idx.msk [tilespmem:v0+s24+$0xD0 ss:$0x1], $0xffff;
	_ =	sdelay $0x2  }
0x42: {  	v2 =	vpack.i.f32.bf16 v58, v2  }
0x43: {  	[tilespmem:v1+s25+$0x50 ss:$0x1] =	vst.idx.msk $0xffff, v2  }
0x44: {  	v3 =	vpack.i.f32.bf16 v59, v3;
	v2 =	vld.idx.msk [tilespmem:v0+s23+$0x60 ss:$0x1], $0xffff  }
0x45: {  	v60 =	vld.idx.msk [tilespmem:v0+s23+$0xE0 ss:$0x1], $0xffff;
	[tilespmem:v1+s26+$0x50 ss:$0x1] =	vst.idx.msk $0xffff, v3  }
0x46: {  	v3 =	vld.idx.msk [tilespmem:v0+s24+$0x60 ss:$0x1], $0xffff  }
0x47: {  	v61 =	vld.idx.msk [tilespmem:v0+s24+$0xE0 ss:$0x1], $0xffff;
	_ =	sdelay $0x2  }
0x48: {  	v2 =	vpack.i.f32.bf16 v60, v2  }
0x49: {  	[tilespmem:v1+s25+$0x60 ss:$0x1] =	vst.idx.msk $0xffff, v2  }
0x4a: {  	v3 =	vpack.i.f32.bf16 v61, v3;
	v2 =	vld.idx.msk [tilespmem:v0+s23+$0x70 ss:$0x1], $0xffff  }
0x4b: {  	v62 =	vld.idx.msk [tilespmem:v0+s23+$0xF0 ss:$0x1], $0xffff;
	[tilespmem:v1+s26+$0x60 ss:$0x1] =	vst.idx.msk $0xffff, v3  }
0x4c: {  	v3 =	vld.idx.msk [tilespmem:v0+s24+$0x70 ss:$0x1], $0xffff  }
0x4d: {  	v63 =	vld.idx.msk [tilespmem:v0+s24+$0xF0 ss:$0x1], $0xffff;
	_ =	sdelay $0x2  }
0x4e: {  	v2 =	vpack.i.f32.bf16 v62, v2  }
0x4f: {  	[tilespmem:v1+s25+$0x70 ss:$0x1] =	vst.idx.msk $0xffff, v2  }
0x50: {  	v3 =	vpack.i.f32.bf16 v63, v3;
	v2 =	vld.idx.msk [tilespmem:v0+s23+$0x100 ss:$0x1], $0xffff  }
0x51: {  	v8 =	vld.idx.msk [tilespmem:v0+s23+$0x180 ss:$0x1], $0xffff;
	[tilespmem:v1+s26+$0x70 ss:$0x1] =	vst.idx.msk $0xffff, v3  }
0x52: {  	v3 =	vld.idx.msk [tilespmem:v0+s24+$0x100 ss:$0x1], $0xffff  }
0x53: {  	v9 =	vld.idx.msk [tilespmem:v0+s24+$0x180 ss:$0x1], $0xffff;
	_ =	sdelay $0x2  }
0x54: {  	v2 =	vpack.i.f32.bf16 v8, v2  }
0x55: {  	[tilespmem:v1+s25+$0x80 ss:$0x1] =	vst.idx.msk $0xffff, v2  }
0x56: {  	v3 =	vpack.i.f32.bf16 v9, v3;
	v2 =	vld.idx.msk [tilespmem:v0+s23+$0x110 ss:$0x1], $0xffff  }
0x57: {  	v10 =	vld.idx.msk [tilespmem:v0+s23+$0x190 ss:$0x1], $0xffff;
	[tilespmem:v1+s26+$0x80 ss:$0x1] =	vst.idx.msk $0xffff, v3  }
0x58: {  	v3 =	vld.idx.msk [tilespmem:v0+s24+$0x110 ss:$0x1], $0xffff  }
0x59: {  	v11 =	vld.idx.msk [tilespmem:v0+s24+$0x190 ss:$0x1], $0xffff;
	_ =	sdelay $0x2  }
0x5a: {  	v2 =	vpack.i.f32.bf16 v10, v2  }
0x5b: {  	[tilespmem:v1+s25+$0x90 ss:$0x1] =	vst.idx.msk $0xffff, v2  }
0x5c: {  	v3 =	vpack.i.f32.bf16 v11, v3;
	v2 =	vld.idx.msk [tilespmem:v0+s23+$0x120 ss:$0x1], $0xffff  }
0x5d: {  	v12 =	vld.idx.msk [tilespmem:v0+s23+$0x1A0 ss:$0x1], $0xffff;
	[tilespmem:v1+s26+$0x90 ss:$0x1] =	vst.idx.msk $0xffff, v3  }
0x5e: {  	v3 =	vld.idx.msk [tilespmem:v0+s24+$0x120 ss:$0x1], $0xffff  }
0x5f: {  	v13 =	vld.idx.msk [tilespmem:v0+s24+$0x1A0 ss:$0x1], $0xffff;
	_ =	sdelay $0x2  }
0x60: {  	v2 =	vpack.i.f32.bf16 v12, v2  }
0x61: {  	[tilespmem:v1+s25+$0xA0 ss:$0x1] =	vst.idx.msk $0xffff, v2  }
0x62: {  	v3 =	vpack.i.f32.bf16 v13, v3;
	v2 =	vld.idx.msk [tilespmem:v0+s23+$0x130 ss:$0x1], $0xffff  }
0x63: {  	v14 =	vld.idx.msk [tilespmem:v0+s23+$0x1B0 ss:$0x1], $0xffff;
	[tilespmem:v1+s26+$0xA0 ss:$0x1] =	vst.idx.msk $0xffff, v3  }
0x64: {  	v3 =	vld.idx.msk [tilespmem:v0+s24+$0x130 ss:$0x1], $0xffff  }
0x65: {  	v15 =	vld.idx.msk [tilespmem:v0+s24+$0x1B0 ss:$0x1], $0xffff;
	_ =	sdelay $0x2  }
0x66: {  	v2 =	vpack.i.f32.bf16 v14, v2  }
0x67: {  	[tilespmem:v1+s25+$0xB0 ss:$0x1] =	vst.idx.msk $0xffff, v2  }
0x68: {  	v3 =	vpack.i.f32.bf16 v15, v3;
	v2 =	vld.idx.msk [tilespmem:v0+s23+$0x140 ss:$0x1], $0xffff  }
0x69: {  	v16 =	vld.idx.msk [tilespmem:v0+s23+$0x1C0 ss:$0x1], $0xffff;
	[tilespmem:v1+s26+$0xB0 ss:$0x1] =	vst.idx.msk $0xffff, v3  }
0x6a: {  	v3 =	vld.idx.msk [tilespmem:v0+s24+$0x140 ss:$0x1], $0xffff  }
0x6b: {  	v17 =	vld.idx.msk [tilespmem:v0+s24+$0x1C0 ss:$0x1], $0xffff;
	_ =	sdelay $0x2  }
0x6c: {  	v2 =	vpack.i.f32.bf16 v16, v2  }
0x6d: {  	[tilespmem:v1+s25+$0xC0 ss:$0x1] =	vst.idx.msk $0xffff, v2  }
0x6e: {  	v3 =	vpack.i.f32.bf16 v17, v3;
	v2 =	vld.idx.msk [tilespmem:v0+s23+$0x150 ss:$0x1], $0xffff  }
0x6f: {  	v18 =	vld.idx.msk [tilespmem:v0+s23+$0x1D0 ss:$0x1], $0xffff;
	[tilespmem:v1+s26+$0xC0 ss:$0x1] =	vst.idx.msk $0xffff, v3  }
0x70: {  	v3 =	vld.idx.msk [tilespmem:v0+s24+$0x150 ss:$0x1], $0xffff  }
0x71: {  	v19 =	vld.idx.msk [tilespmem:v0+s24+$0x1D0 ss:$0x1], $0xffff;
	_ =	sdelay $0x2  }
0x72: {  	v2 =	vpack.i.f32.bf16 v18, v2  }
0x73: {  	[tilespmem:v1+s25+$0xD0 ss:$0x1] =	vst.idx.msk $0xffff, v2  }
0x74: {  	v3 =	vpack.i.f32.bf16 v19, v3;
	v2 =	vld.idx.msk [tilespmem:v0+s23+$0x160 ss:$0x1], $0xffff  }
0x75: {  	v20 =	vld.idx.msk [tilespmem:v0+s23+$0x1E0 ss:$0x1], $0xffff;
	[tilespmem:v1+s26+$0xD0 ss:$0x1] =	vst.idx.msk $0xffff, v3  }
0x76: {  	v3 =	vld.idx.msk [tilespmem:v0+s24+$0x160 ss:$0x1], $0xffff  }
0x77: {  	v21 =	vld.idx.msk [tilespmem:v0+s24+$0x1E0 ss:$0x1], $0xffff;
	_ =	sdelay $0x2  }
0x78: {  	v2 =	vpack.i.f32.bf16 v20, v2  }
0x79: {  	[tilespmem:v1+s25+$0xE0 ss:$0x1] =	vst.idx.msk $0xffff, v2  }
0x7a: {  	v3 =	vpack.i.f32.bf16 v21, v3;
	v2 =	vld.idx.msk [tilespmem:v0+s23+$0x170 ss:$0x1], $0xffff  }
0x7b: {  	v22 =	vld.idx.msk [tilespmem:v0+s23+$0x1F0 ss:$0x1], $0xffff;
	[tilespmem:v1+s26+$0xE0 ss:$0x1] =	vst.idx.msk $0xffff, v3  }
0x7c: {  	v3 =	vld.idx.msk [tilespmem:v0+s24+$0x170 ss:$0x1], $0xffff  }
0x7d: {  	v23 =	vld.idx.msk [tilespmem:v0+s24+$0x1F0 ss:$0x1], $0xffff;
	_ =	sdelay $0x2  }
0x7e: {  	v2 =	vpack.i.f32.bf16 v22, v2  }
0x7f: {  	[tilespmem:v1+s25+$0xF0 ss:$0x1] =	vst.idx.msk $0xffff, v2  }
0x80: {  	v3 =	vpack.i.f32.bf16 v23, v3;
	v2 =	vld.idx.msk [tilespmem:v0+s23+$0x200 ss:$0x1], $0xffff  }
0x81: {  	v24 =	vld.idx.msk [tilespmem:v0+s23+$0x280 ss:$0x1], $0xffff;
	[tilespmem:v1+s26+$0xF0 ss:$0x1] =	vst.idx.msk $0xffff, v3  }
0x82: {  	v3 =	vld.idx.msk [tilespmem:v0+s24+$0x200 ss:$0x1], $0xffff  }
0x83: {  	v25 =	vld.idx.msk [tilespmem:v0+s24+$0x280 ss:$0x1], $0xffff;
	_ =	sdelay $0x2  }
0x84: {  	v2 =	vpack.i.f32.bf16 v24, v2  }
0x85: {  	[tilespmem:v1+s25+$0x100 ss:$0x1] =	vst.idx.msk $0xffff, v2  }
0x86: {  	v3 =	vpack.i.f32.bf16 v25, v3;
	v2 =	vld.idx.msk [tilespmem:v0+s23+$0x210 ss:$0x1], $0xffff  }
0x87: {  	v26 =	vld.idx.msk [tilespmem:v0+s23+$0x290 ss:$0x1], $0xffff;
	[tilespmem:v1+s26+$0x100 ss:$0x1] =	vst.idx.msk $0xffff, v3  }
0x88: {  	v3 =	vld.idx.msk [tilespmem:v0+s24+$0x210 ss:$0x1], $0xffff  }
0x89: {  	v27 =	vld.idx.msk [tilespmem:v0+s24+$0x290 ss:$0x1], $0xffff;
	_ =	sdelay $0x2  }
0x8a: {  	v2 =	vpack.i.f32.bf16 v26, v2  }
0x8b: {  	[tilespmem:v1+s25+$0x110 ss:$0x1] =	vst.idx.msk $0xffff, v2  }
0x8c: {  	v3 =	vpack.i.f32.bf16 v27, v3;
	v2 =	vld.idx.msk [tilespmem:v0+s23+$0x220 ss:$0x1], $0xffff  }
0x8d: {  	v28 =	vld.idx.msk [tilespmem:v0+s23+$0x2A0 ss:$0x1], $0xffff;
	[tilespmem:v1+s26+$0x110 ss:$0x1] =	vst.idx.msk $0xffff, v3  }
0x8e: {  	v3 =	vld.idx.msk [tilespmem:v0+s24+$0x220 ss:$0x1], $0xffff  }
0x8f: {  	v29 =	vld.idx.msk [tilespmem:v0+s24+$0x2A0 ss:$0x1], $0xffff;
	_ =	sdelay $0x2  }
0x90: {  	v2 =	vpack.i.f32.bf16 v28, v2  }
0x91: {  	[tilespmem:v1+s25+$0x120 ss:$0x1] =	vst.idx.msk $0xffff, v2  }
0x92: {  	v3 =	vpack.i.f32.bf16 v29, v3;
	v2 =	vld.idx.msk [tilespmem:v0+s23+$0x230 ss:$0x1], $0xffff  }
0x93: {  	v30 =	vld.idx.msk [tilespmem:v0+s23+$0x2B0 ss:$0x1], $0xffff;
	[tilespmem:v1+s26+$0x120 ss:$0x1] =	vst.idx.msk $0xffff, v3  }
0x94: {  	v3 =	vld.idx.msk [tilespmem:v0+s24+$0x230 ss:$0x1], $0xffff  }
0x95: {  	v31 =	vld.idx.msk [tilespmem:v0+s24+$0x2B0 ss:$0x1], $0xffff;
	_ =	sdelay $0x2  }
0x96: {  	v2 =	vpack.i.f32.bf16 v30, v2  }
0x97: {  	[tilespmem:v1+s25+$0x130 ss:$0x1] =	vst.idx.msk $0xffff, v2  }
0x98: {  	v3 =	vpack.i.f32.bf16 v31, v3;
	v2 =	vld.idx.msk [tilespmem:v0+s23+$0x240 ss:$0x1], $0xffff  }
0x99: {  	v32 =	vld.idx.msk [tilespmem:v0+s23+$0x2C0 ss:$0x1], $0xffff;
	[tilespmem:v1+s26+$0x130 ss:$0x1] =	vst.idx.msk $0xffff, v3  }
0x9a: {  	v3 =	vld.idx.msk [tilespmem:v0+s24+$0x240 ss:$0x1], $0xffff  }
0x9b: {  	v33 =	vld.idx.msk [tilespmem:v0+s24+$0x2C0 ss:$0x1], $0xffff;
	_ =	sdelay $0x2  }
0x9c: {  	v2 =	vpack.i.f32.bf16 v32, v2  }
0x9d: {  	[tilespmem:v1+s25+$0x140 ss:$0x1] =	vst.idx.msk $0xffff, v2  }
0x9e: {  	v3 =	vpack.i.f32.bf16 v33, v3;
	v2 =	vld.idx.msk [tilespmem:v0+s23+$0x250 ss:$0x1], $0xffff  }
0x9f: {  	v34 =	vld.idx.msk [tilespmem:v0+s23+$0x2D0 ss:$0x1], $0xffff;
	[tilespmem:v1+s26+$0x140 ss:$0x1] =	vst.idx.msk $0xffff, v3  }
0xa0: {  	v3 =	vld.idx.msk [tilespmem:v0+s24+$0x250 ss:$0x1], $0xffff  }
0xa1: {  	v35 =	vld.idx.msk [tilespmem:v0+s24+$0x2D0 ss:$0x1], $0xffff;
	_ =	sdelay $0x2  }
0xa2: {  	v2 =	vpack.i.f32.bf16 v34, v2  }
0xa3: {  	[tilespmem:v1+s25+$0x150 ss:$0x1] =	vst.idx.msk $0xffff, v2  }
0xa4: {  	v3 =	vpack.i.f32.bf16 v35, v3;
	v2 =	vld.idx.msk [tilespmem:v0+s23+$0x260 ss:$0x1], $0xffff  }
0xa5: {  	v36 =	vld.idx.msk [tilespmem:v0+s23+$0x2E0 ss:$0x1], $0xffff;
	[tilespmem:v1+s26+$0x150 ss:$0x1] =	vst.idx.msk $0xffff, v3  }
0xa6: {  	v3 =	vld.idx.msk [tilespmem:v0+s24+$0x260 ss:$0x1], $0xffff  }
0xa7: {  	v37 =	vld.idx.msk [tilespmem:v0+s24+$0x2E0 ss:$0x1], $0xffff;
	_ =	sdelay $0x2  }
0xa8: {  	v2 =	vpack.i.f32.bf16 v36, v2  }
0xa9: {  	[tilespmem:v1+s25+$0x160 ss:$0x1] =	vst.idx.msk $0xffff, v2  }
0xaa: {  	v3 =	vpack.i.f32.bf16 v37, v3;
	v2 =	vld.idx.msk [tilespmem:v0+s23+$0x270 ss:$0x1], $0xffff  }
0xab: {  	v38 =	vld.idx.msk [tilespmem:v0+s23+$0x2F0 ss:$0x1], $0xffff;
	[tilespmem:v1+s26+$0x160 ss:$0x1] =	vst.idx.msk $0xffff, v3  }
0xac: {  	v3 =	vld.idx.msk [tilespmem:v0+s24+$0x270 ss:$0x1], $0xffff  }
0xad: {  	v39 =	vld.idx.msk [tilespmem:v0+s24+$0x2F0 ss:$0x1], $0xffff;
	_ =	sdelay $0x2  }
0xae: {  	v2 =	vpack.i.f32.bf16 v38, v2  }
0xaf: {  	[tilespmem:v1+s25+$0x170 ss:$0x1] =	vst.idx.msk $0xffff, v2  }
0xb0: {  	v3 =	vpack.i.f32.bf16 v39, v3;
	v2 =	vld.idx.msk [tilespmem:v0+s23+$0x300 ss:$0x1], $0xffff  }
0xb1: {  	v40 =	vld.idx.msk [tilespmem:v0+s23+$0x380 ss:$0x1], $0xffff;
	[tilespmem:v1+s26+$0x170 ss:$0x1] =	vst.idx.msk $0xffff, v3  }
0xb2: {  	v3 =	vld.idx.msk [tilespmem:v0+s24+$0x300 ss:$0x1], $0xffff  }
0xb3: {  	v41 =	vld.idx.msk [tilespmem:v0+s24+$0x380 ss:$0x1], $0xffff;
	_ =	sdelay $0x2  }
0xb4: {  	v2 =	vpack.i.f32.bf16 v40, v2  }
0xb5: {  	[tilespmem:v1+s25+$0x180 ss:$0x1] =	vst.idx.msk $0xffff, v2  }
0xb6: {  	v3 =	vpack.i.f32.bf16 v41, v3;
	v2 =	vld.idx.msk [tilespmem:v0+s23+$0x310 ss:$0x1], $0xffff  }
0xb7: {  	v42 =	vld.idx.msk [tilespmem:v0+s23+$0x390 ss:$0x1], $0xffff;
	[tilespmem:v1+s26+$0x180 ss:$0x1] =	vst.idx.msk $0xffff, v3  }
0xb8: {  	v3 =	vld.idx.msk [tilespmem:v0+s24+$0x310 ss:$0x1], $0xffff  }
0xb9: {  	v43 =	vld.idx.msk [tilespmem:v0+s24+$0x390 ss:$0x1], $0xffff;
	_ =	sdelay $0x2  }
0xba: {  	v2 =	vpack.i.f32.bf16 v42, v2  }
0xbb: {  	[tilespmem:v1+s25+$0x190 ss:$0x1] =	vst.idx.msk $0xffff, v2  }
0xbc: {  	v3 =	vpack.i.f32.bf16 v43, v3;
	v2 =	vld.idx.msk [tilespmem:v0+s23+$0x320 ss:$0x1], $0xffff  }
0xbd: {  	v44 =	vld.idx.msk [tilespmem:v0+s23+$0x3A0 ss:$0x1], $0xffff;
	[tilespmem:v1+s26+$0x190 ss:$0x1] =	vst.idx.msk $0xffff, v3  }
0xbe: {  	v3 =	vld.idx.msk [tilespmem:v0+s24+$0x320 ss:$0x1], $0xffff  }
0xbf: {  	v45 =	vld.idx.msk [tilespmem:v0+s24+$0x3A0 ss:$0x1], $0xffff;
	_ =	sdelay $0x2  }
0xc0: {  	v2 =	vpack.i.f32.bf16 v44, v2  }
0xc1: {  	[tilespmem:v1+s25+$0x1A0 ss:$0x1] =	vst.idx.msk $0xffff, v2  }
0xc2: {  	v3 =	vpack.i.f32.bf16 v45, v3;
	v2 =	vld.idx.msk [tilespmem:v0+s23+$0x330 ss:$0x1], $0xffff  }
0xc3: {  	v46 =	vld.idx.msk [tilespmem:v0+s23+$0x3B0 ss:$0x1], $0xffff;
	[tilespmem:v1+s26+$0x1A0 ss:$0x1] =	vst.idx.msk $0xffff, v3  }
0xc4: {  	v3 =	vld.idx.msk [tilespmem:v0+s24+$0x330 ss:$0x1], $0xffff  }
0xc5: {  	v47 =	vld.idx.msk [tilespmem:v0+s24+$0x3B0 ss:$0x1], $0xffff;
	_ =	sdelay $0x2  }
0xc6: {  	v2 =	vpack.i.f32.bf16 v46, v2  }
0xc7: {  	[tilespmem:v1+s25+$0x1B0 ss:$0x1] =	vst.idx.msk $0xffff, v2  }
0xc8: {  	v3 =	vpack.i.f32.bf16 v47, v3;
	v2 =	vld.idx.msk [tilespmem:v0+s23+$0x340 ss:$0x1], $0xffff  }
0xc9: {  	v48 =	vld.idx.msk [tilespmem:v0+s23+$0x3C0 ss:$0x1], $0xffff;
	[tilespmem:v1+s26+$0x1B0 ss:$0x1] =	vst.idx.msk $0xffff, v3  }
0xca: {  	v3 =	vld.idx.msk [tilespmem:v0+s24+$0x340 ss:$0x1], $0xffff  }
0xcb: {  	v49 =	vld.idx.msk [tilespmem:v0+s24+$0x3C0 ss:$0x1], $0xffff;
	_ =	sdelay $0x2  }
0xcc: {  	v2 =	vpack.i.f32.bf16 v48, v2  }
0xcd: {  	[tilespmem:v1+s25+$0x1C0 ss:$0x1] =	vst.idx.msk $0xffff, v2  }
0xce: {  	v3 =	vpack.i.f32.bf16 v49, v3;
	v2 =	vld.idx.msk [tilespmem:v0+s23+$0x350 ss:$0x1], $0xffff  }
0xcf: {  	v50 =	vld.idx.msk [tilespmem:v0+s23+$0x3D0 ss:$0x1], $0xffff;
	[tilespmem:v1+s26+$0x1C0 ss:$0x1] =	vst.idx.msk $0xffff, v3  }
0xd0: {  	v3 =	vld.idx.msk [tilespmem:v0+s24+$0x350 ss:$0x1], $0xffff  }
0xd1: {  	v51 =	vld.idx.msk [tilespmem:v0+s24+$0x3D0 ss:$0x1], $0xffff;
	_ =	sdelay $0x2  }
0xd2: {  	v2 =	vpack.i.f32.bf16 v50, v2  }
0xd3: {  	[tilespmem:v1+s25+$0x1D0 ss:$0x1] =	vst.idx.msk $0xffff, v2  }
0xd4: {  	v3 =	vpack.i.f32.bf16 v51, v3;
	v2 =	vld.idx.msk [tilespmem:v0+s23+$0x360 ss:$0x1], $0xffff  }
0xd5: {  	v52 =	vld.idx.msk [tilespmem:v0+s23+$0x3E0 ss:$0x1], $0xffff;
	[tilespmem:v1+s26+$0x1D0 ss:$0x1] =	vst.idx.msk $0xffff, v3  }
0xd6: {  	v3 =	vld.idx.msk [tilespmem:v0+s24+$0x360 ss:$0x1], $0xffff  }
0xd7: {  	v53 =	vld.idx.msk [tilespmem:v0+s24+$0x3E0 ss:$0x1], $0xffff;
	_ =	sdelay $0x2  }
0xd8: {  	v2 =	vpack.i.f32.bf16 v52, v2  }
0xd9: {  	[tilespmem:v1+s25+$0x1E0 ss:$0x1] =	vst.idx.msk $0xffff, v2  }
0xda: {  	v3 =	vpack.i.f32.bf16 v53, v3;
	v2 =	vld.idx.msk [tilespmem:v0+s23+$0x370 ss:$0x1], $0xffff  }
0xdb: {  	v54 =	vld.idx.msk [tilespmem:v0+s23+$0x3F0 ss:$0x1], $0xffff;
	[tilespmem:v1+s26+$0x1E0 ss:$0x1] =	vst.idx.msk $0xffff, v3  }
0xdc: {  	v3 =	vld.idx.msk [tilespmem:v0+s24+$0x370 ss:$0x1], $0xffff  }
0xdd: {  	v55 =	vld.idx.msk [tilespmem:v0+s24+$0x3F0 ss:$0x1], $0xffff;
	_ =	sdelay $0x2  }
0xde: {  	v2 =	vpack.i.f32.bf16 v54, v2  }
0xdf: {  	[tilespmem:v1+s25+$0x1F0 ss:$0x1] =	vst.idx.msk $0xffff, v2  }
0xe0: {  	v3 =	vpack.i.f32.bf16 v55, v3;
	v2 =	vld.idx.msk [tilespmem:v0+s23+$0x400 ss:$0x1], $0xffff  }
0xe1: {  	v56 =	vld.idx.msk [tilespmem:v0+s23+$0x480 ss:$0x1], $0xffff;
	[tilespmem:v1+s26+$0x1F0 ss:$0x1] =	vst.idx.msk $0xffff, v3  }
0xe2: {  	v3 =	vld.idx.msk [tilespmem:v0+s24+$0x400 ss:$0x1], $0xffff  }
0xe3: {  	v57 =	vld.idx.msk [tilespmem:v0+s24+$0x480 ss:$0x1], $0xffff;
	_ =	sdelay $0x2  }
0xe4: {  	v2 =	vpack.i.f32.bf16 v56, v2  }
0xe5: {  	[tilespmem:v1+s25+$0x200 ss:$0x1] =	vst.idx.msk $0xffff, v2  }
0xe6: {  	v3 =	vpack.i.f32.bf16 v57, v3;
	v2 =	vld.idx.msk [tilespmem:v0+s23+$0x410 ss:$0x1], $0xffff  }
0xe7: {  	v58 =	vld.idx.msk [tilespmem:v0+s23+$0x490 ss:$0x1], $0xffff;
	[tilespmem:v1+s26+$0x200 ss:$0x1] =	vst.idx.msk $0xffff, v3  }
0xe8: {  	v3 =	vld.idx.msk [tilespmem:v0+s24+$0x410 ss:$0x1], $0xffff  }
0xe9: {  	v59 =	vld.idx.msk [tilespmem:v0+s24+$0x490 ss:$0x1], $0xffff;
	_ =	sdelay $0x2  }
0xea: {  	v2 =	vpack.i.f32.bf16 v58, v2  }
0xeb: {  	[tilespmem:v1+s25+$0x210 ss:$0x1] =	vst.idx.msk $0xffff, v2  }
0xec: {  	v3 =	vpack.i.f32.bf16 v59, v3;
	v2 =	vld.idx.msk [tilespmem:v0+s23+$0x420 ss:$0x1], $0xffff  }
0xed: {  	v60 =	vld.idx.msk [tilespmem:v0+s23+$0x4A0 ss:$0x1], $0xffff;
	[tilespmem:v1+s26+$0x210 ss:$0x1] =	vst.idx.msk $0xffff, v3  }
0xee: {  	v3 =	vld.idx.msk [tilespmem:v0+s24+$0x420 ss:$0x1], $0xffff  }
0xef: {  	v61 =	vld.idx.msk [tilespmem:v0+s24+$0x4A0 ss:$0x1], $0xffff;
	_ =	sdelay $0x2  }
0xf0: {  	v2 =	vpack.i.f32.bf16 v60, v2  }
0xf1: {  	[tilespmem:v1+s25+$0x220 ss:$0x1] =	vst.idx.msk $0xffff, v2  }
0xf2: {  	v3 =	vpack.i.f32.bf16 v61, v3;
	v2 =	vld.idx.msk [tilespmem:v0+s23+$0x430 ss:$0x1], $0xffff  }
0xf3: {  	v62 =	vld.idx.msk [tilespmem:v0+s23+$0x4B0 ss:$0x1], $0xffff;
	[tilespmem:v1+s26+$0x220 ss:$0x1] =	vst.idx.msk $0xffff, v3  }
0xf4: {  	v3 =	vld.idx.msk [tilespmem:v0+s24+$0x430 ss:$0x1], $0xffff  }
0xf5: {  	v63 =	vld.idx.msk [tilespmem:v0+s24+$0x4B0 ss:$0x1], $0xffff;
	_ =	sdelay $0x2  }
0xf6: {  	v2 =	vpack.i.f32.bf16 v62, v2  }
0xf7: {  	[tilespmem:v1+s25+$0x230 ss:$0x1] =	vst.idx.msk $0xffff, v2  }
0xf8: {  	v3 =	vpack.i.f32.bf16 v63, v3;
	v2 =	vld.idx.msk [tilespmem:v0+s23+$0x440 ss:$0x1], $0xffff  }
0xf9: {  	v8 =	vld.idx.msk [tilespmem:v0+s23+$0x4C0 ss:$0x1], $0xffff;
	[tilespmem:v1+s26+$0x230 ss:$0x1] =	vst.idx.msk $0xffff, v3  }
0xfa: {  	v3 =	vld.idx.msk [tilespmem:v0+s24+$0x440 ss:$0x1], $0xffff  }
0xfb: {  	v9 =	vld.idx.msk [tilespmem:v0+s24+$0x4C0 ss:$0x1], $0xffff;
	_ =	sdelay $0x2  }
0xfc: {  	v2 =	vpack.i.f32.bf16 v8, v2  }
0xfd: {  	[tilespmem:v1+s25+$0x240 ss:$0x1] =	vst.idx.msk $0xffff, v2  }
0xfe: {  	v3 =	vpack.i.f32.bf16 v9, v3;
	v2 =	vld.idx.msk [tilespmem:v0+s23+$0x450 ss:$0x1], $0xffff  }
0xff: {  	v10 =	vld.idx.msk [tilespmem:v0+s23+$0x4D0 ss:$0x1], $0xffff;
	[tilespmem:v1+s26+$0x240 ss:$0x1] =	vst.idx.msk $0xffff, v3  }
0x100: {  	v3 =	vld.idx.msk [tilespmem:v0+s24+$0x450 ss:$0x1], $0xffff  }
0x101: {  	v11 =	vld.idx.msk [tilespmem:v0+s24+$0x4D0 ss:$0x1], $0xffff;
	_ =	sdelay $0x2  }
0x102: {  	v2 =	vpack.i.f32.bf16 v10, v2  }
0x103: {  	[tilespmem:v1+s25+$0x250 ss:$0x1] =	vst.idx.msk $0xffff, v2  }
0x104: {  	v3 =	vpack.i.f32.bf16 v11, v3;
	v2 =	vld.idx.msk [tilespmem:v0+s23+$0x460 ss:$0x1], $0xffff  }
0x105: {  	v12 =	vld.idx.msk [tilespmem:v0+s23+$0x4E0 ss:$0x1], $0xffff;
	[tilespmem:v1+s26+$0x250 ss:$0x1] =	vst.idx.msk $0xffff, v3  }
0x106: {  	v3 =	vld.idx.msk [tilespmem:v0+s24+$0x460 ss:$0x1], $0xffff  }
0x107: {  	v13 =	vld.idx.msk [tilespmem:v0+s24+$0x4E0 ss:$0x1], $0xffff;
	_ =	sdelay $0x2  }
0x108: {  	v2 =	vpack.i.f32.bf16 v12, v2  }
0x109: {  	[tilespmem:v1+s25+$0x260 ss:$0x1] =	vst.idx.msk $0xffff, v2  }
0x10a: {  	v3 =	vpack.i.f32.bf16 v13, v3;
	v2 =	vld.idx.msk [tilespmem:v0+s23+$0x470 ss:$0x1], $0xffff  }
0x10b: {  	v14 =	vld.idx.msk [tilespmem:v0+s23+$0x4F0 ss:$0x1], $0xffff;
	[tilespmem:v1+s26+$0x260 ss:$0x1] =	vst.idx.msk $0xffff, v3  }
0x10c: {  	v3 =	vld.idx.msk [tilespmem:v0+s24+$0x470 ss:$0x1], $0xffff  }
0x10d: {  	v15 =	vld.idx.msk [tilespmem:v0+s24+$0x4F0 ss:$0x1], $0xffff;
	_ =	sdelay $0x2  }
0x10e: {  	v2 =	vpack.i.f32.bf16 v14, v2  }
0x10f: {  	[tilespmem:v1+s25+$0x270 ss:$0x1] =	vst.idx.msk $0xffff, v2  }
0x110: {  	v3 =	vpack.i.f32.bf16 v15, v3;
	v2 =	vld.idx.msk [tilespmem:v0+s23+$0x500 ss:$0x1], $0xffff  }
0x111: {  	v16 =	vld.idx.msk [tilespmem:v0+s23+$0x580 ss:$0x1], $0xffff;
	[tilespmem:v1+s26+$0x270 ss:$0x1] =	vst.idx.msk $0xffff, v3  }
0x112: {  	v3 =	vld.idx.msk [tilespmem:v0+s24+$0x500 ss:$0x1], $0xffff  }
0x113: {  	v17 =	vld.idx.msk [tilespmem:v0+s24+$0x580 ss:$0x1], $0xffff;
	_ =	sdelay $0x2  }
0x114: {  	v2 =	vpack.i.f32.bf16 v16, v2  }
0x115: {  	[tilespmem:v1+s25+$0x280 ss:$0x1] =	vst.idx.msk $0xffff, v2  }
0x116: {  	v3 =	vpack.i.f32.bf16 v17, v3;
	v2 =	vld.idx.msk [tilespmem:v0+s23+$0x510 ss:$0x1], $0xffff  }
0x117: {  	v18 =	vld.idx.msk [tilespmem:v0+s23+$0x590 ss:$0x1], $0xffff;
	[tilespmem:v1+s26+$0x280 ss:$0x1] =	vst.idx.msk $0xffff, v3  }
0x118: {  	v3 =	vld.idx.msk [tilespmem:v0+s24+$0x510 ss:$0x1], $0xffff  }
0x119: {  	v19 =	vld.idx.msk [tilespmem:v0+s24+$0x590 ss:$0x1], $0xffff;
	_ =	sdelay $0x2  }
0x11a: {  	v2 =	vpack.i.f32.bf16 v18, v2  }
0x11b: {  	[tilespmem:v1+s25+$0x290 ss:$0x1] =	vst.idx.msk $0xffff, v2  }
0x11c: {  	v3 =	vpack.i.f32.bf16 v19, v3;
	v2 =	vld.idx.msk [tilespmem:v0+s23+$0x520 ss:$0x1], $0xffff  }
0x11d: {  	v20 =	vld.idx.msk [tilespmem:v0+s23+$0x5A0 ss:$0x1], $0xffff;
	[tilespmem:v1+s26+$0x290 ss:$0x1] =	vst.idx.msk $0xffff, v3  }
0x11e: {  	v3 =	vld.idx.msk [tilespmem:v0+s24+$0x520 ss:$0x1], $0xffff  }
0x11f: {  	v21 =	vld.idx.msk [tilespmem:v0+s24+$0x5A0 ss:$0x1], $0xffff;
	_ =	sdelay $0x2  }
0x120: {  	v2 =	vpack.i.f32.bf16 v20, v2  }
0x121: {  	[tilespmem:v1+s25+$0x2A0 ss:$0x1] =	vst.idx.msk $0xffff, v2  }
0x122: {  	v3 =	vpack.i.f32.bf16 v21, v3;
	v2 =	vld.idx.msk [tilespmem:v0+s23+$0x530 ss:$0x1], $0xffff  }
0x123: {  	v22 =	vld.idx.msk [tilespmem:v0+s23+$0x5B0 ss:$0x1], $0xffff;
	[tilespmem:v1+s26+$0x2A0 ss:$0x1] =	vst.idx.msk $0xffff, v3  }
0x124: {  	v3 =	vld.idx.msk [tilespmem:v0+s24+$0x530 ss:$0x1], $0xffff  }
0x125: {  	v23 =	vld.idx.msk [tilespmem:v0+s24+$0x5B0 ss:$0x1], $0xffff;
	_ =	sdelay $0x2  }
0x126: {  	v2 =	vpack.i.f32.bf16 v22, v2  }
0x127: {  	[tilespmem:v1+s25+$0x2B0 ss:$0x1] =	vst.idx.msk $0xffff, v2  }
0x128: {  	v3 =	vpack.i.f32.bf16 v23, v3;
	v2 =	vld.idx.msk [tilespmem:v0+s23+$0x540 ss:$0x1], $0xffff  }
0x129: {  	v24 =	vld.idx.msk [tilespmem:v0+s23+$0x5C0 ss:$0x1], $0xffff;
	[tilespmem:v1+s26+$0x2B0 ss:$0x1] =	vst.idx.msk $0xffff, v3  }
0x12a: {  	v3 =	vld.idx.msk [tilespmem:v0+s24+$0x540 ss:$0x1], $0xffff  }
0x12b: {  	v25 =	vld.idx.msk [tilespmem:v0+s24+$0x5C0 ss:$0x1], $0xffff;
	_ =	sdelay $0x2  }
0x12c: {  	v2 =	vpack.i.f32.bf16 v24, v2  }
0x12d: {  	[tilespmem:v1+s25+$0x2C0 ss:$0x1] =	vst.idx.msk $0xffff, v2  }
0x12e: {  	v3 =	vpack.i.f32.bf16 v25, v3;
	v2 =	vld.idx.msk [tilespmem:v0+s23+$0x550 ss:$0x1], $0xffff  }
0x12f: {  	v26 =	vld.idx.msk [tilespmem:v0+s23+$0x5D0 ss:$0x1], $0xffff;
	[tilespmem:v1+s26+$0x2C0 ss:$0x1] =	vst.idx.msk $0xffff, v3  }
0x130: {  	v3 =	vld.idx.msk [tilespmem:v0+s24+$0x550 ss:$0x1], $0xffff  }
0x131: {  	v27 =	vld.idx.msk [tilespmem:v0+s24+$0x5D0 ss:$0x1], $0xffff;
	_ =	sdelay $0x2  }
0x132: {  	v2 =	vpack.i.f32.bf16 v26, v2  }
0x133: {  	[tilespmem:v1+s25+$0x2D0 ss:$0x1] =	vst.idx.msk $0xffff, v2  }
0x134: {  	v3 =	vpack.i.f32.bf16 v27, v3;
	v2 =	vld.idx.msk [tilespmem:v0+s23+$0x560 ss:$0x1], $0xffff  }
0x135: {  	v28 =	vld.idx.msk [tilespmem:v0+s23+$0x5E0 ss:$0x1], $0xffff;
	[tilespmem:v1+s26+$0x2D0 ss:$0x1] =	vst.idx.msk $0xffff, v3  }
0x136: {  	v3 =	vld.idx.msk [tilespmem:v0+s24+$0x560 ss:$0x1], $0xffff  }
0x137: {  	v29 =	vld.idx.msk [tilespmem:v0+s24+$0x5E0 ss:$0x1], $0xffff;
	_ =	sdelay $0x2  }
0x138: {  	v2 =	vpack.i.f32.bf16 v28, v2  }
0x139: {  	[tilespmem:v1+s25+$0x2E0 ss:$0x1] =	vst.idx.msk $0xffff, v2  }
0x13a: {  	v3 =	vpack.i.f32.bf16 v29, v3;
	v2 =	vld.idx.msk [tilespmem:v0+s23+$0x570 ss:$0x1], $0xffff  }
0x13b: {  	v30 =	vld.idx.msk [tilespmem:v0+s23+$0x5F0 ss:$0x1], $0xffff;
	[tilespmem:v1+s26+$0x2E0 ss:$0x1] =	vst.idx.msk $0xffff, v3  }
0x13c: {  	v3 =	vld.idx.msk [tilespmem:v0+s24+$0x570 ss:$0x1], $0xffff  }
0x13d: {  	v31 =	vld.idx.msk [tilespmem:v0+s24+$0x5F0 ss:$0x1], $0xffff;
	_ =	sdelay $0x2  }
0x13e: {  	v2 =	vpack.i.f32.bf16 v30, v2  }
0x13f: {  	[tilespmem:v1+s25+$0x2F0 ss:$0x1] =	vst.idx.msk $0xffff, v2  }
0x140: {  	v3 =	vpack.i.f32.bf16 v31, v3;
	v2 =	vld.idx.msk [tilespmem:v0+s23+$0x600 ss:$0x1], $0xffff  }
0x141: {  	v32 =	vld.idx.msk [tilespmem:v0+s23+$0x680 ss:$0x1], $0xffff;
	[tilespmem:v1+s26+$0x2F0 ss:$0x1] =	vst.idx.msk $0xffff, v3  }
0x142: {  	v3 =	vld.idx.msk [tilespmem:v0+s24+$0x600 ss:$0x1], $0xffff  }
0x143: {  	v33 =	vld.idx.msk [tilespmem:v0+s24+$0x680 ss:$0x1], $0xffff;
	_ =	sdelay $0x2  }
0x144: {  	v2 =	vpack.i.f32.bf16 v32, v2  }
0x145: {  	[tilespmem:v1+s25+$0x300 ss:$0x1] =	vst.idx.msk $0xffff, v2  }
0x146: {  	v3 =	vpack.i.f32.bf16 v33, v3;
	v2 =	vld.idx.msk [tilespmem:v0+s23+$0x610 ss:$0x1], $0xffff  }
0x147: {  	v34 =	vld.idx.msk [tilespmem:v0+s23+$0x690 ss:$0x1], $0xffff;
	[tilespmem:v1+s26+$0x300 ss:$0x1] =	vst.idx.msk $0xffff, v3  }
0x148: {  	v3 =	vld.idx.msk [tilespmem:v0+s24+$0x610 ss:$0x1], $0xffff  }
0x149: {  	v35 =	vld.idx.msk [tilespmem:v0+s24+$0x690 ss:$0x1], $0xffff;
	_ =	sdelay $0x2  }
0x14a: {  	v2 =	vpack.i.f32.bf16 v34, v2  }
0x14b: {  	[tilespmem:v1+s25+$0x310 ss:$0x1] =	vst.idx.msk $0xffff, v2  }
0x14c: {  	v3 =	vpack.i.f32.bf16 v35, v3;
	v2 =	vld.idx.msk [tilespmem:v0+s23+$0x620 ss:$0x1], $0xffff  }
0x14d: {  	v36 =	vld.idx.msk [tilespmem:v0+s23+$0x6A0 ss:$0x1], $0xffff;
	[tilespmem:v1+s26+$0x310 ss:$0x1] =	vst.idx.msk $0xffff, v3  }
0x14e: {  	v3 =	vld.idx.msk [tilespmem:v0+s24+$0x620 ss:$0x1], $0xffff  }
0x14f: {  	v37 =	vld.idx.msk [tilespmem:v0+s24+$0x6A0 ss:$0x1], $0xffff;
	_ =	sdelay $0x2  }
0x150: {  	v2 =	vpack.i.f32.bf16 v36, v2  }
0x151: {  	[tilespmem:v1+s25+$0x320 ss:$0x1] =	vst.idx.msk $0xffff, v2  }
0x152: {  	v3 =	vpack.i.f32.bf16 v37, v3;
	v2 =	vld.idx.msk [tilespmem:v0+s23+$0x630 ss:$0x1], $0xffff  }
0x153: {  	v38 =	vld.idx.msk [tilespmem:v0+s23+$0x6B0 ss:$0x1], $0xffff;
	[tilespmem:v1+s26+$0x320 ss:$0x1] =	vst.idx.msk $0xffff, v3  }
0x154: {  	v3 =	vld.idx.msk [tilespmem:v0+s24+$0x630 ss:$0x1], $0xffff  }
0x155: {  	v39 =	vld.idx.msk [tilespmem:v0+s24+$0x6B0 ss:$0x1], $0xffff;
	_ =	sdelay $0x2  }
0x156: {  	v2 =	vpack.i.f32.bf16 v38, v2  }
0x157: {  	[tilespmem:v1+s25+$0x330 ss:$0x1] =	vst.idx.msk $0xffff, v2  }
0x158: {  	v3 =	vpack.i.f32.bf16 v39, v3;
	v2 =	vld.idx.msk [tilespmem:v0+s23+$0x640 ss:$0x1], $0xffff  }
0x159: {  	v40 =	vld.idx.msk [tilespmem:v0+s23+$0x6C0 ss:$0x1], $0xffff;
	[tilespmem:v1+s26+$0x330 ss:$0x1] =	vst.idx.msk $0xffff, v3  }
0x15a: {  	v3 =	vld.idx.msk [tilespmem:v0+s24+$0x640 ss:$0x1], $0xffff  }
0x15b: {  	v41 =	vld.idx.msk [tilespmem:v0+s24+$0x6C0 ss:$0x1], $0xffff;
	_ =	sdelay $0x2  }
0x15c: {  	v2 =	vpack.i.f32.bf16 v40, v2  }
0x15d: {  	[tilespmem:v1+s25+$0x340 ss:$0x1] =	vst.idx.msk $0xffff, v2  }
0x15e: {  	v3 =	vpack.i.f32.bf16 v41, v3;
	v2 =	vld.idx.msk [tilespmem:v0+s23+$0x650 ss:$0x1], $0xffff  }
0x15f: {  	v42 =	vld.idx.msk [tilespmem:v0+s23+$0x6D0 ss:$0x1], $0xffff;
	[tilespmem:v1+s26+$0x340 ss:$0x1] =	vst.idx.msk $0xffff, v3  }
0x160: {  	v3 =	vld.idx.msk [tilespmem:v0+s24+$0x650 ss:$0x1], $0xffff  }
0x161: {  	v43 =	vld.idx.msk [tilespmem:v0+s24+$0x6D0 ss:$0x1], $0xffff;
	_ =	sdelay $0x2  }
0x162: {  	v2 =	vpack.i.f32.bf16 v42, v2  }
0x163: {  	[tilespmem:v1+s25+$0x350 ss:$0x1] =	vst.idx.msk $0xffff, v2  }
0x164: {  	v3 =	vpack.i.f32.bf16 v43, v3;
	v2 =	vld.idx.msk [tilespmem:v0+s23+$0x660 ss:$0x1], $0xffff  }
0x165: {  	v44 =	vld.idx.msk [tilespmem:v0+s23+$0x6E0 ss:$0x1], $0xffff;
	[tilespmem:v1+s26+$0x350 ss:$0x1] =	vst.idx.msk $0xffff, v3  }
0x166: {  	v3 =	vld.idx.msk [tilespmem:v0+s24+$0x660 ss:$0x1], $0xffff  }
0x167: {  	v45 =	vld.idx.msk [tilespmem:v0+s24+$0x6E0 ss:$0x1], $0xffff;
	_ =	sdelay $0x2  }
0x168: {  	v2 =	vpack.i.f32.bf16 v44, v2  }
0x169: {  	[tilespmem:v1+s25+$0x360 ss:$0x1] =	vst.idx.msk $0xffff, v2  }
0x16a: {  	v3 =	vpack.i.f32.bf16 v45, v3;
	v2 =	vld.idx.msk [tilespmem:v0+s23+$0x670 ss:$0x1], $0xffff  }
0x16b: {  	v46 =	vld.idx.msk [tilespmem:v0+s23+$0x6F0 ss:$0x1], $0xffff;
	[tilespmem:v1+s26+$0x360 ss:$0x1] =	vst.idx.msk $0xffff, v3  }
0x16c: {  	v3 =	vld.idx.msk [tilespmem:v0+s24+$0x670 ss:$0x1], $0xffff  }
0x16d: {  	v47 =	vld.idx.msk [tilespmem:v0+s24+$0x6F0 ss:$0x1], $0xffff;
	_ =	sdelay $0x2  }
0x16e: {  	v2 =	vpack.i.f32.bf16 v46, v2  }
0x16f: {  	[tilespmem:v1+s25+$0x370 ss:$0x1] =	vst.idx.msk $0xffff, v2  }
0x170: {  	v3 =	vpack.i.f32.bf16 v47, v3;
	v2 =	vld.idx.msk [tilespmem:v0+s23+$0x700 ss:$0x1], $0xffff  }
0x171: {  	v48 =	vld.idx.msk [tilespmem:v0+s23+$0x780 ss:$0x1], $0xffff;
	[tilespmem:v1+s26+$0x370 ss:$0x1] =	vst.idx.msk $0xffff, v3  }
0x172: {  	v3 =	vld.idx.msk [tilespmem:v0+s24+$0x700 ss:$0x1], $0xffff  }
0x173: {  	v49 =	vld.idx.msk [tilespmem:v0+s24+$0x780 ss:$0x1], $0xffff;
	_ =	sdelay $0x2  }
0x174: {  	v2 =	vpack.i.f32.bf16 v48, v2  }
0x175: {  	[tilespmem:v1+s25+$0x380 ss:$0x1] =	vst.idx.msk $0xffff, v2  }
0x176: {  	v3 =	vpack.i.f32.bf16 v49, v3;
	v2 =	vld.idx.msk [tilespmem:v0+s23+$0x710 ss:$0x1], $0xffff  }
0x177: {  	v50 =	vld.idx.msk [tilespmem:v0+s23+$0x790 ss:$0x1], $0xffff;
	[tilespmem:v1+s26+$0x380 ss:$0x1] =	vst.idx.msk $0xffff, v3  }
0x178: {  	v3 =	vld.idx.msk [tilespmem:v0+s24+$0x710 ss:$0x1], $0xffff  }
0x179: {  	v51 =	vld.idx.msk [tilespmem:v0+s24+$0x790 ss:$0x1], $0xffff;
	_ =	sdelay $0x2  }
0x17a: {  	v2 =	vpack.i.f32.bf16 v50, v2  }
0x17b: {  	[tilespmem:v1+s25+$0x390 ss:$0x1] =	vst.idx.msk $0xffff, v2  }
0x17c: {  	v3 =	vpack.i.f32.bf16 v51, v3;
	v2 =	vld.idx.msk [tilespmem:v0+s23+$0x720 ss:$0x1], $0xffff  }
0x17d: {  	v52 =	vld.idx.msk [tilespmem:v0+s23+$0x7A0 ss:$0x1], $0xffff;
	[tilespmem:v1+s26+$0x390 ss:$0x1] =	vst.idx.msk $0xffff, v3  }
0x17e: {  	v3 =	vld.idx.msk [tilespmem:v0+s24+$0x720 ss:$0x1], $0xffff  }
0x17f: {  	v53 =	vld.idx.msk [tilespmem:v0+s24+$0x7A0 ss:$0x1], $0xffff;
	_ =	sdelay $0x2  }
0x180: {  	v2 =	vpack.i.f32.bf16 v52, v2  }
0x181: {  	[tilespmem:v1+s25+$0x3A0 ss:$0x1] =	vst.idx.msk $0xffff, v2  }
0x182: {  	v3 =	vpack.i.f32.bf16 v53, v3;
	v2 =	vld.idx.msk [tilespmem:v0+s23+$0x730 ss:$0x1], $0xffff  }
0x183: {  	v54 =	vld.idx.msk [tilespmem:v0+s23+$0x7B0 ss:$0x1], $0xffff;
	[tilespmem:v1+s26+$0x3A0 ss:$0x1] =	vst.idx.msk $0xffff, v3  }
0x184: {  	v3 =	vld.idx.msk [tilespmem:v0+s24+$0x730 ss:$0x1], $0xffff  }
0x185: {  	v55 =	vld.idx.msk [tilespmem:v0+s24+$0x7B0 ss:$0x1], $0xffff;
	_ =	sdelay $0x2  }
0x186: {  	v2 =	vpack.i.f32.bf16 v54, v2  }
0x187: {  	[tilespmem:v1+s25+$0x3B0 ss:$0x1] =	vst.idx.msk $0xffff, v2  }
0x188: {  	v3 =	vpack.i.f32.bf16 v55, v3;
	v2 =	vld.idx.msk [tilespmem:v0+s23+$0x740 ss:$0x1], $0xffff  }
0x189: {  	v56 =	vld.idx.msk [tilespmem:v0+s23+$0x7C0 ss:$0x1], $0xffff;
	[tilespmem:v1+s26+$0x3B0 ss:$0x1] =	vst.idx.msk $0xffff, v3  }
0x18a: {  	v3 =	vld.idx.msk [tilespmem:v0+s24+$0x740 ss:$0x1], $0xffff  }
0x18b: {  	v57 =	vld.idx.msk [tilespmem:v0+s24+$0x7C0 ss:$0x1], $0xffff;
	_ =	sdelay $0x2  }
0x18c: {  	v2 =	vpack.i.f32.bf16 v56, v2  }
0x18d: {  	[tilespmem:v1+s25+$0x3C0 ss:$0x1] =	vst.idx.msk $0xffff, v2  }
0x18e: {  	v3 =	vpack.i.f32.bf16 v57, v3;
	v2 =	vld.idx.msk [tilespmem:v0+s23+$0x750 ss:$0x1], $0xffff  }
0x18f: {  	v58 =	vld.idx.msk [tilespmem:v0+s23+$0x7D0 ss:$0x1], $0xffff;
	[tilespmem:v1+s26+$0x3C0 ss:$0x1] =	vst.idx.msk $0xffff, v3  }
0x190: {  	v3 =	vld.idx.msk [tilespmem:v0+s24+$0x750 ss:$0x1], $0xffff  }
0x191: {  	v59 =	vld.idx.msk [tilespmem:v0+s24+$0x7D0 ss:$0x1], $0xffff;
	_ =	sdelay $0x2  }
0x192: {  	v2 =	vpack.i.f32.bf16 v58, v2  }
0x193: {  	[tilespmem:v1+s25+$0x3D0 ss:$0x1] =	vst.idx.msk $0xffff, v2  }
0x194: {  	v3 =	vpack.i.f32.bf16 v59, v3;
	v2 =	vld.idx.msk [tilespmem:v0+s23+$0x760 ss:$0x1], $0xffff  }
0x195: {  	v60 =	vld.idx.msk [tilespmem:v0+s23+$0x7E0 ss:$0x1], $0xffff;
	[tilespmem:v1+s26+$0x3D0 ss:$0x1] =	vst.idx.msk $0xffff, v3  }
0x196: {  	v3 =	vld.idx.msk [tilespmem:v0+s24+$0x760 ss:$0x1], $0xffff  }
0x197: {  	v61 =	vld.idx.msk [tilespmem:v0+s24+$0x7E0 ss:$0x1], $0xffff;
	_ =	sdelay $0x2  }
0x198: {  	v2 =	vpack.i.f32.bf16 v60, v2  }
0x199: {  	[tilespmem:v1+s25+$0x3E0 ss:$0x1] =	vst.idx.msk $0xffff, v2  }
0x19a: {  	v3 =	vpack.i.f32.bf16 v61, v3;
	v2 =	vld.idx.msk [tilespmem:v0+s23+$0x770 ss:$0x1], $0xffff  }
0x19b: {  	v62 =	vld.idx.msk [tilespmem:v0+s23+$0x7F0 ss:$0x1], $0xffff;
	[tilespmem:v1+s26+$0x3E0 ss:$0x1] =	vst.idx.msk $0xffff, v3  }
0x19c: {  	v3 =	vld.idx.msk [tilespmem:v0+s24+$0x770 ss:$0x1], $0xffff  }
0x19d: {  	v63 =	vld.idx.msk [tilespmem:v0+s24+$0x7F0 ss:$0x1], $0xffff  }
0x19e: {  	p0 =	slt.u32 s22, $0x6  }
.Ltmp0:
0x19f: {  	_ = 	snop;
	(pc) =	sbr.rel @p0 .LBB2_3-.Ltmp0, $4  }
0x1a0: {  	_ = 	snop  }
0x1a1: {  	v2 =	vpack.i.f32.bf16 v62, v2  }
0x1a2: {  	s31 =	sadd.s32 $0x2, s22;
	[tilespmem:v1+s25+$0x3F0 ss:$0x1] =	vst.idx.msk $0xffff, v2;
	v2 =	vpack.i.f32.bf16 v63, v3  }
0x1a3: {  	s22 =	smov.u32 s31;
	[tilespmem:v1+s26+$0x3F0 ss:$0x1] =	vst.idx.msk $0xffff, v2  }
0x1a4: {  	s22 =	sshll.u32 s19, $0xE  }
0x1a5: {  	s22 =	sadd.s32 s6, s22  }
0x1a6: {  	s22 =	sshrl.u32 s22, $0x4  }
0x1a7: {  	p0 =	seq.s32 s19, $0x0;
	s22 =	sadd.s32 s3, s22  }
0x1a8: {  	[hbm4b:s22+s4] =	stream.linear.scatter [tilespmem:s21], [sflag:$0x2], $0x2000, $0x38;
	[tilespmem:$0x1E400] =	vst v63  }
0x1a9: {  	s21 =	simm.s32 @!p0 $0x2  }
0x1aa: {  	p1 =	sgt.u32 @!p0 s19, $0xC3;
	_ =	swait.ge @!p0 [sflag:s21], $0x2000  }
0x1ab: {  	p1 =	por p0, !p1;
	[sflag:s21] =	ssyncset.done @!p0 $0x0  }
0x1ac: {  	[sflag:s21] =	ssyncadd.s32 @!p0 $0xFFFFE000;
	s21 =	sshll.u32 @p1 s19, $0x7;
	s19 =	sadd.s32 $0x1, s19  }
0x1ad: {  	p0 =	sne.s32 s19, $0xC8  }
.Ltmp1:
0x1ae: {  	_ = 	snop;
	(pc) =	sbr.rel @p0 .LBB2_2-.Ltmp1, $4  }
0x1af: {  	_ = 	snop  }
0x1b0: {  	s21 =	sand.u32 @p1 $0x3FFFFF80, s21  }
0x1b1: {  	s21 =	sadd.s32 @p1 $0x200, s21  }
0x1b2: {  	[tilespmem:s20], [sflag:$0x1] =	stream.indirect.gather @p1 [hbm4b:s1+s9], $0x80, s21, s9, $0xb8;
	[tilespmem:$0x1E400] =	vst v63  }
0x1b3: {  	s18 =	sadd.s32 $0x1, s18  }
0x1b4: {  	p0 =	sne.s32 s18, s7  }
.Ltmp2:
0x1b5: {  	_ = 	snop;
	(pc) =	sbr.rel @p0 .LBB2_1-.Ltmp2, $4  }
0x1b6: {  	_ = 	snop  }
0x1b7: {  	_ =	swait.ge [sflag:s17], $0x2000  }
0x1b8: {  	[sflag:s17] =	ssyncset.done $0x0  }
0x1b9: {  	[sflag:s17] =	ssyncadd.s32 $0xFFFFE000  }
0x1ba: {  	_ =	sfence.sel $0x180000  }
0x1bb: {  	[bflag:$0x0] =	sbarrier.arrive $0xFFFF  }
0x1bc: {  	p0 =	sne.s32 s0, $0x0;
	_ =	strace $0x90000047  }
0x1bd: {  	s0 =	sadd.s32 @!p0 $0x100000, s2;
	[bflag:$0x2] =	sbarrier.arrive $0xFFFF  }
0x1be: {  	[sflag:s0] =	ssyncadd.tile.s32 @!p0 $0x1;
	_ =	shalt  }
.Lfunc_end2:
_tile_overlayer_lowered:
.L_overlay_start_2:
0x1bf: {  	(tag) =	ssettag $0x2  }
0x1c0: {  	s0 =	rddreg [dreg:$0x0];
	s2 =	stileid.u32  }
0x1c1: {  	s1 =	rddreg [dreg:$0x1];
	p0 =	sne.s32 s2, $0x0  }
0x1c2: {  	s3 =	rddreg [dreg:$0x2];
	[bflag:$0x3] =	sbarrier.arrive $0xFFFF;
	s2 =	simm.s32 @!p0 $0x1C03  }
0x1c3: {  	[timem:s3], [sflag:s2] =	dma.local @!p0 [hbm:s0], s1  }
0x1c4: {  	s0 =	simm.s32 @!p0 $0x3  }
0x1c5: {  	_ =	swait.ge @!p0 [sflag:s0], s1  }
0x1c6: {  	s1 =	ssub.s32 @!p0 $0x0, s1;
	[sflag:s0] =	ssyncset.done @!p0 $0x0  }
0x1c7: {  	[sflag:s0] =	ssyncadd.s32 @!p0 s1  }
0x1c8: {  	[bflag:$0x3] =	sbarrier.arrive $0xFFFF  }
0x1c9: {  	_ =	shalt  }

</sc_bundles>
